<compile_context>
chip_gen: v7x
topology: tpu7x:2x2x1
jax: 0.10.2.dev20260603
libtpu: 0.0.44.dev20260713+nightly
codegen_flags: <defaults>
</compile_context>

<pallas_src>
import functools

import jax
import jax.numpy as jnp
from jax import lax
from jax.experimental import pallas as pl
from jax.experimental.pallas import tpu as pltpu
from jax.experimental.pallas import tpu_sc as plsc

V = 100000
A = 1024
D = 64
B = 4096
S = 200
NTOK = B * S
NC = 2
NS = 16
NW = NC * NS
TOK_PER_W = NTOK // NW

IDX_W = 128
IDX_ROWS_W = TOK_PER_W // IDX_W
UNIT = 640
GPU_ = UNIT // IDX_W
N_UNIT = TOK_PER_W // UNIT

FUS_PER_S = A // NS
MAIN_CHUNK = 400
MAIN_NCH = V // MAIN_CHUNK

_mesh = plsc.VectorSubcoreMesh(core_axis_name="c", subcore_axis_name="s")


@functools.partial(
    pl.kernel,
    mesh=_mesh,
    out_type=(
        jax.ShapeDtypeStruct((NTOK, D), jnp.float32),
        jax.ShapeDtypeStruct((V + A, D), jnp.float32),
    ),
    compiler_params=pltpu.CompilerParams(use_tc_tiling_on_sc=False),
    scratch_types=[
        pltpu.VMEM((2, UNIT, D), jnp.float32),
        pltpu.VMEM((IDX_ROWS_W, IDX_W), jnp.int32),
        pltpu.SemaphoreType.DMA,
        pltpu.SemaphoreType.DMA,
        pltpu.SemaphoreType.DMA,
        pltpu.SemaphoreType.DMA,
        pltpu.SemaphoreType.DMA,
    ],
)
def _fused(main_hbm, fus_hbm, idx_hbm, out_hbm, tab_hbm, buf, idx_v,
           lsem0, lsem1, ssem0, ssem1, gsem):
    c = lax.axis_index("c")
    s = lax.axis_index("s")
    w = s * NC + c
    lsems = (lsem0, lsem1)
    ssems = (ssem0, ssem1)
    tab = tab_hbm

    loads = [None, None]
    stores = [None, None]
    for t in range(15):
        b = t % 2
        r0 = pl.multiple_of((t * NS + s) * MAIN_CHUNK, 8)
        if stores[b] is not None:
            stores[b].wait()
        loads[b] = pltpu.async_copy(
            main_hbm.at[pl.ds(r0, MAIN_CHUNK)], buf.at[b, pl.ds(0, MAIN_CHUNK)], lsems[b]
        )
        loads[b].wait()
        stores[b] = pltpu.async_copy(
            buf.at[b, pl.ds(0, MAIN_CHUNK)], tab.at[pl.ds(r0, MAIN_CHUNK)], ssems[b]
        )
    stores[0].wait()
    stores[1].wait()
    @pl.when(s < MAIN_NCH - 15 * NS)
    def _():
        r0 = pl.multiple_of((15 * NS + s) * MAIN_CHUNK, 8)
        pltpu.sync_copy(main_hbm.at[pl.ds(r0, MAIN_CHUNK)], buf.at[0, pl.ds(0, MAIN_CHUNK)])
        pltpu.sync_copy(buf.at[0, pl.ds(0, MAIN_CHUNK)], tab.at[pl.ds(r0, MAIN_CHUNK)])
    f0 = pl.multiple_of(s * FUS_PER_S, 8)
    pltpu.sync_copy(fus_hbm.at[pl.ds(f0, FUS_PER_S)], buf.at[1, pl.ds(0, FUS_PER_S)])
    pltpu.sync_copy(
        buf.at[1, pl.ds(0, FUS_PER_S)],
        tab.at[pl.ds(pl.multiple_of(V + s * FUS_PER_S, 8), FUS_PER_S)],
    )

    plsc.subcore_barrier()

    base = w * TOK_PER_W
    pltpu.sync_copy(
        idx_hbm.at[pl.ds(pl.multiple_of(w * IDX_ROWS_W, 8), IDX_ROWS_W)], idx_v
    )
    osems = (ssem0, ssem1)

    def pair(i, _):
        for b in range(2):
            u = 2 * i + b
            @pl.when(i >= 1)
            def _():
                pltpu.make_async_copy(
                    buf.at[b], out_hbm.at[pl.ds(0, UNIT)], osems[b]
                ).wait()

            copies = [
                pltpu.async_copy(
                    tab.at[idx_v.at[u * GPU_ + j]],
                    buf.at[b, pl.ds(j * IDX_W, IDX_W)],
                    gsem,
                )
                for j in range(GPU_)
            ]
            for cp in copies:
                cp.wait()
            t0 = pl.multiple_of(base + u * UNIT, 8)
            pltpu.async_copy(buf.at[b], out_hbm.at[pl.ds(t0, UNIT)], osems[b])
        return _

    lax.fori_loop(0, N_UNIT // 2, pair, None)
    for b in range(2):
        pltpu.make_async_copy(buf.at[b], out_hbm.at[pl.ds(0, UNIT)], osems[b]).wait()


def kernel(input, embedding_weight, fusion_weight):
    idx = input.reshape(NTOK // IDX_W, IDX_W).astype(jnp.int32)
    out, _table = _fused(embedding_weight, fusion_weight, idx)
    return out.reshape(B, S, D)

# --- scband reference (transcript-rebuilt; emitter-appended) ---
"""Pipeline reference for scband-fusion-embedding-7851200217450 (READ-ONLY COPY).

The authoritative reference and input builder live on the scoring server;
editing this copy changes nothing except your own understanding.
"""

import jax, jax.numpy as jnp
import numpy as np

VOCAB_SIZE = 100000
ADDITIONAL_TOKENS = 1024
EMBED_DIM = 64
BATCH = 4096
SEQ_LEN = 200


def setup_inputs(seed: int = 0) -> dict:
    key = jax.random.key(seed)
    k1, k2, k3 = jax.random.split(key, 3)
    inp = jax.random.randint(k1, (BATCH, SEQ_LEN), 0, VOCAB_SIZE + ADDITIONAL_TOKENS)
    embedding_weight = jax.random.normal(k2, (VOCAB_SIZE, EMBED_DIM), dtype=jnp.float32) * 0.02
    fusion_weight = jax.random.normal(k3, (ADDITIONAL_TOKENS, EMBED_DIM), dtype=jnp.float32) * 0.02
    return {"input": inp, "embedding_weight": embedding_weight, "fusion_weight": fusion_weight}


def reference(input, embedding_weight, fusion_weight):
    # mask: True where token belongs to the frozen main vocabulary
    mask = input < VOCAB_SIZE
    # route token ids to the appropriate table (clamp out-of-range ids to 0;
    # those rows are discarded by the final where, matching masked_scatter_ routing)
    main_idx = jnp.where(mask, input, 0)
    fusion_idx = jnp.where(mask, 0, input - VOCAB_SIZE)
    main_embeds = jnp.take(embedding_weight, main_idx, axis=0)
    fusion_embeds = jnp.take(fusion_weight, fusion_idx, axis=0)
    out = jnp.where(mask[..., None], main_embeds, fusion_embeds)
    return out

if __name__ == "__main__":
    import jax
    _d = setup_inputs()
    print(jax.jit(kernel)(*tuple(_d.values())))

</pallas_src>

<mosaic_0001>
#map = affine_map<(d0, d1) -> (0, 0)>
module attributes {stable_mosaic.version = 14 : i64} {
  func.func @_fused(%arg0: i32, %arg1: i32, %arg2: memref<100000x64xf32, #tpu.memory_space<hbm>>, %arg3: memref<1024x64xf32, #tpu.memory_space<hbm>>, %arg4: memref<6400x128xi32, #tpu.memory_space<hbm>>, %arg5: memref<819200x64xf32, #tpu.memory_space<hbm>>, %arg6: memref<101024x64xf32, #tpu.memory_space<hbm>>, %arg7: memref<2x640x64xf32, #tpu.memory_space<vmem>>, %arg8: memref<200x128xi32, #tpu.memory_space<vmem>>, %arg9: memref<!tpu.dma_semaphore, #tpu.memory_space<semaphore_mem>>, %arg10: memref<!tpu.dma_semaphore, #tpu.memory_space<semaphore_mem>>, %arg11: memref<!tpu.dma_semaphore, #tpu.memory_space<semaphore_mem>>, %arg12: memref<!tpu.dma_semaphore, #tpu.memory_space<semaphore_mem>>, %arg13: memref<!tpu.dma_semaphore, #tpu.memory_space<semaphore_mem>>) attributes {dimension_semantics = [#tpu.dimension_semantics<core_parallel>, #tpu.dimension_semantics<subcore_parallel>], iteration_bounds = array<i64: 2, 16>, scalar_prefetch = 0 : i64, scratch_operands = 7 : i64, tpu.core_type = #tpu.core_type<sc_vector_subcore>, window_params = [{transform_indices = #map}, {transform_indices = #map}, {transform_indices = #map}, {transform_indices = #map}, {transform_indices = #map}]} {
    %mul3A = arith.constant 2 : i32
    %mul3A_0 = arith.muli %arg1, %mul3A : i32
    %add3A = arith.addi %mul3A_0, %arg0 : i32
    %add3A_1 = arith.constant 0 : i32
    %add3A_2 = arith.addi %add3A_1, %arg1 : i32
    %mul3A_3 = arith.constant 400 : i32
    %mul3A_4 = arith.muli %add3A_2, %mul3A_3 : i32
    %multiple_of3A = tpu.assume_multiple %mul3A_4, 8 : i32
    %dma_start3A = arith.constant 0 : i32
    %dma_start3A_5 = arith.constant 0 : i32
    %dma_start3A_6 = arith.constant 0 : i32
    %dma_start3A_7 = tpu.memref_slice %arg7[%dma_start3A, %dma_start3A_5, %dma_start3A_6] : memref<2x640x64xf32, #tpu.memory_space<vmem>> -> memref<1x400x64xf32, #tpu.memory_space<vmem>>
    %dma_start3A_8 = tpu.memref_squeeze %dma_start3A_7 : memref<1x400x64xf32, #tpu.memory_space<vmem>> -> memref<400x64xf32, #tpu.memory_space<vmem>>
    %dma_start3A_9 = arith.constant 0 : i32
    %dma_start3A_10 = tpu.memref_slice %arg2[%multiple_of3A, %dma_start3A_9] : memref<100000x64xf32, #tpu.memory_space<hbm>> -> memref<400x64xf32, #tpu.memory_space<hbm>>
    %dma_start3A_11 = arith.constant 0 : i32
    %dma_start3A_12 = arith.constant 0 : i32
    %dma_start3A_13 = tpu.memref_slice %arg7[%dma_start3A, %dma_start3A_11, %dma_start3A_12] : memref<2x640x64xf32, #tpu.memory_space<vmem>> -> memref<1x400x64xf32, #tpu.memory_space<vmem>>
    %dma_start3A_14 = tpu.memref_squeeze %dma_start3A_13 : memref<1x400x64xf32, #tpu.memory_space<vmem>> -> memref<400x64xf32, #tpu.memory_space<vmem>>
    %dma_start3A_15 = arith.constant 0 : i32
    %dma_start3A_16 = tpu.memref_slice %arg2[%multiple_of3A, %dma_start3A_15] : memref<100000x64xf32, #tpu.memory_space<hbm>> -> memref<400x64xf32, #tpu.memory_space<hbm>>
    tpu.enqueue_dma source(%dma_start3A_16 : memref<400x64xf32, #tpu.memory_space<hbm>>) target(%dma_start3A_14 : memref<400x64xf32, #tpu.memory_space<vmem>>) target_semaphore(%arg9 : memref<!tpu.dma_semaphore, #tpu.memory_space<semaphore_mem>>)
    %dma_wait3A = arith.constant 0 : i32
    %dma_wait3A_17 = arith.constant 0 : i32
    %dma_wait3A_18 = arith.constant 0 : i32
    %dma_wait3A_19 = tpu.memref_slice %arg7[%dma_wait3A, %dma_wait3A_17, %dma_wait3A_18] : memref<2x640x64xf32, #tpu.memory_space<vmem>> -> memref<1x400x64xf32, #tpu.memory_space<vmem>>
    %dma_wait3A_20 = tpu.memref_squeeze %dma_wait3A_19 : memref<1x400x64xf32, #tpu.memory_space<vmem>> -> memref<400x64xf32, #tpu.memory_space<vmem>>
    %dma_wait3A_21 = arith.constant 0 : i32
    %dma_wait3A_22 = tpu.memref_slice %arg2[%multiple_of3A, %dma_wait3A_21] : memref<100000x64xf32, #tpu.memory_space<hbm>> -> memref<400x64xf32, #tpu.memory_space<hbm>>
    %dma_wait3A_23 = arith.constant 0 : i32
    %dma_wait3A_24 = arith.constant 0 : i32
    %dma_wait3A_25 = tpu.memref_slice %arg7[%dma_wait3A, %dma_wait3A_23, %dma_wait3A_24] : memref<2x640x64xf32, #tpu.memory_space<vmem>> -> memref<1x400x64xf32, #tpu.memory_space<vmem>>
    %dma_wait3A_26 = tpu.memref_squeeze %dma_wait3A_25 : memref<1x400x64xf32, #tpu.memory_space<vmem>> -> memref<400x64xf32, #tpu.memory_space<vmem>>
    %dma_wait3A_27 = arith.constant 0 : i32
    %dma_wait3A_28 = tpu.memref_slice %arg2[%multiple_of3A, %dma_wait3A_27] : memref<100000x64xf32, #tpu.memory_space<hbm>> -> memref<400x64xf32, #tpu.memory_space<hbm>>
    tpu.wait_dma2 semaphore(%arg9 : memref<!tpu.dma_semaphore, #tpu.memory_space<semaphore_mem>>) src(%dma_wait3A_28 : memref<400x64xf32, #tpu.memory_space<hbm>>) dst(%dma_wait3A_26 : memref<400x64xf32, #tpu.memory_space<vmem>>)
    %dma_start3A_29 = arith.constant 0 : i32
    %dma_start3A_30 = arith.constant 0 : i32
    %dma_start3A_31 = arith.constant 0 : i32
    %dma_start3A_32 = tpu.memref_slice %arg7[%dma_start3A_29, %dma_start3A_30, %dma_start3A_31] : memref<2x640x64xf32, #tpu.memory_space<vmem>> -> memref<1x400x64xf32, #tpu.memory_space<vmem>>
    %dma_start3A_33 = tpu.memref_squeeze %dma_start3A_32 : memref<1x400x64xf32, #tpu.memory_space<vmem>> -> memref<400x64xf32, #tpu.memory_space<vmem>>
    %dma_start3A_34 = arith.constant 0 : i32
    %dma_start3A_35 = tpu.memref_slice %arg6[%multiple_of3A, %dma_start3A_34] : memref<101024x64xf32, #tpu.memory_space<hbm>> -> memref<400x64xf32, #tpu.memory_space<hbm>>
    %dma_start3A_36 = arith.constant 0 : i32
    %dma_start3A_37 = tpu.memref_slice %arg6[%multiple_of3A, %dma_start3A_36] : memref<101024x64xf32, #tpu.memory_space<hbm>> -> memref<400x64xf32, #tpu.memory_space<hbm>>
    %dma_start3A_38 = arith.constant 0 : i32
    %dma_start3A_39 = arith.constant 0 : i32
    %dma_start3A_40 = tpu.memref_slice %arg7[%dma_start3A_29, %dma_start3A_38, %dma_start3A_39] : memref<2x640x64xf32, #tpu.memory_space<vmem>> -> memref<1x400x64xf32, #tpu.memory_space<vmem>>
    %dma_start3A_41 = tpu.memref_squeeze %dma_start3A_40 : memref<1x400x64xf32, #tpu.memory_space<vmem>> -> memref<400x64xf32, #tpu.memory_space<vmem>>
    tpu.enqueue_dma source(%dma_start3A_41 : memref<400x64xf32, #tpu.memory_space<vmem>>) target(%dma_start3A_37 : memref<400x64xf32, #tpu.memory_space<hbm>>) target_semaphore(%arg11 : memref<!tpu.dma_semaphore, #tpu.memory_space<semaphore_mem>>)
    %add3A_42 = arith.constant 16 : i32
    %add3A_43 = arith.addi %add3A_42, %arg1 : i32
    %mul3A_44 = arith.constant 400 : i32
    %mul3A_45 = arith.muli %add3A_43, %mul3A_44 : i32
    %multiple_of3A_46 = tpu.assume_multiple %mul3A_45, 8 : i32
    %dma_start3A_47 = arith.constant 1 : i32
    %dma_start3A_48 = arith.constant 0 : i32
    %dma_start3A_49 = arith.constant 0 : i32
    %dma_start3A_50 = tpu.memref_slice %arg7[%dma_start3A_47, %dma_start3A_48, %dma_start3A_49] : memref<2x640x64xf32, #tpu.memory_space<vmem>> -> memref<1x400x64xf32, #tpu.memory_space<vmem>>
    %dma_start3A_51 = tpu.memref_squeeze %dma_start3A_50 : memref<1x400x64xf32, #tpu.memory_space<vmem>> -> memref<400x64xf32, #tpu.memory_space<vmem>>
    %dma_start3A_52 = arith.constant 0 : i32
    %dma_start3A_53 = tpu.memref_slice %arg2[%multiple_of3A_46, %dma_start3A_52] : memref<100000x64xf32, #tpu.memory_space<hbm>> -> memref<400x64xf32, #tpu.memory_space<hbm>>
    %dma_start3A_54 = arith.constant 0 : i32
    %dma_start3A_55 = arith.constant 0 : i32
    %dma_start3A_56 = tpu.memref_slice %arg7[%dma_start3A_47, %dma_start3A_54, %dma_start3A_55] : memref<2x640x64xf32, #tpu.memory_space<vmem>> -> memref<1x400x64xf32, #tpu.memory_space<vmem>>
    %dma_start3A_57 = tpu.memref_squeeze %dma_start3A_56 : memref<1x400x64xf32, #tpu.memory_space<vmem>> -> memref<400x64xf32, #tpu.memory_space<vmem>>
    %dma_start3A_58 = arith.constant 0 : i32
    %dma_start3A_59 = tpu.memref_slice %arg2[%multiple_of3A_46, %dma_start3A_58] : memref<100000x64xf32, #tpu.memory_space<hbm>> -> memref<400x64xf32, #tpu.memory_space<hbm>>
    tpu.enqueue_dma source(%dma_start3A_59 : memref<400x64xf32, #tpu.memory_space<hbm>>) target(%dma_start3A_57 : memref<400x64xf32, #tpu.memory_space<vmem>>) target_semaphore(%arg10 : memref<!tpu.dma_semaphore, #tpu.memory_space<semaphore_mem>>)
    %dma_wait3A_60 = arith.constant 1 : i32
    %dma_wait3A_61 = arith.constant 0 : i32
    %dma_wait3A_62 = arith.constant 0 : i32
    %dma_wait3A_63 = tpu.memref_slice %arg7[%dma_wait3A_60, %dma_wait3A_61, %dma_wait3A_62] : memref<2x640x64xf32, #tpu.memory_space<vmem>> -> memref<1x400x64xf32, #tpu.memory_space<vmem>>
    %dma_wait3A_64 = tpu.memref_squeeze %dma_wait3A_63 : memref<1x400x64xf32, #tpu.memory_space<vmem>> -> memref<400x64xf32, #tpu.memory_space<vmem>>
    %dma_wait3A_65 = arith.constant 0 : i32
    %dma_wait3A_66 = tpu.memref_slice %arg2[%multiple_of3A_46, %dma_wait3A_65] : memref<100000x64xf32, #tpu.memory_space<hbm>> -> memref<400x64xf32, #tpu.memory_space<hbm>>
    %dma_wait3A_67 = arith.constant 0 : i32
    %dma_wait3A_68 = arith.constant 0 : i32
    %dma_wait3A_69 = tpu.memref_slice %arg7[%dma_wait3A_60, %dma_wait3A_67, %dma_wait3A_68] : memref<2x640x64xf32, #tpu.memory_space<vmem>> -> memref<1x400x64xf32, #tpu.memory_space<vmem>>
    %dma_wait3A_70 = tpu.memref_squeeze %dma_wait3A_69 : memref<1x400x64xf32, #tpu.memory_space<vmem>> -> memref<400x64xf32, #tpu.memory_space<vmem>>
    %dma_wait3A_71 = arith.constant 0 : i32
    %dma_wait3A_72 = tpu.memref_slice %arg2[%multiple_of3A_46, %dma_wait3A_71] : memref<100000x64xf32, #tpu.memory_space<hbm>> -> memref<400x64xf32, #tpu.memory_space<hbm>>
    tpu.wait_dma2 semaphore(%arg10 : memref<!tpu.dma_semaphore, #tpu.memory_space<semaphore_mem>>) src(%dma_wait3A_72 : memref<400x64xf32, #tpu.memory_space<hbm>>) dst(%dma_wait3A_70 : memref<400x64xf32, #tpu.memory_space<vmem>>)
    %dma_start3A_73 = arith.constant 1 : i32
    %dma_start3A_74 = arith.constant 0 : i32
    %dma_start3A_75 = arith.constant 0 : i32
    %dma_start3A_76 = tpu.memref_slice %arg7[%dma_start3A_73, %dma_start3A_74, %dma_start3A_75] : memref<2x640x64xf32, #tpu.memory_space<vmem>> -> memref<1x400x64xf32, #tpu.memory_space<vmem>>
    %dma_start3A_77 = tpu.memref_squeeze %dma_start3A_76 : memref<1x400x64xf32, #tpu.memory_space<vmem>> -> memref<400x64xf32, #tpu.memory_space<vmem>>
    %dma_start3A_78 = arith.constant 0 : i32
    %dma_start3A_79 = tpu.memref_slice %arg6[%multiple_of3A_46, %dma_start3A_78] : memref<101024x64xf32, #tpu.memory_space<hbm>> -> memref<400x64xf32, #tpu.memory_space<hbm>>
    %dma_start3A_80 = arith.constant 0 : i32
    %dma_start3A_81 = tpu.memref_slice %arg6[%multiple_of3A_46, %dma_start3A_80] : memref<101024x64xf32, #tpu.memory_space<hbm>> -> memref<400x64xf32, #tpu.memory_space<hbm>>
    %dma_start3A_82 = arith.constant 0 : i32
    %dma_start3A_83 = arith.constant 0 : i32
    %dma_start3A_84 = tpu.memref_slice %arg7[%dma_start3A_73, %dma_start3A_82, %dma_start3A_83] : memref<2x640x64xf32, #tpu.memory_space<vmem>> -> memref<1x400x64xf32, #tpu.memory_space<vmem>>
    %dma_start3A_85 = tpu.memref_squeeze %dma_start3A_84 : memref<1x400x64xf32, #tpu.memory_space<vmem>> -> memref<400x64xf32, #tpu.memory_space<vmem>>
    tpu.enqueue_dma source(%dma_start3A_85 : memref<400x64xf32, #tpu.memory_space<vmem>>) target(%dma_start3A_81 : memref<400x64xf32, #tpu.memory_space<hbm>>) target_semaphore(%arg12 : memref<!tpu.dma_semaphore, #tpu.memory_space<semaphore_mem>>)
    %add3A_86 = arith.constant 32 : i32
    %add3A_87 = arith.addi %add3A_86, %arg1 : i32
    %mul3A_88 = arith.constant 400 : i32
    %mul3A_89 = arith.muli %add3A_87, %mul3A_88 : i32
    %multiple_of3A_90 = tpu.assume_multiple %mul3A_89, 8 : i32
    %dma_wait3A_91 = arith.constant 0 : i32
    %dma_wait3A_92 = arith.constant 0 : i32
    %dma_wait3A_93 = arith.constant 0 : i32
    %dma_wait3A_94 = tpu.memref_slice %arg7[%dma_wait3A_91, %dma_wait3A_92, %dma_wait3A_93] : memref<2x640x64xf32, #tpu.memory_space<vmem>> -> memref<1x400x64xf32, #tpu.memory_space<vmem>>
    %dma_wait3A_95 = tpu.memref_squeeze %dma_wait3A_94 : memref<1x400x64xf32, #tpu.memory_space<vmem>> -> memref<400x64xf32, #tpu.memory_space<vmem>>
    %dma_wait3A_96 = arith.constant 0 : i32
    %dma_wait3A_97 = tpu.memref_slice %arg6[%multiple_of3A, %dma_wait3A_96] : memref<101024x64xf32, #tpu.memory_space<hbm>> -> memref<400x64xf32, #tpu.memory_space<hbm>>
    %dma_wait3A_98 = arith.constant 0 : i32
    %dma_wait3A_99 = tpu.memref_slice %arg6[%multiple_of3A, %dma_wait3A_98] : memref<101024x64xf32, #tpu.memory_space<hbm>> -> memref<400x64xf32, #tpu.memory_space<hbm>>
    %dma_wait3A_100 = arith.constant 0 : i32
    %dma_wait3A_101 = arith.constant 0 : i32
    %dma_wait3A_102 = tpu.memref_slice %arg7[%dma_wait3A_91, %dma_wait3A_100, %dma_wait3A_101] : memref<2x640x64xf32, #tpu.memory_space<vmem>> -> memref<1x400x64xf32, #tpu.memory_space<vmem>>
    %dma_wait3A_103 = tpu.memref_squeeze %dma_wait3A_102 : memref<1x400x64xf32, #tpu.memory_space<vmem>> -> memref<400x64xf32, #tpu.memory_space<vmem>>
    tpu.wait_dma2 semaphore(%arg11 : memref<!tpu.dma_semaphore, #tpu.memory_space<semaphore_mem>>) src(%dma_wait3A_103 : memref<400x64xf32, #tpu.memory_space<vmem>>) dst(%dma_wait3A_99 : memref<400x64xf32, #tpu.memory_space<hbm>>)
    %dma_start3A_104 = arith.constant 0 : i32
    %dma_start3A_105 = arith.constant 0 : i32
    %dma_start3A_106 = arith.constant 0 : i32
    %dma_start3A_107 = tpu.memref_slice %arg7[%dma_start3A_104, %dma_start3A_105, %dma_start3A_106] : memref<2x640x64xf32, #tpu.memory_space<vmem>> -> memref<1x400x64xf32, #tpu.memory_space<vmem>>
    %dma_start3A_108 = tpu.memref_squeeze %dma_start3A_107 : memref<1x400x64xf32, #tpu.memory_space<vmem>> -> memref<400x64xf32, #tpu.memory_space<vmem>>
    %dma_start3A_109 = arith.constant 0 : i32
    %dma_start3A_110 = tpu.memref_slice %arg2[%multiple_of3A_90, %dma_start3A_109] : memref<100000x64xf32, #tpu.memory_space<hbm>> -> memref<400x64xf32, #tpu.memory_space<hbm>>
    %dma_start3A_111 = arith.constant 0 : i32
    %dma_start3A_112 = arith.constant 0 : i32
    %dma_start3A_113 = tpu.memref_slice %arg7[%dma_start3A_104, %dma_start3A_111, %dma_start3A_112] : memref<2x640x64xf32, #tpu.memory_space<vmem>> -> memref<1x400x64xf32, #tpu.memory_space<vmem>>
    %dma_start3A_114 = tpu.memref_squeeze %dma_start3A_113 : memref<1x400x64xf32, #tpu.memory_space<vmem>> -> memref<400x64xf32, #tpu.memory_space<vmem>>
    %dma_start3A_115 = arith.constant 0 : i32
    %dma_start3A_116 = tpu.memref_slice %arg2[%multiple_of3A_90, %dma_start3A_115] : memref<100000x64xf32, #tpu.memory_space<hbm>> -> memref<400x64xf32, #tpu.memory_space<hbm>>
    tpu.enqueue_dma source(%dma_start3A_116 : memref<400x64xf32, #tpu.memory_space<hbm>>) target(%dma_start3A_114 : memref<400x64xf32, #tpu.memory_space<vmem>>) target_semaphore(%arg9 : memref<!tpu.dma_semaphore, #tpu.memory_space<semaphore_mem>>)
    %dma_wait3A_117 = arith.constant 0 : i32
    %dma_wait3A_118 = arith.constant 0 : i32
    %dma_wait3A_119 = arith.constant 0 : i32
    %dma_wait3A_120 = tpu.memref_slice %arg7[%dma_wait3A_117, %dma_wait3A_118, %dma_wait3A_119] : memref<2x640x64xf32, #tpu.memory_space<vmem>> -> memref<1x400x64xf32, #tpu.memory_space<vmem>>
    %dma_wait3A_121 = tpu.memref_squeeze %dma_wait3A_120 : memref<1x400x64xf32, #tpu.memory_space<vmem>> -> memref<400x64xf32, #tpu.memory_space<vmem>>
    %dma_wait3A_122 = arith.constant 0 : i32
    %dma_wait3A_123 = tpu.memref_slice %arg2[%multiple_of3A_90, %dma_wait3A_122] : memref<100000x64xf32, #tpu.memory_space<hbm>> -> memref<400x64xf32, #tpu.memory_space<hbm>>
    %dma_wait3A_124 = arith.constant 0 : i32
    %dma_wait3A_125 = arith.constant 0 : i32
    %dma_wait3A_126 = tpu.memref_slice %arg7[%dma_wait3A_117, %dma_wait3A_124, %dma_wait3A_125] : memref<2x640x64xf32, #tpu.memory_space<vmem>> -> memref<1x400x64xf32, #tpu.memory_space<vmem>>
    %dma_wait3A_127 = tpu.memref_squeeze %dma_wait3A_126 : memref<1x400x64xf32, #tpu.memory_space<vmem>> -> memref<400x64xf32, #tpu.memory_space<vmem>>
    %dma_wait3A_128 = arith.constant 0 : i32
    %dma_wait3A_129 = tpu.memref_slice %arg2[%multiple_of3A_90, %dma_wait3A_128] : memref<100000x64xf32, #tpu.memory_space<hbm>> -> memref<400x64xf32, #tpu.memory_space<hbm>>
    tpu.wait_dma2 semaphore(%arg9 : memref<!tpu.dma_semaphore, #tpu.memory_space<semaphore_mem>>) src(%dma_wait3A_129 : memref<400x64xf32, #tpu.memory_space<hbm>>) dst(%dma_wait3A_127 : memref<400x64xf32, #tpu.memory_space<vmem>>)
    %dma_start3A_130 = arith.constant 0 : i32
    %dma_start3A_131 = arith.constant 0 : i32
    %dma_start3A_132 = arith.constant 0 : i32
    %dma_start3A_133 = tpu.memref_slice %arg7[%dma_start3A_130, %dma_start3A_131, %dma_start3A_132] : memref<2x640x64xf32, #tpu.memory_space<vmem>> -> memref<1x400x64xf32, #tpu.memory_space<vmem>>
    %dma_start3A_134 = tpu.memref_squeeze %dma_start3A_133 : memref<1x400x64xf32, #tpu.memory_space<vmem>> -> memref<400x64xf32, #tpu.memory_space<vmem>>
    %dma_start3A_135 = arith.constant 0 : i32
    %dma_start3A_136 = tpu.memref_slice %arg6[%multiple_of3A_90, %dma_start3A_135] : memref<101024x64xf32, #tpu.memory_space<hbm>> -> memref<400x64xf32, #tpu.memory_space<hbm>>
    %dma_start3A_137 = arith.constant 0 : i32
    %dma_start3A_138 = tpu.memref_slice %arg6[%multiple_of3A_90, %dma_start3A_137] : memref<101024x64xf32, #tpu.memory_space<hbm>> -> memref<400x64xf32, #tpu.memory_space<hbm>>
    %dma_start3A_139 = arith.constant 0 : i32
    %dma_start3A_140 = arith.constant 0 : i32
    %dma_start3A_141 = tpu.memref_slice %arg7[%dma_start3A_130, %dma_start3A_139, %dma_start3A_140] : memref<2x640x64xf32, #tpu.memory_space<vmem>> -> memref<1x400x64xf32, #tpu.memory_space<vmem>>
    %dma_start3A_142 = tpu.memref_squeeze %dma_start3A_141 : memref<1x400x64xf32, #tpu.memory_space<vmem>> -> memref<400x64xf32, #tpu.memory_space<vmem>>
    tpu.enqueue_dma source(%dma_start3A_142 : memref<400x64xf32, #tpu.memory_space<vmem>>) target(%dma_start3A_138 : memref<400x64xf32, #tpu.memory_space<hbm>>) target_semaphore(%arg11 : memref<!tpu.dma_semaphore, #tpu.memory_space<semaphore_mem>>)
    %add3A_143 = arith.constant 48 : i32
    %add3A_144 = arith.addi %add3A_143, %arg1 : i32
    %mul3A_145 = arith.constant 400 : i32
    %mul3A_146 = arith.muli %add3A_144, %mul3A_145 : i32
    %multiple_of3A_147 = tpu.assume_multiple %mul3A_146, 8 : i32
    %dma_wait3A_148 = arith.constant 1 : i32
    %dma_wait3A_149 = arith.constant 0 : i32
    %dma_wait3A_150 = arith.constant 0 : i32
    %dma_wait3A_151 = tpu.memref_slice %arg7[%dma_wait3A_148, %dma_wait3A_149, %dma_wait3A_150] : memref<2x640x64xf32, #tpu.memory_space<vmem>> -> memref<1x400x64xf32, #tpu.memory_space<vmem>>
    %dma_wait3A_152 = tpu.memref_squeeze %dma_wait3A_151 : memref<1x400x64xf32, #tpu.memory_space<vmem>> -> memref<400x64xf32, #tpu.memory_space<vmem>>
    %dma_wait3A_153 = arith.constant 0 : i32
    %dma_wait3A_154 = tpu.memref_slice %arg6[%multiple_of3A_46, %dma_wait3A_153] : memref<101024x64xf32, #tpu.memory_space<hbm>> -> memref<400x64xf32, #tpu.memory_space<hbm>>
    %dma_wait3A_155 = arith.constant 0 : i32
    %dma_wait3A_156 = tpu.memref_slice %arg6[%multiple_of3A_46, %dma_wait3A_155] : memref<101024x64xf32, #tpu.memory_space<hbm>> -> memref<400x64xf32, #tpu.memory_space<hbm>>
    %dma_wait3A_157 = arith.constant 0 : i32
    %dma_wait3A_158 = arith.constant 0 : i32
    %dma_wait3A_159 = tpu.memref_slice %arg7[%dma_wait3A_148, %dma_wait3A_157, %dma_wait3A_158] : memref<2x640x64xf32, #tpu.memory_space<vmem>> -> memref<1x400x64xf32, #tpu.memory_space<vmem>>
    %dma_wait3A_160 = tpu.memref_squeeze %dma_wait3A_159 : memref<1x400x64xf32, #tpu.memory_space<vmem>> -> memref<400x64xf32, #tpu.memory_space<vmem>>
    tpu.wait_dma2 semaphore(%arg12 : memref<!tpu.dma_semaphore, #tpu.memory_space<semaphore_mem>>) src(%dma_wait3A_160 : memref<400x64xf32, #tpu.memory_space<vmem>>) dst(%dma_wait3A_156 : memref<400x64xf32, #tpu.memory_space<hbm>>)
    %dma_start3A_161 = arith.constant 1 : i32
    %dma_start3A_162 = arith.constant 0 : i32
    %dma_start3A_163 = arith.constant 0 : i32
    %dma_start3A_164 = tpu.memref_slice %arg7[%dma_start3A_161, %dma_start3A_162, %dma_start3A_163] : memref<2x640x64xf32, #tpu.memory_space<vmem>> -> memref<1x400x64xf32, #tpu.memory_space<vmem>>
    %dma_start3A_165 = tpu.memref_squeeze %dma_start3A_164 : memref<1x400x64xf32, #tpu.memory_space<vmem>> -> memref<400x64xf32, #tpu.memory_space<vmem>>
    %dma_start3A_166 = arith.constant 0 : i32
    %dma_start3A_167 = tpu.memref_slice %arg2[%multiple_of3A_147, %dma_start3A_166] : memref<100000x64xf32, #tpu.memory_space<hbm>> -> memref<400x64xf32, #tpu.memory_space<hbm>>
    %dma_start3A_168 = arith.constant 0 : i32
    %dma_start3A_169 = arith.constant 0 : i32
    %dma_start3A_170 = tpu.memref_slice %arg7[%dma_start3A_161, %dma_start3A_168, %dma_start3A_169] : memref<2x640x64xf32, #tpu.memory_space<vmem>> -> memref<1x400x64xf32, #tpu.memory_space<vmem>>
    %dma_start3A_171 = tpu.memref_squeeze %dma_start3A_170 : memref<1x400x64xf32, #tpu.memory_space<vmem>> -> memref<400x64xf32, #tpu.memory_space<vmem>>
    %dma_start3A_172 = arith.constant 0 : i32
    %dma_start3A_173 = tpu.memref_slice %arg2[%multiple_of3A_147, %dma_start3A_172] : memref<100000x64xf32, #tpu.memory_space<hbm>> -> memref<400x64xf32, #tpu.memory_space<hbm>>
    tpu.enqueue_dma source(%dma_start3A_173 : memref<400x64xf32, #tpu.memory_space<hbm>>) target(%dma_start3A_171 : memref<400x64xf32, #tpu.memory_space<vmem>>) target_semaphore(%arg10 : memref<!tpu.dma_semaphore, #tpu.memory_space<semaphore_mem>>)
    %dma_wait3A_174 = arith.constant 1 : i32
    %dma_wait3A_175 = arith.constant 0 : i32
    %dma_wait3A_176 = arith.constant 0 : i32
    %dma_wait3A_177 = tpu.memref_slice %arg7[%dma_wait3A_174, %dma_wait3A_175, %dma_wait3A_176] : memref<2x640x64xf32, #tpu.memory_space<vmem>> -> memref<1x400x64xf32, #tpu.memory_space<vmem>>
    %dma_wait3A_178 = tpu.memref_squeeze %dma_wait3A_177 : memref<1x400x64xf32, #tpu.memory_space<vmem>> -> memref<400x64xf32, #tpu.memory_space<vmem>>
    %dma_wait3A_179 = arith.constant 0 : i32
    %dma_wait3A_180 = tpu.memref_slice %arg2[%multiple_of3A_147, %dma_wait3A_179] : memref<100000x64xf32, #tpu.memory_space<hbm>> -> memref<400x64xf32, #tpu.memory_space<hbm>>
    %dma_wait3A_181 = arith.constant 0 : i32
    %dma_wait3A_182 = arith.constant 0 : i32
    %dma_wait3A_183 = tpu.memref_slice %arg7[%dma_wait3A_174, %dma_wait3A_181, %dma_wait3A_182] : memref<2x640x64xf32, #tpu.memory_space<vmem>> -> memref<1x400x64xf32, #tpu.memory_space<vmem>>
    %dma_wait3A_184 = tpu.memref_squeeze %dma_wait3A_183 : memref<1x400x64xf32, #tpu.memory_space<vmem>> -> memref<400x64xf32, #tpu.memory_space<vmem>>
    %dma_wait3A_185 = arith.constant 0 : i32
    %dma_wait3A_186 = tpu.memref_slice %arg2[%multiple_of3A_147, %dma_wait3A_185] : memref<100000x64xf32, #tpu.memory_space<hbm>> -> memref<400x64xf32, #tpu.memory_space<hbm>>
    tpu.wait_dma2 semaphore(%arg10 : memref<!tpu.dma_semaphore, #tpu.memory_space<semaphore_mem>>) src(%dma_wait3A_186 : memref<400x64xf32, #tpu.memory_space<hbm>>) dst(%dma_wait3A_184 : memref<400x64xf32, #tpu.memory_space<vmem>>)
    %dma_start3A_187 = arith.constant 1 : i32
    %dma_start3A_188 = arith.constant 0 : i32
    %dma_start3A_189 = arith.constant 0 : i32
    %dma_start3A_190 = tpu.memref_slice %arg7[%dma_start3A_187, %dma_start3A_188, %dma_start3A_189] : memref<2x640x64xf32, #tpu.memory_space<vmem>> -> memref<1x400x64xf32, #tpu.memory_space<vmem>>
    %dma_start3A_191 = tpu.memref_squeeze %dma_start3A_190 : memref<1x400x64xf32, #tpu.memory_space<vmem>> -> memref<400x64xf32, #tpu.memory_space<vmem>>
    %dma_start3A_192 = arith.constant 0 : i32
    %dma_start3A_193 = tpu.memref_slice %arg6[%multiple_of3A_147, %dma_start3A_192] : memref<101024x64xf32, #tpu.memory_space<hbm>> -> memref<400x64xf32, #tpu.memory_space<hbm>>
    %dma_start3A_194 = arith.constant 0 : i32
    %dma_start3A_195 = tpu.memref_slice %arg6[%multiple_of3A_147, %dma_start3A_194] : memref<101024x64xf32, #tpu.memory_space<hbm>> -> memref<400x64xf32, #tpu.memory_space<hbm>>
    %dma_start3A_196 = arith.constant 0 : i32
    %dma_start3A_197 = arith.constant 0 : i32
    %dma_start3A_198 = tpu.memref_slice %arg7[%dma_start3A_187, %dma_start3A_196, %dma_start3A_197] : memref<2x640x64xf32, #tpu.memory_space<vmem>> -> memref<1x400x64xf32, #tpu.memory_space<vmem>>
    %dma_start3A_199 = tpu.memref_squeeze %dma_start3A_198 : memref<1x400x64xf32, #tpu.memory_space<vmem>> -> memref<400x64xf32, #tpu.memory_space<vmem>>
    tpu.enqueue_dma source(%dma_start3A_199 : memref<400x64xf32, #tpu.memory_space<vmem>>) target(%dma_start3A_195 : memref<400x64xf32, #tpu.memory_space<hbm>>) target_semaphore(%arg12 : memref<!tpu.dma_semaphore, #tpu.memory_space<semaphore_mem>>)
    %add3A_200 = arith.constant 64 : i32
    %add3A_201 = arith.addi %add3A_200, %arg1 : i32
    %mul3A_202 = arith.constant 400 : i32
    %mul3A_203 = arith.muli %add3A_201, %mul3A_202 : i32
    %multiple_of3A_204 = tpu.assume_multiple %mul3A_203, 8 : i32
    %dma_wait3A_205 = arith.constant 0 : i32
    %dma_wait3A_206 = arith.constant 0 : i32
    %dma_wait3A_207 = arith.constant 0 : i32
    %dma_wait3A_208 = tpu.memref_slice %arg7[%dma_wait3A_205, %dma_wait3A_206, %dma_wait3A_207] : memref<2x640x64xf32, #tpu.memory_space<vmem>> -> memref<1x400x64xf32, #tpu.memory_space<vmem>>
    %dma_wait3A_209 = tpu.memref_squeeze %dma_wait3A_208 : memref<1x400x64xf32, #tpu.memory_space<vmem>> -> memref<400x64xf32, #tpu.memory_space<vmem>>
    %dma_wait3A_210 = arith.constant 0 : i32
    %dma_wait3A_211 = tpu.memref_slice %arg6[%multiple_of3A_90, %dma_wait3A_210] : memref<101024x64xf32, #tpu.memory_space<hbm>> -> memref<400x64xf32, #tpu.memory_space<hbm>>
    %dma_wait3A_212 = arith.constant 0 : i32
    %dma_wait3A_213 = tpu.memref_slice %arg6[%multiple_of3A_90, %dma_wait3A_212] : memref<101024x64xf32, #tpu.memory_space<hbm>> -> memref<400x64xf32, #tpu.memory_space<hbm>>
    %dma_wait3A_214 = arith.constant 0 : i32
    %dma_wait3A_215 = arith.constant 0 : i32
    %dma_wait3A_216 = tpu.memref_slice %arg7[%dma_wait3A_205, %dma_wait3A_214, %dma_wait3A_215] : memref<2x640x64xf32, #tpu.memory_space<vmem>> -> memref<1x400x64xf32, #tpu.memory_space<vmem>>
    %dma_wait3A_217 = tpu.memref_squeeze %dma_wait3A_216 : memref<1x400x64xf32, #tpu.memory_space<vmem>> -> memref<400x64xf32, #tpu.memory_space<vmem>>
    tpu.wait_dma2 semaphore(%arg11 : memref<!tpu.dma_semaphore, #tpu.memory_space<semaphore_mem>>) src(%dma_wait3A_217 : memref<400x64xf32, #tpu.memory_space<vmem>>) dst(%dma_wait3A_213 : memref<400x64xf32, #tpu.memory_space<hbm>>)
    %dma_start3A_218 = arith.constant 0 : i32
    %dma_start3A_219 = arith.constant 0 : i32
    %dma_start3A_220 = arith.constant 0 : i32
    %dma_start3A_221 = tpu.memref_slice %arg7[%dma_start3A_218, %dma_start3A_219, %dma_start3A_220] : memref<2x640x64xf32, #tpu.memory_space<vmem>> -> memref<1x400x64xf32, #tpu.memory_space<vmem>>
    %dma_start3A_222 = tpu.memref_squeeze %dma_start3A_221 : memref<1x400x64xf32, #tpu.memory_space<vmem>> -> memref<400x64xf32, #tpu.memory_space<vmem>>
    %dma_start3A_223 = arith.constant 0 : i32
    %dma_start3A_224 = tpu.memref_slice %arg2[%multiple_of3A_204, %dma_start3A_223] : memref<100000x64xf32, #tpu.memory_space<hbm>> -> memref<400x64xf32, #tpu.memory_space<hbm>>
    %dma_start3A_225 = arith.constant 0 : i32
    %dma_start3A_226 = arith.constant 0 : i32
    %dma_start3A_227 = tpu.memref_slice %arg7[%dma_start3A_218, %dma_start3A_225, %dma_start3A_226] : memref<2x640x64xf32, #tpu.memory_space<vmem>> -> memref<1x400x64xf32, #tpu.memory_space<vmem>>
    %dma_start3A_228 = tpu.memref_squeeze %dma_start3A_227 : memref<1x400x64xf32, #tpu.memory_space<vmem>> -> memref<400x64xf32, #tpu.memory_space<vmem>>
    %dma_start3A_229 = arith.constant 0 : i32
    %dma_start3A_230 = tpu.memref_slice %arg2[%multiple_of3A_204, %dma_start3A_229] : memref<100000x64xf32, #tpu.memory_space<hbm>> -> memref<400x64xf32, #tpu.memory_space<hbm>>
    tpu.enqueue_dma source(%dma_start3A_230 : memref<400x64xf32, #tpu.memory_space<hbm>>) target(%dma_start3A_228 : memref<400x64xf32, #tpu.memory_space<vmem>>) target_semaphore(%arg9 : memref<!tpu.dma_semaphore, #tpu.memory_space<semaphore_mem>>)
    %dma_wait3A_231 = arith.constant 0 : i32
    %dma_wait3A_232 = arith.constant 0 : i32
    %dma_wait3A_233 = arith.constant 0 : i32
    %dma_wait3A_234 = tpu.memref_slice %arg7[%dma_wait3A_231, %dma_wait3A_232, %dma_wait3A_233] : memref<2x640x64xf32, #tpu.memory_space<vmem>> -> memref<1x400x64xf32, #tpu.memory_space<vmem>>
    %dma_wait3A_235 = tpu.memref_squeeze %dma_wait3A_234 : memref<1x400x64xf32, #tpu.memory_space<vmem>> -> memref<400x64xf32, #tpu.memory_space<vmem>>
    %dma_wait3A_236 = arith.constant 0 : i32
    %dma_wait3A_237 = tpu.memref_slice %arg2[%multiple_of3A_204, %dma_wait3A_236] : memref<100000x64xf32, #tpu.memory_space<hbm>> -> memref<400x64xf32, #tpu.memory_space<hbm>>
    %dma_wait3A_238 = arith.constant 0 : i32
    %dma_wait3A_239 = arith.constant 0 : i32
    %dma_wait3A_240 = tpu.memref_slice %arg7[%dma_wait3A_231, %dma_wait3A_238, %dma_wait3A_239] : memref<2x640x64xf32, #tpu.memory_space<vmem>> -> memref<1x400x64xf32, #tpu.memory_space<vmem>>
    %dma_wait3A_241 = tpu.memref_squeeze %dma_wait3A_240 : memref<1x400x64xf32, #tpu.memory_space<vmem>> -> memref<400x64xf32, #tpu.memory_space<vmem>>
    %dma_wait3A_242 = arith.constant 0 : i32
    %dma_wait3A_243 = tpu.memref_slice %arg2[%multiple_of3A_204, %dma_wait3A_242] : memref<100000x64xf32, #tpu.memory_space<hbm>> -> memref<400x64xf32, #tpu.memory_space<hbm>>
    tpu.wait_dma2 semaphore(%arg9 : memref<!tpu.dma_semaphore, #tpu.memory_space<semaphore_mem>>) src(%dma_wait3A_243 : memref<400x64xf32, #tpu.memory_space<hbm>>) dst(%dma_wait3A_241 : memref<400x64xf32, #tpu.memory_space<vmem>>)
    %dma_start3A_244 = arith.constant 0 : i32
    %dma_start3A_245 = arith.constant 0 : i32
    %dma_start3A_246 = arith.constant 0 : i32
    %dma_start3A_247 = tpu.memref_slice %arg7[%dma_start3A_244, %dma_start3A_245, %dma_start3A_246] : memref<2x640x64xf32, #tpu.memory_space<vmem>> -> memref<1x400x64xf32, #tpu.memory_space<vmem>>
    %dma_start3A_248 = tpu.memref_squeeze %dma_start3A_247 : memref<1x400x64xf32, #tpu.memory_space<vmem>> -> memref<400x64xf32, #tpu.memory_space<vmem>>
    %dma_start3A_249 = arith.constant 0 : i32
    %dma_start3A_250 = tpu.memref_slice %arg6[%multiple_of3A_204, %dma_start3A_249] : memref<101024x64xf32, #tpu.memory_space<hbm>> -> memref<400x64xf32, #tpu.memory_space<hbm>>
    %dma_start3A_251 = arith.constant 0 : i32
    %dma_start3A_252 = tpu.memref_slice %arg6[%multiple_of3A_204, %dma_start3A_251] : memref<101024x64xf32, #tpu.memory_space<hbm>> -> memref<400x64xf32, #tpu.memory_space<hbm>>
    %dma_start3A_253 = arith.constant 0 : i32
    %dma_start3A_254 = arith.constant 0 : i32
    %dma_start3A_255 = tpu.memref_slice %arg7[%dma_start3A_244, %dma_start3A_253, %dma_start3A_254] : memref<2x640x64xf32, #tpu.memory_space<vmem>> -> memref<1x400x64xf32, #tpu.memory_space<vmem>>
    %dma_start3A_256 = tpu.memref_squeeze %dma_start3A_255 : memref<1x400x64xf32, #tpu.memory_space<vmem>> -> memref<400x64xf32, #tpu.memory_space<vmem>>
    tpu.enqueue_dma source(%dma_start3A_256 : memref<400x64xf32, #tpu.memory_space<vmem>>) target(%dma_start3A_252 : memref<400x64xf32, #tpu.memory_space<hbm>>) target_semaphore(%arg11 : memref<!tpu.dma_semaphore, #tpu.memory_space<semaphore_mem>>)
    %add3A_257 = arith.constant 80 : i32
    %add3A_258 = arith.addi %add3A_257, %arg1 : i32
    %mul3A_259 = arith.constant 400 : i32
    %mul3A_260 = arith.muli %add3A_258, %mul3A_259 : i32
    %multiple_of3A_261 = tpu.assume_multiple %mul3A_260, 8 : i32
    %dma_wait3A_262 = arith.constant 1 : i32
    %dma_wait3A_263 = arith.constant 0 : i32
    %dma_wait3A_264 = arith.constant 0 : i32
    %dma_wait3A_265 = tpu.memref_slice %arg7[%dma_wait3A_262, %dma_wait3A_263, %dma_wait3A_264] : memref<2x640x64xf32, #tpu.memory_space<vmem>> -> memref<1x400x64xf32, #tpu.memory_space<vmem>>
    %dma_wait3A_266 = tpu.memref_squeeze %dma_wait3A_265 : memref<1x400x64xf32, #tpu.memory_space<vmem>> -> memref<400x64xf32, #tpu.memory_space<vmem>>
    %dma_wait3A_267 = arith.constant 0 : i32
    %dma_wait3A_268 = tpu.memref_slice %arg6[%multiple_of3A_147, %dma_wait3A_267] : memref<101024x64xf32, #tpu.memory_space<hbm>> -> memref<400x64xf32, #tpu.memory_space<hbm>>
    %dma_wait3A_269 = arith.constant 0 : i32
    %dma_wait3A_270 = tpu.memref_slice %arg6[%multiple_of3A_147, %dma_wait3A_269] : memref<101024x64xf32, #tpu.memory_space<hbm>> -> memref<400x64xf32, #tpu.memory_space<hbm>>
    %dma_wait3A_271 = arith.constant 0 : i32
    %dma_wait3A_272 = arith.constant 0 : i32
    %dma_wait3A_273 = tpu.memref_slice %arg7[%dma_wait3A_262, %dma_wait3A_271, %dma_wait3A_272] : memref<2x640x64xf32, #tpu.memory_space<vmem>> -> memref<1x400x64xf32, #tpu.memory_space<vmem>>
    %dma_wait3A_274 = tpu.memref_squeeze %dma_wait3A_273 : memref<1x400x64xf32, #tpu.memory_space<vmem>> -> memref<400x64xf32, #tpu.memory_space<vmem>>
    tpu.wait_dma2 semaphore(%arg12 : memref<!tpu.dma_semaphore, #tpu.memory_space<semaphore_mem>>) src(%dma_wait3A_274 : memref<400x64xf32, #tpu.memory_space<vmem>>) dst(%dma_wait3A_270 : memref<400x64xf32, #tpu.memory_space<hbm>>)
    %dma_start3A_275 = arith.constant 1 : i32
    %dma_start3A_276 = arith.constant 0 : i32
    %dma_start3A_277 = arith.constant 0 : i32
    %dma_start3A_278 = tpu.memref_slice %arg7[%dma_start3A_275, %dma_start3A_276, %dma_start3A_277] : memref<2x640x64xf32, #tpu.memory_space<vmem>> -> memref<1x400x64xf32, #tpu.memory_space<vmem>>
    %dma_start3A_279 = tpu.memref_squeeze %dma_start3A_278 : memref<1x400x64xf32, #tpu.memory_space<vmem>> -> memref<400x64xf32, #tpu.memory_space<vmem>>
    %dma_start3A_280 = arith.constant 0 : i32
    %dma_start3A_281 = tpu.memref_slice %arg2[%multiple_of3A_261, %dma_start3A_280] : memref<100000x64xf32, #tpu.memory_space<hbm>> -> memref<400x64xf32, #tpu.memory_space<hbm>>
    %dma_start3A_282 = arith.constant 0 : i32
    %dma_start3A_283 = arith.constant 0 : i32
    %dma_start3A_284 = tpu.memref_slice %arg7[%dma_start3A_275, %dma_start3A_282, %dma_start3A_283] : memref<2x640x64xf32, #tpu.memory_space<vmem>> -> memref<1x400x64xf32, #tpu.memory_space<vmem>>
    %dma_start3A_285 = tpu.memref_squeeze %dma_start3A_284 : memref<1x400x64xf32, #tpu.memory_space<vmem>> -> memref<400x64xf32, #tpu.memory_space<vmem>>
    %dma_start3A_286 = arith.constant 0 : i32
    %dma_start3A_287 = tpu.memref_slice %arg2[%multiple_of3A_261, %dma_start3A_286] : memref<100000x64xf32, #tpu.memory_space<hbm>> -> memref<400x64xf32, #tpu.memory_space<hbm>>
    tpu.enqueue_dma source(%dma_start3A_287 : memref<400x64xf32, #tpu.memory_space<hbm>>) target(%dma_start3A_285 : memref<400x64xf32, #tpu.memory_space<vmem>>) target_semaphore(%arg10 : memref<!tpu.dma_semaphore, #tpu.memory_space<semaphore_mem>>)
    %dma_wait3A_288 = arith.constant 1 : i32
    %dma_wait3A_289 = arith.constant 0 : i32
    %dma_wait3A_290 = arith.constant 0 : i32
    %dma_wait3A_291 = tpu.memref_slice %arg7[%dma_wait3A_288, %dma_wait3A_289, %dma_wait3A_290] : memref<2x640x64xf32, #tpu.memory_space<vmem>> -> memref<1x400x64xf32, #tpu.memory_space<vmem>>
    %dma_wait3A_292 = tpu.memref_squeeze %dma_wait3A_291 : memref<1x400x64xf32, #tpu.memory_space<vmem>> -> memref<400x64xf32, #tpu.memory_space<vmem>>
    %dma_wait3A_293 = arith.constant 0 : i32
    %dma_wait3A_294 = tpu.memref_slice %arg2[%multiple_of3A_261, %dma_wait3A_293] : memref<100000x64xf32, #tpu.memory_space<hbm>> -> memref<400x64xf32, #tpu.memory_space<hbm>>
    %dma_wait3A_295 = arith.constant 0 : i32
    %dma_wait3A_296 = arith.constant 0 : i32
    %dma_wait3A_297 = tpu.memref_slice %arg7[%dma_wait3A_288, %dma_wait3A_295, %dma_wait3A_296] : memref<2x640x64xf32, #tpu.memory_space<vmem>> -> memref<1x400x64xf32, #tpu.memory_space<vmem>>
    %dma_wait3A_298 = tpu.memref_squeeze %dma_wait3A_297 : memref<1x400x64xf32, #tpu.memory_space<vmem>> -> memref<400x64xf32, #tpu.memory_space<vmem>>
    %dma_wait3A_299 = arith.constant 0 : i32
    %dma_wait3A_300 = tpu.memref_slice %arg2[%multiple_of3A_261, %dma_wait3A_299] : memref<100000x64xf32, #tpu.memory_space<hbm>> -> memref<400x64xf32, #tpu.memory_space<hbm>>
    tpu.wait_dma2 semaphore(%arg10 : memref<!tpu.dma_semaphore, #tpu.memory_space<semaphore_mem>>) src(%dma_wait3A_300 : memref<400x64xf32, #tpu.memory_space<hbm>>) dst(%dma_wait3A_298 : memref<400x64xf32, #tpu.memory_space<vmem>>)
    %dma_start3A_301 = arith.constant 1 : i32
    %dma_start3A_302 = arith.constant 0 : i32
    %dma_start3A_303 = arith.constant 0 : i32
    %dma_start3A_304 = tpu.memref_slice %arg7[%dma_start3A_301, %dma_start3A_302, %dma_start3A_303] : memref<2x640x64xf32, #tpu.memory_space<vmem>> -> memref<1x400x64xf32, #tpu.memory_space<vmem>>
    %dma_start3A_305 = tpu.memref_squeeze %dma_start3A_304 : memref<1x400x64xf32, #tpu.memory_space<vmem>> -> memref<400x64xf32, #tpu.memory_space<vmem>>
    %dma_start3A_306 = arith.constant 0 : i32
    %dma_start3A_307 = tpu.memref_slice %arg6[%multiple_of3A_261, %dma_start3A_306] : memref<101024x64xf32, #tpu.memory_space<hbm>> -> memref<400x64xf32, #tpu.memory_space<hbm>>
    %dma_start3A_308 = arith.constant 0 : i32
    %dma_start3A_309 = tpu.memref_slice %arg6[%multiple_of3A_261, %dma_start3A_308] : memref<101024x64xf32, #tpu.memory_space<hbm>> -> memref<400x64xf32, #tpu.memory_space<hbm>>
    %dma_start3A_310 = arith.constant 0 : i32
    %dma_start3A_311 = arith.constant 0 : i32
    %dma_start3A_312 = tpu.memref_slice %arg7[%dma_start3A_301, %dma_start3A_310, %dma_start3A_311] : memref<2x640x64xf32, #tpu.memory_space<vmem>> -> memref<1x400x64xf32, #tpu.memory_space<vmem>>
    %dma_start3A_313 = tpu.memref_squeeze %dma_start3A_312 : memref<1x400x64xf32, #tpu.memory_space<vmem>> -> memref<400x64xf32, #tpu.memory_space<vmem>>
    tpu.enqueue_dma source(%dma_start3A_313 : memref<400x64xf32, #tpu.memory_space<vmem>>) target(%dma_start3A_309 : memref<400x64xf32, #tpu.memory_space<hbm>>) target_semaphore(%arg12 : memref<!tpu.dma_semaphore, #tpu.memory_space<semaphore_mem>>)
    %add3A_314 = arith.constant 96 : i32
    %add3A_315 = arith.addi %add3A_314, %arg1 : i32
    %mul3A_316 = arith.constant 400 : i32
    %mul3A_317 = arith.muli %add3A_315, %mul3A_316 : i32
    %multiple_of3A_318 = tpu.assume_multiple %mul3A_317, 8 : i32
    %dma_wait3A_319 = arith.constant 0 : i32
    %dma_wait3A_320 = arith.constant 0 : i32
    %dma_wait3A_321 = arith.constant 0 : i32
    %dma_wait3A_322 = tpu.memref_slice %arg7[%dma_wait3A_319, %dma_wait3A_320, %dma_wait3A_321] : memref<2x640x64xf32, #tpu.memory_space<vmem>> -> memref<1x400x64xf32, #tpu.memory_space<vmem>>
    %dma_wait3A_323 = tpu.memref_squeeze %dma_wait3A_322 : memref<1x400x64xf32, #tpu.memory_space<vmem>> -> memref<400x64xf32, #tpu.memory_space<vmem>>
    %dma_wait3A_324 = arith.constant 0 : i32
    %dma_wait3A_325 = tpu.memref_slice %arg6[%multiple_of3A_204, %dma_wait3A_324] : memref<101024x64xf32, #tpu.memory_space<hbm>> -> memref<400x64xf32, #tpu.memory_space<hbm>>
    %dma_wait3A_326 = arith.constant 0 : i32
    %dma_wait3A_327 = tpu.memref_slice %arg6[%multiple_of3A_204, %dma_wait3A_326] : memref<101024x64xf32, #tpu.memory_space<hbm>> -> memref<400x64xf32, #tpu.memory_space<hbm>>
    %dma_wait3A_328 = arith.constant 0 : i32
    %dma_wait3A_329 = arith.constant 0 : i32
    %dma_wait3A_330 = tpu.memref_slice %arg7[%dma_wait3A_319, %dma_wait3A_328, %dma_wait3A_329] : memref<2x640x64xf32, #tpu.memory_space<vmem>> -> memref<1x400x64xf32, #tpu.memory_space<vmem>>
    %dma_wait3A_331 = tpu.memref_squeeze %dma_wait3A_330 : memref<1x400x64xf32, #tpu.memory_space<vmem>> -> memref<400x64xf32, #tpu.memory_space<vmem>>
    tpu.wait_dma2 semaphore(%arg11 : memref<!tpu.dma_semaphore, #tpu.memory_space<semaphore_mem>>) src(%dma_wait3A_331 : memref<400x64xf32, #tpu.memory_space<vmem>>) dst(%dma_wait3A_327 : memref<400x64xf32, #tpu.memory_space<hbm>>)
    %dma_start3A_332 = arith.constant 0 : i32
    %dma_start3A_333 = arith.constant 0 : i32
    %dma_start3A_334 = arith.constant 0 : i32
    %dma_start3A_335 = tpu.memref_slice %arg7[%dma_start3A_332, %dma_start3A_333, %dma_start3A_334] : memref<2x640x64xf32, #tpu.memory_space<vmem>> -> memref<1x400x64xf32, #tpu.memory_space<vmem>>
    %dma_start3A_336 = tpu.memref_squeeze %dma_start3A_335 : memref<1x400x64xf32, #tpu.memory_space<vmem>> -> memref<400x64xf32, #tpu.memory_space<vmem>>
    %dma_start3A_337 = arith.constant 0 : i32
    %dma_start3A_338 = tpu.memref_slice %arg2[%multiple_of3A_318, %dma_start3A_337] : memref<100000x64xf32, #tpu.memory_space<hbm>> -> memref<400x64xf32, #tpu.memory_space<hbm>>
    %dma_start3A_339 = arith.constant 0 : i32
    %dma_start3A_340 = arith.constant 0 : i32
    %dma_start3A_341 = tpu.memref_slice %arg7[%dma_start3A_332, %dma_start3A_339, %dma_start3A_340] : memref<2x640x64xf32, #tpu.memory_space<vmem>> -> memref<1x400x64xf32, #tpu.memory_space<vmem>>
    %dma_start3A_342 = tpu.memref_squeeze %dma_start3A_341 : memref<1x400x64xf32, #tpu.memory_space<vmem>> -> memref<400x64xf32, #tpu.memory_space<vmem>>
    %dma_start3A_343 = arith.constant 0 : i32
    %dma_start3A_344 = tpu.memref_slice %arg2[%multiple_of3A_318, %dma_start3A_343] : memref<100000x64xf32, #tpu.memory_space<hbm>> -> memref<400x64xf32, #tpu.memory_space<hbm>>
    tpu.enqueue_dma source(%dma_start3A_344 : memref<400x64xf32, #tpu.memory_space<hbm>>) target(%dma_start3A_342 : memref<400x64xf32, #tpu.memory_space<vmem>>) target_semaphore(%arg9 : memref<!tpu.dma_semaphore, #tpu.memory_space<semaphore_mem>>)
    %dma_wait3A_345 = arith.constant 0 : i32
    %dma_wait3A_346 = arith.constant 0 : i32
    %dma_wait3A_347 = arith.constant 0 : i32
    %dma_wait3A_348 = tpu.memref_slice %arg7[%dma_wait3A_345, %dma_wait3A_346, %dma_wait3A_347] : memref<2x640x64xf32, #tpu.memory_space<vmem>> -> memref<1x400x64xf32, #tpu.memory_space<vmem>>
    %dma_wait3A_349 = tpu.memref_squeeze %dma_wait3A_348 : memref<1x400x64xf32, #tpu.memory_space<vmem>> -> memref<400x64xf32, #tpu.memory_space<vmem>>
    %dma_wait3A_350 = arith.constant 0 : i32
    %dma_wait3A_351 = tpu.memref_slice %arg2[%multiple_of3A_318, %dma_wait3A_350] : memref<100000x64xf32, #tpu.memory_space<hbm>> -> memref<400x64xf32, #tpu.memory_space<hbm>>
    %dma_wait3A_352 = arith.constant 0 : i32
    %dma_wait3A_353 = arith.constant 0 : i32
    %dma_wait3A_354 = tpu.memref_slice %arg7[%dma_wait3A_345, %dma_wait3A_352, %dma_wait3A_353] : memref<2x640x64xf32, #tpu.memory_space<vmem>> -> memref<1x400x64xf32, #tpu.memory_space<vmem>>
    %dma_wait3A_355 = tpu.memref_squeeze %dma_wait3A_354 : memref<1x400x64xf32, #tpu.memory_space<vmem>> -> memref<400x64xf32, #tpu.memory_space<vmem>>
    %dma_wait3A_356 = arith.constant 0 : i32
    %dma_wait3A_357 = tpu.memref_slice %arg2[%multiple_of3A_318, %dma_wait3A_356] : memref<100000x64xf32, #tpu.memory_space<hbm>> -> memref<400x64xf32, #tpu.memory_space<hbm>>
    tpu.wait_dma2 semaphore(%arg9 : memref<!tpu.dma_semaphore, #tpu.memory_space<semaphore_mem>>) src(%dma_wait3A_357 : memref<400x64xf32, #tpu.memory_space<hbm>>) dst(%dma_wait3A_355 : memref<400x64xf32, #tpu.memory_space<vmem>>)
    %dma_start3A_358 = arith.constant 0 : i32
    %dma_start3A_359 = arith.constant 0 : i32
    %dma_start3A_360 = arith.constant 0 : i32
    %dma_start3A_361 = tpu.memref_slice %arg7[%dma_start3A_358, %dma_start3A_359, %dma_start3A_360] : memref<2x640x64xf32, #tpu.memory_space<vmem>> -> memref<1x400x64xf32, #tpu.memory_space<vmem>>
    %dma_start3A_362 = tpu.memref_squeeze %dma_start3A_361 : memref<1x400x64xf32, #tpu.memory_space<vmem>> -> memref<400x64xf32, #tpu.memory_space<vmem>>
    %dma_start3A_363 = arith.constant 0 : i32
    %dma_start3A_364 = tpu.memref_slice %arg6[%multiple_of3A_318, %dma_start3A_363] : memref<101024x64xf32, #tpu.memory_space<hbm>> -> memref<400x64xf32, #tpu.memory_space<hbm>>
    %dma_start3A_365 = arith.constant 0 : i32
    %dma_start3A_366 = tpu.memref_slice %arg6[%multiple_of3A_318, %dma_start3A_365] : memref<101024x64xf32, #tpu.memory_space<hbm>> -> memref<400x64xf32, #tpu.memory_space<hbm>>
    %dma_start3A_367 = arith.constant 0 : i32
    %dma_start3A_368 = arith.constant 0 : i32
    %dma_start3A_369 = tpu.memref_slice %arg7[%dma_start3A_358, %dma_start3A_367, %dma_start3A_368] : memref<2x640x64xf32, #tpu.memory_space<vmem>> -> memref<1x400x64xf32, #tpu.memory_space<vmem>>
    %dma_start3A_370 = tpu.memref_squeeze %dma_start3A_369 : memref<1x400x64xf32, #tpu.memory_space<vmem>> -> memref<400x64xf32, #tpu.memory_space<vmem>>
    tpu.enqueue_dma source(%dma_start3A_370 : memref<400x64xf32, #tpu.memory_space<vmem>>) target(%dma_start3A_366 : memref<400x64xf32, #tpu.memory_space<hbm>>) target_semaphore(%arg11 : memref<!tpu.dma_semaphore, #tpu.memory_space<semaphore_mem>>)
    %add3A_371 = arith.constant 112 : i32
    %add3A_372 = arith.addi %add3A_371, %arg1 : i32
    %mul3A_373 = arith.constant 400 : i32
    %mul3A_374 = arith.muli %add3A_372, %mul3A_373 : i32
    %multiple_of3A_375 = tpu.assume_multiple %mul3A_374, 8 : i32
    %dma_wait3A_376 = arith.constant 1 : i32
    %dma_wait3A_377 = arith.constant 0 : i32
    %dma_wait3A_378 = arith.constant 0 : i32
    %dma_wait3A_379 = tpu.memref_slice %arg7[%dma_wait3A_376, %dma_wait3A_377, %dma_wait3A_378] : memref<2x640x64xf32, #tpu.memory_space<vmem>> -> memref<1x400x64xf32, #tpu.memory_space<vmem>>
    %dma_wait3A_380 = tpu.memref_squeeze %dma_wait3A_379 : memref<1x400x64xf32, #tpu.memory_space<vmem>> -> memref<400x64xf32, #tpu.memory_space<vmem>>
    %dma_wait3A_381 = arith.constant 0 : i32
    %dma_wait3A_382 = tpu.memref_slice %arg6[%multiple_of3A_261, %dma_wait3A_381] : memref<101024x64xf32, #tpu.memory_space<hbm>> -> memref<400x64xf32, #tpu.memory_space<hbm>>
    %dma_wait3A_383 = arith.constant 0 : i32
    %dma_wait3A_384 = tpu.memref_slice %arg6[%multiple_of3A_261, %dma_wait3A_383] : memref<101024x64xf32, #tpu.memory_space<hbm>> -> memref<400x64xf32, #tpu.memory_space<hbm>>
    %dma_wait3A_385 = arith.constant 0 : i32
    %dma_wait3A_386 = arith.constant 0 : i32
    %dma_wait3A_387 = tpu.memref_slice %arg7[%dma_wait3A_376, %dma_wait3A_385, %dma_wait3A_386] : memref<2x640x64xf32, #tpu.memory_space<vmem>> -> memref<1x400x64xf32, #tpu.memory_space<vmem>>
    %dma_wait3A_388 = tpu.memref_squeeze %dma_wait3A_387 : memref<1x400x64xf32, #tpu.memory_space<vmem>> -> memref<400x64xf32, #tpu.memory_space<vmem>>
    tpu.wait_dma2 semaphore(%arg12 : memref<!tpu.dma_semaphore, #tpu.memory_space<semaphore_mem>>) src(%dma_wait3A_388 : memref<400x64xf32, #tpu.memory_space<vmem>>) dst(%dma_wait3A_384 : memref<400x64xf32, #tpu.memory_space<hbm>>)
    %dma_start3A_389 = arith.constant 1 : i32
    %dma_start3A_390 = arith.constant 0 : i32
    %dma_start3A_391 = arith.constant 0 : i32
    %dma_start3A_392 = tpu.memref_slice %arg7[%dma_start3A_389, %dma_start3A_390, %dma_start3A_391] : memref<2x640x64xf32, #tpu.memory_space<vmem>> -> memref<1x400x64xf32, #tpu.memory_space<vmem>>
    %dma_start3A_393 = tpu.memref_squeeze %dma_start3A_392 : memref<1x400x64xf32, #tpu.memory_space<vmem>> -> memref<400x64xf32, #tpu.memory_space<vmem>>
    %dma_start3A_394 = arith.constant 0 : i32
    %dma_start3A_395 = tpu.memref_slice %arg2[%multiple_of3A_375, %dma_start3A_394] : memref<100000x64xf32, #tpu.memory_space<hbm>> -> memref<400x64xf32, #tpu.memory_space<hbm>>
    %dma_start3A_396 = arith.constant 0 : i32
    %dma_start3A_397 = arith.constant 0 : i32
    %dma_start3A_398 = tpu.memref_slice %arg7[%dma_start3A_389, %dma_start3A_396, %dma_start3A_397] : memref<2x640x64xf32, #tpu.memory_space<vmem>> -> memref<1x400x64xf32, #tpu.memory_space<vmem>>
    %dma_start3A_399 = tpu.memref_squeeze %dma_start3A_398 : memref<1x400x64xf32, #tpu.memory_space<vmem>> -> memref<400x64xf32, #tpu.memory_space<vmem>>
    %dma_start3A_400 = arith.constant 0 : i32
    %dma_start3A_401 = tpu.memref_slice %arg2[%multiple_of3A_375, %dma_start3A_400] : memref<100000x64xf32, #tpu.memory_space<hbm>> -> memref<400x64xf32, #tpu.memory_space<hbm>>
    tpu.enqueue_dma source(%dma_start3A_401 : memref<400x64xf32, #tpu.memory_space<hbm>>) target(%dma_start3A_399 : memref<400x64xf32, #tpu.memory_space<vmem>>) target_semaphore(%arg10 : memref<!tpu.dma_semaphore, #tpu.memory_space<semaphore_mem>>)
    %dma_wait3A_402 = arith.constant 1 : i32
    %dma_wait3A_403 = arith.constant 0 : i32
    %dma_wait3A_404 = arith.constant 0 : i32
    %dma_wait3A_405 = tpu.memref_slice %arg7[%dma_wait3A_402, %dma_wait3A_403, %dma_wait3A_404] : memref<2x640x64xf32, #tpu.memory_space<vmem>> -> memref<1x400x64xf32, #tpu.memory_space<vmem>>
    %dma_wait3A_406 = tpu.memref_squeeze %dma_wait3A_405 : memref<1x400x64xf32, #tpu.memory_space<vmem>> -> memref<400x64xf32, #tpu.memory_space<vmem>>
    %dma_wait3A_407 = arith.constant 0 : i32
    %dma_wait3A_408 = tpu.memref_slice %arg2[%multiple_of3A_375, %dma_wait3A_407] : memref<100000x64xf32, #tpu.memory_space<hbm>> -> memref<400x64xf32, #tpu.memory_space<hbm>>
    %dma_wait3A_409 = arith.constant 0 : i32
    %dma_wait3A_410 = arith.constant 0 : i32
    %dma_wait3A_411 = tpu.memref_slice %arg7[%dma_wait3A_402, %dma_wait3A_409, %dma_wait3A_410] : memref<2x640x64xf32, #tpu.memory_space<vmem>> -> memref<1x400x64xf32, #tpu.memory_space<vmem>>
    %dma_wait3A_412 = tpu.memref_squeeze %dma_wait3A_411 : memref<1x400x64xf32, #tpu.memory_space<vmem>> -> memref<400x64xf32, #tpu.memory_space<vmem>>
    %dma_wait3A_413 = arith.constant 0 : i32
    %dma_wait3A_414 = tpu.memref_slice %arg2[%multiple_of3A_375, %dma_wait3A_413] : memref<100000x64xf32, #tpu.memory_space<hbm>> -> memref<400x64xf32, #tpu.memory_space<hbm>>
    tpu.wait_dma2 semaphore(%arg10 : memref<!tpu.dma_semaphore, #tpu.memory_space<semaphore_mem>>) src(%dma_wait3A_414 : memref<400x64xf32, #tpu.memory_space<hbm>>) dst(%dma_wait3A_412 : memref<400x64xf32, #tpu.memory_space<vmem>>)
    %dma_start3A_415 = arith.constant 1 : i32
    %dma_start3A_416 = arith.constant 0 : i32
    %dma_start3A_417 = arith.constant 0 : i32
    %dma_start3A_418 = tpu.memref_slice %arg7[%dma_start3A_415, %dma_start3A_416, %dma_start3A_417] : memref<2x640x64xf32, #tpu.memory_space<vmem>> -> memref<1x400x64xf32, #tpu.memory_space<vmem>>
    %dma_start3A_419 = tpu.memref_squeeze %dma_start3A_418 : memref<1x400x64xf32, #tpu.memory_space<vmem>> -> memref<400x64xf32, #tpu.memory_space<vmem>>
    %dma_start3A_420 = arith.constant 0 : i32
    %dma_start3A_421 = tpu.memref_slice %arg6[%multiple_of3A_375, %dma_start3A_420] : memref<101024x64xf32, #tpu.memory_space<hbm>> -> memref<400x64xf32, #tpu.memory_space<hbm>>
    %dma_start3A_422 = arith.constant 0 : i32
    %dma_start3A_423 = tpu.memref_slice %arg6[%multiple_of3A_375, %dma_start3A_422] : memref<101024x64xf32, #tpu.memory_space<hbm>> -> memref<400x64xf32, #tpu.memory_space<hbm>>
    %dma_start3A_424 = arith.constant 0 : i32
    %dma_start3A_425 = arith.constant 0 : i32
    %dma_start3A_426 = tpu.memref_slice %arg7[%dma_start3A_415, %dma_start3A_424, %dma_start3A_425] : memref<2x640x64xf32, #tpu.memory_space<vmem>> -> memref<1x400x64xf32, #tpu.memory_space<vmem>>
    %dma_start3A_427 = tpu.memref_squeeze %dma_start3A_426 : memref<1x400x64xf32, #tpu.memory_space<vmem>> -> memref<400x64xf32, #tpu.memory_space<vmem>>
    tpu.enqueue_dma source(%dma_start3A_427 : memref<400x64xf32, #tpu.memory_space<vmem>>) target(%dma_start3A_423 : memref<400x64xf32, #tpu.memory_space<hbm>>) target_semaphore(%arg12 : memref<!tpu.dma_semaphore, #tpu.memory_space<semaphore_mem>>)
    %add3A_428 = arith.constant 128 : i32
    %add3A_429 = arith.addi %add3A_428, %arg1 : i32
    %mul3A_430 = arith.constant 400 : i32
    %mul3A_431 = arith.muli %add3A_429, %mul3A_430 : i32
    %multiple_of3A_432 = tpu.assume_multiple %mul3A_431, 8 : i32
    %dma_wait3A_433 = arith.constant 0 : i32
    %dma_wait3A_434 = arith.constant 0 : i32
    %dma_wait3A_435 = arith.constant 0 : i32
    %dma_wait3A_436 = tpu.memref_slice %arg7[%dma_wait3A_433, %dma_wait3A_434, %dma_wait3A_435] : memref<2x640x64xf32, #tpu.memory_space<vmem>> -> memref<1x400x64xf32, #tpu.memory_space<vmem>>
    %dma_wait3A_437 = tpu.memref_squeeze %dma_wait3A_436 : memref<1x400x64xf32, #tpu.memory_space<vmem>> -> memref<400x64xf32, #tpu.memory_space<vmem>>
    %dma_wait3A_438 = arith.constant 0 : i32
    %dma_wait3A_439 = tpu.memref_slice %arg6[%multiple_of3A_318, %dma_wait3A_438] : memref<101024x64xf32, #tpu.memory_space<hbm>> -> memref<400x64xf32, #tpu.memory_space<hbm>>
    %dma_wait3A_440 = arith.constant 0 : i32
    %dma_wait3A_441 = tpu.memref_slice %arg6[%multiple_of3A_318, %dma_wait3A_440] : memref<101024x64xf32, #tpu.memory_space<hbm>> -> memref<400x64xf32, #tpu.memory_space<hbm>>
    %dma_wait3A_442 = arith.constant 0 : i32
    %dma_wait3A_443 = arith.constant 0 : i32
    %dma_wait3A_444 = tpu.memref_slice %arg7[%dma_wait3A_433, %dma_wait3A_442, %dma_wait3A_443] : memref<2x640x64xf32, #tpu.memory_space<vmem>> -> memref<1x400x64xf32, #tpu.memory_space<vmem>>
    %dma_wait3A_445 = tpu.memref_squeeze %dma_wait3A_444 : memref<1x400x64xf32, #tpu.memory_space<vmem>> -> memref<400x64xf32, #tpu.memory_space<vmem>>
    tpu.wait_dma2 semaphore(%arg11 : memref<!tpu.dma_semaphore, #tpu.memory_space<semaphore_mem>>) src(%dma_wait3A_445 : memref<400x64xf32, #tpu.memory_space<vmem>>) dst(%dma_wait3A_441 : memref<400x64xf32, #tpu.memory_space<hbm>>)
    %dma_start3A_446 = arith.constant 0 : i32
    %dma_start3A_447 = arith.constant 0 : i32
    %dma_start3A_448 = arith.constant 0 : i32
    %dma_start3A_449 = tpu.memref_slice %arg7[%dma_start3A_446, %dma_start3A_447, %dma_start3A_448] : memref<2x640x64xf32, #tpu.memory_space<vmem>> -> memref<1x400x64xf32, #tpu.memory_space<vmem>>
    %dma_start3A_450 = tpu.memref_squeeze %dma_start3A_449 : memref<1x400x64xf32, #tpu.memory_space<vmem>> -> memref<400x64xf32, #tpu.memory_space<vmem>>
    %dma_start3A_451 = arith.constant 0 : i32
    %dma_start3A_452 = tpu.memref_slice %arg2[%multiple_of3A_432, %dma_start3A_451] : memref<100000x64xf32, #tpu.memory_space<hbm>> -> memref<400x64xf32, #tpu.memory_space<hbm>>
    %dma_start3A_453 = arith.constant 0 : i32
    %dma_start3A_454 = arith.constant 0 : i32
    %dma_start3A_455 = tpu.memref_slice %arg7[%dma_start3A_446, %dma_start3A_453, %dma_start3A_454] : memref<2x640x64xf32, #tpu.memory_space<vmem>> -> memref<1x400x64xf32, #tpu.memory_space<vmem>>
    %dma_start3A_456 = tpu.memref_squeeze %dma_start3A_455 : memref<1x400x64xf32, #tpu.memory_space<vmem>> -> memref<400x64xf32, #tpu.memory_space<vmem>>
    %dma_start3A_457 = arith.constant 0 : i32
    %dma_start3A_458 = tpu.memref_slice %arg2[%multiple_of3A_432, %dma_start3A_457] : memref<100000x64xf32, #tpu.memory_space<hbm>> -> memref<400x64xf32, #tpu.memory_space<hbm>>
    tpu.enqueue_dma source(%dma_start3A_458 : memref<400x64xf32, #tpu.memory_space<hbm>>) target(%dma_start3A_456 : memref<400x64xf32, #tpu.memory_space<vmem>>) target_semaphore(%arg9 : memref<!tpu.dma_semaphore, #tpu.memory_space<semaphore_mem>>)
    %dma_wait3A_459 = arith.constant 0 : i32
    %dma_wait3A_460 = arith.constant 0 : i32
    %dma_wait3A_461 = arith.constant 0 : i32
    %dma_wait3A_462 = tpu.memref_slice %arg7[%dma_wait3A_459, %dma_wait3A_460, %dma_wait3A_461] : memref<2x640x64xf32, #tpu.memory_space<vmem>> -> memref<1x400x64xf32, #tpu.memory_space<vmem>>
    %dma_wait3A_463 = tpu.memref_squeeze %dma_wait3A_462 : memref<1x400x64xf32, #tpu.memory_space<vmem>> -> memref<400x64xf32, #tpu.memory_space<vmem>>
    %dma_wait3A_464 = arith.constant 0 : i32
    %dma_wait3A_465 = tpu.memref_slice %arg2[%multiple_of3A_432, %dma_wait3A_464] : memref<100000x64xf32, #tpu.memory_space<hbm>> -> memref<400x64xf32, #tpu.memory_space<hbm>>
    %dma_wait3A_466 = arith.constant 0 : i32
    %dma_wait3A_467 = arith.constant 0 : i32
    %dma_wait3A_468 = tpu.memref_slice %arg7[%dma_wait3A_459, %dma_wait3A_466, %dma_wait3A_467] : memref<2x640x64xf32, #tpu.memory_space<vmem>> -> memref<1x400x64xf32, #tpu.memory_space<vmem>>
    %dma_wait3A_469 = tpu.memref_squeeze %dma_wait3A_468 : memref<1x400x64xf32, #tpu.memory_space<vmem>> -> memref<400x64xf32, #tpu.memory_space<vmem>>
    %dma_wait3A_470 = arith.constant 0 : i32
    %dma_wait3A_471 = tpu.memref_slice %arg2[%multiple_of3A_432, %dma_wait3A_470] : memref<100000x64xf32, #tpu.memory_space<hbm>> -> memref<400x64xf32, #tpu.memory_space<hbm>>
    tpu.wait_dma2 semaphore(%arg9 : memref<!tpu.dma_semaphore, #tpu.memory_space<semaphore_mem>>) src(%dma_wait3A_471 : memref<400x64xf32, #tpu.memory_space<hbm>>) dst(%dma_wait3A_469 : memref<400x64xf32, #tpu.memory_space<vmem>>)
    %dma_start3A_472 = arith.constant 0 : i32
    %dma_start3A_473 = arith.constant 0 : i32
    %dma_start3A_474 = arith.constant 0 : i32
    %dma_start3A_475 = tpu.memref_slice %arg7[%dma_start3A_472, %dma_start3A_473, %dma_start3A_474] : memref<2x640x64xf32, #tpu.memory_space<vmem>> -> memref<1x400x64xf32, #tpu.memory_space<vmem>>
    %dma_start3A_476 = tpu.memref_squeeze %dma_start3A_475 : memref<1x400x64xf32, #tpu.memory_space<vmem>> -> memref<400x64xf32, #tpu.memory_space<vmem>>
    %dma_start3A_477 = arith.constant 0 : i32
    %dma_start3A_478 = tpu.memref_slice %arg6[%multiple_of3A_432, %dma_start3A_477] : memref<101024x64xf32, #tpu.memory_space<hbm>> -> memref<400x64xf32, #tpu.memory_space<hbm>>
    %dma_start3A_479 = arith.constant 0 : i32
    %dma_start3A_480 = tpu.memref_slice %arg6[%multiple_of3A_432, %dma_start3A_479] : memref<101024x64xf32, #tpu.memory_space<hbm>> -> memref<400x64xf32, #tpu.memory_space<hbm>>
    %dma_start3A_481 = arith.constant 0 : i32
    %dma_start3A_482 = arith.constant 0 : i32
    %dma_start3A_483 = tpu.memref_slice %arg7[%dma_start3A_472, %dma_start3A_481, %dma_start3A_482] : memref<2x640x64xf32, #tpu.memory_space<vmem>> -> memref<1x400x64xf32, #tpu.memory_space<vmem>>
    %dma_start3A_484 = tpu.memref_squeeze %dma_start3A_483 : memref<1x400x64xf32, #tpu.memory_space<vmem>> -> memref<400x64xf32, #tpu.memory_space<vmem>>
    tpu.enqueue_dma source(%dma_start3A_484 : memref<400x64xf32, #tpu.memory_space<vmem>>) target(%dma_start3A_480 : memref<400x64xf32, #tpu.memory_space<hbm>>) target_semaphore(%arg11 : memref<!tpu.dma_semaphore, #tpu.memory_space<semaphore_mem>>)
    %add3A_485 = arith.constant 144 : i32
    %add3A_486 = arith.addi %add3A_485, %arg1 : i32
    %mul3A_487 = arith.constant 400 : i32
    %mul3A_488 = arith.muli %add3A_486, %mul3A_487 : i32
    %multiple_of3A_489 = tpu.assume_multiple %mul3A_488, 8 : i32
    %dma_wait3A_490 = arith.constant 1 : i32
    %dma_wait3A_491 = arith.constant 0 : i32
    %dma_wait3A_492 = arith.constant 0 : i32
    %dma_wait3A_493 = tpu.memref_slice %arg7[%dma_wait3A_490, %dma_wait3A_491, %dma_wait3A_492] : memref<2x640x64xf32, #tpu.memory_space<vmem>> -> memref<1x400x64xf32, #tpu.memory_space<vmem>>
    %dma_wait3A_494 = tpu.memref_squeeze %dma_wait3A_493 : memref<1x400x64xf32, #tpu.memory_space<vmem>> -> memref<400x64xf32, #tpu.memory_space<vmem>>
    %dma_wait3A_495 = arith.constant 0 : i32
    %dma_wait3A_496 = tpu.memref_slice %arg6[%multiple_of3A_375, %dma_wait3A_495] : memref<101024x64xf32, #tpu.memory_space<hbm>> -> memref<400x64xf32, #tpu.memory_space<hbm>>
    %dma_wait3A_497 = arith.constant 0 : i32
    %dma_wait3A_498 = tpu.memref_slice %arg6[%multiple_of3A_375, %dma_wait3A_497] : memref<101024x64xf32, #tpu.memory_space<hbm>> -> memref<400x64xf32, #tpu.memory_space<hbm>>
    %dma_wait3A_499 = arith.constant 0 : i32
    %dma_wait3A_500 = arith.constant 0 : i32
    %dma_wait3A_501 = tpu.memref_slice %arg7[%dma_wait3A_490, %dma_wait3A_499, %dma_wait3A_500] : memref<2x640x64xf32, #tpu.memory_space<vmem>> -> memref<1x400x64xf32, #tpu.memory_space<vmem>>
    %dma_wait3A_502 = tpu.memref_squeeze %dma_wait3A_501 : memref<1x400x64xf32, #tpu.memory_space<vmem>> -> memref<400x64xf32, #tpu.memory_space<vmem>>
    tpu.wait_dma2 semaphore(%arg12 : memref<!tpu.dma_semaphore, #tpu.memory_space<semaphore_mem>>) src(%dma_wait3A_502 : memref<400x64xf32, #tpu.memory_space<vmem>>) dst(%dma_wait3A_498 : memref<400x64xf32, #tpu.memory_space<hbm>>)
    %dma_start3A_503 = arith.constant 1 : i32
    %dma_start3A_504 = arith.constant 0 : i32
    %dma_start3A_505 = arith.constant 0 : i32
    %dma_start3A_506 = tpu.memref_slice %arg7[%dma_start3A_503, %dma_start3A_504, %dma_start3A_505] : memref<2x640x64xf32, #tpu.memory_space<vmem>> -> memref<1x400x64xf32, #tpu.memory_space<vmem>>
    %dma_start3A_507 = tpu.memref_squeeze %dma_start3A_506 : memref<1x400x64xf32, #tpu.memory_space<vmem>> -> memref<400x64xf32, #tpu.memory_space<vmem>>
    %dma_start3A_508 = arith.constant 0 : i32
    %dma_start3A_509 = tpu.memref_slice %arg2[%multiple_of3A_489, %dma_start3A_508] : memref<100000x64xf32, #tpu.memory_space<hbm>> -> memref<400x64xf32, #tpu.memory_space<hbm>>
    %dma_start3A_510 = arith.constant 0 : i32
    %dma_start3A_511 = arith.constant 0 : i32
    %dma_start3A_512 = tpu.memref_slice %arg7[%dma_start3A_503, %dma_start3A_510, %dma_start3A_511] : memref<2x640x64xf32, #tpu.memory_space<vmem>> -> memref<1x400x64xf32, #tpu.memory_space<vmem>>
    %dma_start3A_513 = tpu.memref_squeeze %dma_start3A_512 : memref<1x400x64xf32, #tpu.memory_space<vmem>> -> memref<400x64xf32, #tpu.memory_space<vmem>>
    %dma_start3A_514 = arith.constant 0 : i32
    %dma_start3A_515 = tpu.memref_slice %arg2[%multiple_of3A_489, %dma_start3A_514] : memref<100000x64xf32, #tpu.memory_space<hbm>> -> memref<400x64xf32, #tpu.memory_space<hbm>>
    tpu.enqueue_dma source(%dma_start3A_515 : memref<400x64xf32, #tpu.memory_space<hbm>>) target(%dma_start3A_513 : memref<400x64xf32, #tpu.memory_space<vmem>>) target_semaphore(%arg10 : memref<!tpu.dma_semaphore, #tpu.memory_space<semaphore_mem>>)
    %dma_wait3A_516 = arith.constant 1 : i32
    %dma_wait3A_517 = arith.constant 0 : i32
    %dma_wait3A_518 = arith.constant 0 : i32
    %dma_wait3A_519 = tpu.memref_slice %arg7[%dma_wait3A_516, %dma_wait3A_517, %dma_wait3A_518] : memref<2x640x64xf32, #tpu.memory_space<vmem>> -> memref<1x400x64xf32, #tpu.memory_space<vmem>>
    %dma_wait3A_520 = tpu.memref_squeeze %dma_wait3A_519 : memref<1x400x64xf32, #tpu.memory_space<vmem>> -> memref<400x64xf32, #tpu.memory_space<vmem>>
    %dma_wait3A_521 = arith.constant 0 : i32
    %dma_wait3A_522 = tpu.memref_slice %arg2[%multiple_of3A_489, %dma_wait3A_521] : memref<100000x64xf32, #tpu.memory_space<hbm>> -> memref<400x64xf32, #tpu.memory_space<hbm>>
    %dma_wait3A_523 = arith.constant 0 : i32
    %dma_wait3A_524 = arith.constant 0 : i32
    %dma_wait3A_525 = tpu.memref_slice %arg7[%dma_wait3A_516, %dma_wait3A_523, %dma_wait3A_524] : memref<2x640x64xf32, #tpu.memory_space<vmem>> -> memref<1x400x64xf32, #tpu.memory_space<vmem>>
    %dma_wait3A_526 = tpu.memref_squeeze %dma_wait3A_525 : memref<1x400x64xf32, #tpu.memory_space<vmem>> -> memref<400x64xf32, #tpu.memory_space<vmem>>
    %dma_wait3A_527 = arith.constant 0 : i32
    %dma_wait3A_528 = tpu.memref_slice %arg2[%multiple_of3A_489, %dma_wait3A_527] : memref<100000x64xf32, #tpu.memory_space<hbm>> -> memref<400x64xf32, #tpu.memory_space<hbm>>
    tpu.wait_dma2 semaphore(%arg10 : memref<!tpu.dma_semaphore, #tpu.memory_space<semaphore_mem>>) src(%dma_wait3A_528 : memref<400x64xf32, #tpu.memory_space<hbm>>) dst(%dma_wait3A_526 : memref<400x64xf32, #tpu.memory_space<vmem>>)
    %dma_start3A_529 = arith.constant 1 : i32
    %dma_start3A_530 = arith.constant 0 : i32
    %dma_start3A_531 = arith.constant 0 : i32
    %dma_start3A_532 = tpu.memref_slice %arg7[%dma_start3A_529, %dma_start3A_530, %dma_start3A_531] : memref<2x640x64xf32, #tpu.memory_space<vmem>> -> memref<1x400x64xf32, #tpu.memory_space<vmem>>
    %dma_start3A_533 = tpu.memref_squeeze %dma_start3A_532 : memref<1x400x64xf32, #tpu.memory_space<vmem>> -> memref<400x64xf32, #tpu.memory_space<vmem>>
    %dma_start3A_534 = arith.constant 0 : i32
    %dma_start3A_535 = tpu.memref_slice %arg6[%multiple_of3A_489, %dma_start3A_534] : memref<101024x64xf32, #tpu.memory_space<hbm>> -> memref<400x64xf32, #tpu.memory_space<hbm>>
    %dma_start3A_536 = arith.constant 0 : i32
    %dma_start3A_537 = tpu.memref_slice %arg6[%multiple_of3A_489, %dma_start3A_536] : memref<101024x64xf32, #tpu.memory_space<hbm>> -> memref<400x64xf32, #tpu.memory_space<hbm>>
    %dma_start3A_538 = arith.constant 0 : i32
    %dma_start3A_539 = arith.constant 0 : i32
    %dma_start3A_540 = tpu.memref_slice %arg7[%dma_start3A_529, %dma_start3A_538, %dma_start3A_539] : memref<2x640x64xf32, #tpu.memory_space<vmem>> -> memref<1x400x64xf32, #tpu.memory_space<vmem>>
    %dma_start3A_541 = tpu.memref_squeeze %dma_start3A_540 : memref<1x400x64xf32, #tpu.memory_space<vmem>> -> memref<400x64xf32, #tpu.memory_space<vmem>>
    tpu.enqueue_dma source(%dma_start3A_541 : memref<400x64xf32, #tpu.memory_space<vmem>>) target(%dma_start3A_537 : memref<400x64xf32, #tpu.memory_space<hbm>>) target_semaphore(%arg12 : memref<!tpu.dma_semaphore, #tpu.memory_space<semaphore_mem>>)
    %add3A_542 = arith.constant 160 : i32
    %add3A_543 = arith.addi %add3A_542, %arg1 : i32
    %mul3A_544 = arith.constant 400 : i32
    %mul3A_545 = arith.muli %add3A_543, %mul3A_544 : i32
    %multiple_of3A_546 = tpu.assume_multiple %mul3A_545, 8 : i32
    %dma_wait3A_547 = arith.constant 0 : i32
    %dma_wait3A_548 = arith.constant 0 : i32
    %dma_wait3A_549 = arith.constant 0 : i32
    %dma_wait3A_550 = tpu.memref_slice %arg7[%dma_wait3A_547, %dma_wait3A_548, %dma_wait3A_549] : memref<2x640x64xf32, #tpu.memory_space<vmem>> -> memref<1x400x64xf32, #tpu.memory_space<vmem>>
    %dma_wait3A_551 = tpu.memref_squeeze %dma_wait3A_550 : memref<1x400x64xf32, #tpu.memory_space<vmem>> -> memref<400x64xf32, #tpu.memory_space<vmem>>
    %dma_wait3A_552 = arith.constant 0 : i32
    %dma_wait3A_553 = tpu.memref_slice %arg6[%multiple_of3A_432, %dma_wait3A_552] : memref<101024x64xf32, #tpu.memory_space<hbm>> -> memref<400x64xf32, #tpu.memory_space<hbm>>
    %dma_wait3A_554 = arith.constant 0 : i32
    %dma_wait3A_555 = tpu.memref_slice %arg6[%multiple_of3A_432, %dma_wait3A_554] : memref<101024x64xf32, #tpu.memory_space<hbm>> -> memref<400x64xf32, #tpu.memory_space<hbm>>
    %dma_wait3A_556 = arith.constant 0 : i32
    %dma_wait3A_557 = arith.constant 0 : i32
    %dma_wait3A_558 = tpu.memref_slice %arg7[%dma_wait3A_547, %dma_wait3A_556, %dma_wait3A_557] : memref<2x640x64xf32, #tpu.memory_space<vmem>> -> memref<1x400x64xf32, #tpu.memory_space<vmem>>
    %dma_wait3A_559 = tpu.memref_squeeze %dma_wait3A_558 : memref<1x400x64xf32, #tpu.memory_space<vmem>> -> memref<400x64xf32, #tpu.memory_space<vmem>>
    tpu.wait_dma2 semaphore(%arg11 : memref<!tpu.dma_semaphore, #tpu.memory_space<semaphore_mem>>) src(%dma_wait3A_559 : memref<400x64xf32, #tpu.memory_space<vmem>>) dst(%dma_wait3A_555 : memref<400x64xf32, #tpu.memory_space<hbm>>)
    %dma_start3A_560 = arith.constant 0 : i32
    %dma_start3A_561 = arith.constant 0 : i32
    %dma_start3A_562 = arith.constant 0 : i32
    %dma_start3A_563 = tpu.memref_slice %arg7[%dma_start3A_560, %dma_start3A_561, %dma_start3A_562] : memref<2x640x64xf32, #tpu.memory_space<vmem>> -> memref<1x400x64xf32, #tpu.memory_space<vmem>>
    %dma_start3A_564 = tpu.memref_squeeze %dma_start3A_563 : memref<1x400x64xf32, #tpu.memory_space<vmem>> -> memref<400x64xf32, #tpu.memory_space<vmem>>
    %dma_start3A_565 = arith.constant 0 : i32
    %dma_start3A_566 = tpu.memref_slice %arg2[%multiple_of3A_546, %dma_start3A_565] : memref<100000x64xf32, #tpu.memory_space<hbm>> -> memref<400x64xf32, #tpu.memory_space<hbm>>
    %dma_start3A_567 = arith.constant 0 : i32
    %dma_start3A_568 = arith.constant 0 : i32
    %dma_start3A_569 = tpu.memref_slice %arg7[%dma_start3A_560, %dma_start3A_567, %dma_start3A_568] : memref<2x640x64xf32, #tpu.memory_space<vmem>> -> memref<1x400x64xf32, #tpu.memory_space<vmem>>
    %dma_start3A_570 = tpu.memref_squeeze %dma_start3A_569 : memref<1x400x64xf32, #tpu.memory_space<vmem>> -> memref<400x64xf32, #tpu.memory_space<vmem>>
    %dma_start3A_571 = arith.constant 0 : i32
    %dma_start3A_572 = tpu.memref_slice %arg2[%multiple_of3A_546, %dma_start3A_571] : memref<100000x64xf32, #tpu.memory_space<hbm>> -> memref<400x64xf32, #tpu.memory_space<hbm>>
    tpu.enqueue_dma source(%dma_start3A_572 : memref<400x64xf32, #tpu.memory_space<hbm>>) target(%dma_start3A_570 : memref<400x64xf32, #tpu.memory_space<vmem>>) target_semaphore(%arg9 : memref<!tpu.dma_semaphore, #tpu.memory_space<semaphore_mem>>)
    %dma_wait3A_573 = arith.constant 0 : i32
    %dma_wait3A_574 = arith.constant 0 : i32
    %dma_wait3A_575 = arith.constant 0 : i32
    %dma_wait3A_576 = tpu.memref_slice %arg7[%dma_wait3A_573, %dma_wait3A_574, %dma_wait3A_575] : memref<2x640x64xf32, #tpu.memory_space<vmem>> -> memref<1x400x64xf32, #tpu.memory_space<vmem>>
    %dma_wait3A_577 = tpu.memref_squeeze %dma_wait3A_576 : memref<1x400x64xf32, #tpu.memory_space<vmem>> -> memref<400x64xf32, #tpu.memory_space<vmem>>
    %dma_wait3A_578 = arith.constant 0 : i32
    %dma_wait3A_579 = tpu.memref_slice %arg2[%multiple_of3A_546, %dma_wait3A_578] : memref<100000x64xf32, #tpu.memory_space<hbm>> -> memref<400x64xf32, #tpu.memory_space<hbm>>
    %dma_wait3A_580 = arith.constant 0 : i32
    %dma_wait3A_581 = arith.constant 0 : i32
    %dma_wait3A_582 = tpu.memref_slice %arg7[%dma_wait3A_573, %dma_wait3A_580, %dma_wait3A_581] : memref<2x640x64xf32, #tpu.memory_space<vmem>> -> memref<1x400x64xf32, #tpu.memory_space<vmem>>
    %dma_wait3A_583 = tpu.memref_squeeze %dma_wait3A_582 : memref<1x400x64xf32, #tpu.memory_space<vmem>> -> memref<400x64xf32, #tpu.memory_space<vmem>>
    %dma_wait3A_584 = arith.constant 0 : i32
    %dma_wait3A_585 = tpu.memref_slice %arg2[%multiple_of3A_546, %dma_wait3A_584] : memref<100000x64xf32, #tpu.memory_space<hbm>> -> memref<400x64xf32, #tpu.memory_space<hbm>>
    tpu.wait_dma2 semaphore(%arg9 : memref<!tpu.dma_semaphore, #tpu.memory_space<semaphore_mem>>) src(%dma_wait3A_585 : memref<400x64xf32, #tpu.memory_space<hbm>>) dst(%dma_wait3A_583 : memref<400x64xf32, #tpu.memory_space<vmem>>)
    %dma_start3A_586 = arith.constant 0 : i32
    %dma_start3A_587 = arith.constant 0 : i32
    %dma_start3A_588 = arith.constant 0 : i32
    %dma_start3A_589 = tpu.memref_slice %arg7[%dma_start3A_586, %dma_start3A_587, %dma_start3A_588] : memref<2x640x64xf32, #tpu.memory_space<vmem>> -> memref<1x400x64xf32, #tpu.memory_space<vmem>>
    %dma_start3A_590 = tpu.memref_squeeze %dma_start3A_589 : memref<1x400x64xf32, #tpu.memory_space<vmem>> -> memref<400x64xf32, #tpu.memory_space<vmem>>
    %dma_start3A_591 = arith.constant 0 : i32
    %dma_start3A_592 = tpu.memref_slice %arg6[%multiple_of3A_546, %dma_start3A_591] : memref<101024x64xf32, #tpu.memory_space<hbm>> -> memref<400x64xf32, #tpu.memory_space<hbm>>
    %dma_start3A_593 = arith.constant 0 : i32
    %dma_start3A_594 = tpu.memref_slice %arg6[%multiple_of3A_546, %dma_start3A_593] : memref<101024x64xf32, #tpu.memory_space<hbm>> -> memref<400x64xf32, #tpu.memory_space<hbm>>
    %dma_start3A_595 = arith.constant 0 : i32
    %dma_start3A_596 = arith.constant 0 : i32
    %dma_start3A_597 = tpu.memref_slice %arg7[%dma_start3A_586, %dma_start3A_595, %dma_start3A_596] : memref<2x640x64xf32, #tpu.memory_space<vmem>> -> memref<1x400x64xf32, #tpu.memory_space<vmem>>
    %dma_start3A_598 = tpu.memref_squeeze %dma_start3A_597 : memref<1x400x64xf32, #tpu.memory_space<vmem>> -> memref<400x64xf32, #tpu.memory_space<vmem>>
    tpu.enqueue_dma source(%dma_start3A_598 : memref<400x64xf32, #tpu.memory_space<vmem>>) target(%dma_start3A_594 : memref<400x64xf32, #tpu.memory_space<hbm>>) target_semaphore(%arg11 : memref<!tpu.dma_semaphore, #tpu.memory_space<semaphore_mem>>)
    %add3A_599 = arith.constant 176 : i32
    %add3A_600 = arith.addi %add3A_599, %arg1 : i32
    %mul3A_601 = arith.constant 400 : i32
    %mul3A_602 = arith.muli %add3A_600, %mul3A_601 : i32
    %multiple_of3A_603 = tpu.assume_multiple %mul3A_602, 8 : i32
    %dma_wait3A_604 = arith.constant 1 : i32
    %dma_wait3A_605 = arith.constant 0 : i32
    %dma_wait3A_606 = arith.constant 0 : i32
    %dma_wait3A_607 = tpu.memref_slice %arg7[%dma_wait3A_604, %dma_wait3A_605, %dma_wait3A_606] : memref<2x640x64xf32, #tpu.memory_space<vmem>> -> memref<1x400x64xf32, #tpu.memory_space<vmem>>
    %dma_wait3A_608 = tpu.memref_squeeze %dma_wait3A_607 : memref<1x400x64xf32, #tpu.memory_space<vmem>> -> memref<400x64xf32, #tpu.memory_space<vmem>>
    %dma_wait3A_609 = arith.constant 0 : i32
    %dma_wait3A_610 = tpu.memref_slice %arg6[%multiple_of3A_489, %dma_wait3A_609] : memref<101024x64xf32, #tpu.memory_space<hbm>> -> memref<400x64xf32, #tpu.memory_space<hbm>>
    %dma_wait3A_611 = arith.constant 0 : i32
    %dma_wait3A_612 = tpu.memref_slice %arg6[%multiple_of3A_489, %dma_wait3A_611] : memref<101024x64xf32, #tpu.memory_space<hbm>> -> memref<400x64xf32, #tpu.memory_space<hbm>>
    %dma_wait3A_613 = arith.constant 0 : i32
    %dma_wait3A_614 = arith.constant 0 : i32
    %dma_wait3A_615 = tpu.memref_slice %arg7[%dma_wait3A_604, %dma_wait3A_613, %dma_wait3A_614] : memref<2x640x64xf32, #tpu.memory_space<vmem>> -> memref<1x400x64xf32, #tpu.memory_space<vmem>>
    %dma_wait3A_616 = tpu.memref_squeeze %dma_wait3A_615 : memref<1x400x64xf32, #tpu.memory_space<vmem>> -> memref<400x64xf32, #tpu.memory_space<vmem>>
    tpu.wait_dma2 semaphore(%arg12 : memref<!tpu.dma_semaphore, #tpu.memory_space<semaphore_mem>>) src(%dma_wait3A_616 : memref<400x64xf32, #tpu.memory_space<vmem>>) dst(%dma_wait3A_612 : memref<400x64xf32, #tpu.memory_space<hbm>>)
    %dma_start3A_617 = arith.constant 1 : i32
    %dma_start3A_618 = arith.constant 0 : i32
    %dma_start3A_619 = arith.constant 0 : i32
    %dma_start3A_620 = tpu.memref_slice %arg7[%dma_start3A_617, %dma_start3A_618, %dma_start3A_619] : memref<2x640x64xf32, #tpu.memory_space<vmem>> -> memref<1x400x64xf32, #tpu.memory_space<vmem>>
    %dma_start3A_621 = tpu.memref_squeeze %dma_start3A_620 : memref<1x400x64xf32, #tpu.memory_space<vmem>> -> memref<400x64xf32, #tpu.memory_space<vmem>>
    %dma_start3A_622 = arith.constant 0 : i32
    %dma_start3A_623 = tpu.memref_slice %arg2[%multiple_of3A_603, %dma_start3A_622] : memref<100000x64xf32, #tpu.memory_space<hbm>> -> memref<400x64xf32, #tpu.memory_space<hbm>>
    %dma_start3A_624 = arith.constant 0 : i32
    %dma_start3A_625 = arith.constant 0 : i32
    %dma_start3A_626 = tpu.memref_slice %arg7[%dma_start3A_617, %dma_start3A_624, %dma_start3A_625] : memref<2x640x64xf32, #tpu.memory_space<vmem>> -> memref<1x400x64xf32, #tpu.memory_space<vmem>>
    %dma_start3A_627 = tpu.memref_squeeze %dma_start3A_626 : memref<1x400x64xf32, #tpu.memory_space<vmem>> -> memref<400x64xf32, #tpu.memory_space<vmem>>
    %dma_start3A_628 = arith.constant 0 : i32
    %dma_start3A_629 = tpu.memref_slice %arg2[%multiple_of3A_603, %dma_start3A_628] : memref<100000x64xf32, #tpu.memory_space<hbm>> -> memref<400x64xf32, #tpu.memory_space<hbm>>
    tpu.enqueue_dma source(%dma_start3A_629 : memref<400x64xf32, #tpu.memory_space<hbm>>) target(%dma_start3A_627 : memref<400x64xf32, #tpu.memory_space<vmem>>) target_semaphore(%arg10 : memref<!tpu.dma_semaphore, #tpu.memory_space<semaphore_mem>>)
    %dma_wait3A_630 = arith.constant 1 : i32
    %dma_wait3A_631 = arith.constant 0 : i32
    %dma_wait3A_632 = arith.constant 0 : i32
    %dma_wait3A_633 = tpu.memref_slice %arg7[%dma_wait3A_630, %dma_wait3A_631, %dma_wait3A_632] : memref<2x640x64xf32, #tpu.memory_space<vmem>> -> memref<1x400x64xf32, #tpu.memory_space<vmem>>
    %dma_wait3A_634 = tpu.memref_squeeze %dma_wait3A_633 : memref<1x400x64xf32, #tpu.memory_space<vmem>> -> memref<400x64xf32, #tpu.memory_space<vmem>>
    %dma_wait3A_635 = arith.constant 0 : i32
    %dma_wait3A_636 = tpu.memref_slice %arg2[%multiple_of3A_603, %dma_wait3A_635] : memref<100000x64xf32, #tpu.memory_space<hbm>> -> memref<400x64xf32, #tpu.memory_space<hbm>>
    %dma_wait3A_637 = arith.constant 0 : i32
    %dma_wait3A_638 = arith.constant 0 : i32
    %dma_wait3A_639 = tpu.memref_slice %arg7[%dma_wait3A_630, %dma_wait3A_637, %dma_wait3A_638] : memref<2x640x64xf32, #tpu.memory_space<vmem>> -> memref<1x400x64xf32, #tpu.memory_space<vmem>>
    %dma_wait3A_640 = tpu.memref_squeeze %dma_wait3A_639 : memref<1x400x64xf32, #tpu.memory_space<vmem>> -> memref<400x64xf32, #tpu.memory_space<vmem>>
    %dma_wait3A_641 = arith.constant 0 : i32
    %dma_wait3A_642 = tpu.memref_slice %arg2[%multiple_of3A_603, %dma_wait3A_641] : memref<100000x64xf32, #tpu.memory_space<hbm>> -> memref<400x64xf32, #tpu.memory_space<hbm>>
    tpu.wait_dma2 semaphore(%arg10 : memref<!tpu.dma_semaphore, #tpu.memory_space<semaphore_mem>>) src(%dma_wait3A_642 : memref<400x64xf32, #tpu.memory_space<hbm>>) dst(%dma_wait3A_640 : memref<400x64xf32, #tpu.memory_space<vmem>>)
    %dma_start3A_643 = arith.constant 1 : i32
    %dma_start3A_644 = arith.constant 0 : i32
    %dma_start3A_645 = arith.constant 0 : i32
    %dma_start3A_646 = tpu.memref_slice %arg7[%dma_start3A_643, %dma_start3A_644, %dma_start3A_645] : memref<2x640x64xf32, #tpu.memory_space<vmem>> -> memref<1x400x64xf32, #tpu.memory_space<vmem>>
    %dma_start3A_647 = tpu.memref_squeeze %dma_start3A_646 : memref<1x400x64xf32, #tpu.memory_space<vmem>> -> memref<400x64xf32, #tpu.memory_space<vmem>>
    %dma_start3A_648 = arith.constant 0 : i32
    %dma_start3A_649 = tpu.memref_slice %arg6[%multiple_of3A_603, %dma_start3A_648] : memref<101024x64xf32, #tpu.memory_space<hbm>> -> memref<400x64xf32, #tpu.memory_space<hbm>>
    %dma_start3A_650 = arith.constant 0 : i32
    %dma_start3A_651 = tpu.memref_slice %arg6[%multiple_of3A_603, %dma_start3A_650] : memref<101024x64xf32, #tpu.memory_space<hbm>> -> memref<400x64xf32, #tpu.memory_space<hbm>>
    %dma_start3A_652 = arith.constant 0 : i32
    %dma_start3A_653 = arith.constant 0 : i32
    %dma_start3A_654 = tpu.memref_slice %arg7[%dma_start3A_643, %dma_start3A_652, %dma_start3A_653] : memref<2x640x64xf32, #tpu.memory_space<vmem>> -> memref<1x400x64xf32, #tpu.memory_space<vmem>>
    %dma_start3A_655 = tpu.memref_squeeze %dma_start3A_654 : memref<1x400x64xf32, #tpu.memory_space<vmem>> -> memref<400x64xf32, #tpu.memory_space<vmem>>
    tpu.enqueue_dma source(%dma_start3A_655 : memref<400x64xf32, #tpu.memory_space<vmem>>) target(%dma_start3A_651 : memref<400x64xf32, #tpu.memory_space<hbm>>) target_semaphore(%arg12 : memref<!tpu.dma_semaphore, #tpu.memory_space<semaphore_mem>>)
    %add3A_656 = arith.constant 192 : i32
    %add3A_657 = arith.addi %add3A_656, %arg1 : i32
    %mul3A_658 = arith.constant 400 : i32
    %mul3A_659 = arith.muli %add3A_657, %mul3A_658 : i32
    %multiple_of3A_660 = tpu.assume_multiple %mul3A_659, 8 : i32
    %dma_wait3A_661 = arith.constant 0 : i32
    %dma_wait3A_662 = arith.constant 0 : i32
    %dma_wait3A_663 = arith.constant 0 : i32
    %dma_wait3A_664 = tpu.memref_slice %arg7[%dma_wait3A_661, %dma_wait3A_662, %dma_wait3A_663] : memref<2x640x64xf32, #tpu.memory_space<vmem>> -> memref<1x400x64xf32, #tpu.memory_space<vmem>>
    %dma_wait3A_665 = tpu.memref_squeeze %dma_wait3A_664 : memref<1x400x64xf32, #tpu.memory_space<vmem>> -> memref<400x64xf32, #tpu.memory_space<vmem>>
    %dma_wait3A_666 = arith.constant 0 : i32
    %dma_wait3A_667 = tpu.memref_slice %arg6[%multiple_of3A_546, %dma_wait3A_666] : memref<101024x64xf32, #tpu.memory_space<hbm>> -> memref<400x64xf32, #tpu.memory_space<hbm>>
    %dma_wait3A_668 = arith.constant 0 : i32
    %dma_wait3A_669 = tpu.memref_slice %arg6[%multiple_of3A_546, %dma_wait3A_668] : memref<101024x64xf32, #tpu.memory_space<hbm>> -> memref<400x64xf32, #tpu.memory_space<hbm>>
    %dma_wait3A_670 = arith.constant 0 : i32
    %dma_wait3A_671 = arith.constant 0 : i32
    %dma_wait3A_672 = tpu.memref_slice %arg7[%dma_wait3A_661, %dma_wait3A_670, %dma_wait3A_671] : memref<2x640x64xf32, #tpu.memory_space<vmem>> -> memref<1x400x64xf32, #tpu.memory_space<vmem>>
    %dma_wait3A_673 = tpu.memref_squeeze %dma_wait3A_672 : memref<1x400x64xf32, #tpu.memory_space<vmem>> -> memref<400x64xf32, #tpu.memory_space<vmem>>
    tpu.wait_dma2 semaphore(%arg11 : memref<!tpu.dma_semaphore, #tpu.memory_space<semaphore_mem>>) src(%dma_wait3A_673 : memref<400x64xf32, #tpu.memory_space<vmem>>) dst(%dma_wait3A_669 : memref<400x64xf32, #tpu.memory_space<hbm>>)
    %dma_start3A_674 = arith.constant 0 : i32
    %dma_start3A_675 = arith.constant 0 : i32
    %dma_start3A_676 = arith.constant 0 : i32
    %dma_start3A_677 = tpu.memref_slice %arg7[%dma_start3A_674, %dma_start3A_675, %dma_start3A_676] : memref<2x640x64xf32, #tpu.memory_space<vmem>> -> memref<1x400x64xf32, #tpu.memory_space<vmem>>
    %dma_start3A_678 = tpu.memref_squeeze %dma_start3A_677 : memref<1x400x64xf32, #tpu.memory_space<vmem>> -> memref<400x64xf32, #tpu.memory_space<vmem>>
    %dma_start3A_679 = arith.constant 0 : i32
    %dma_start3A_680 = tpu.memref_slice %arg2[%multiple_of3A_660, %dma_start3A_679] : memref<100000x64xf32, #tpu.memory_space<hbm>> -> memref<400x64xf32, #tpu.memory_space<hbm>>
    %dma_start3A_681 = arith.constant 0 : i32
    %dma_start3A_682 = arith.constant 0 : i32
    %dma_start3A_683 = tpu.memref_slice %arg7[%dma_start3A_674, %dma_start3A_681, %dma_start3A_682] : memref<2x640x64xf32, #tpu.memory_space<vmem>> -> memref<1x400x64xf32, #tpu.memory_space<vmem>>
    %dma_start3A_684 = tpu.memref_squeeze %dma_start3A_683 : memref<1x400x64xf32, #tpu.memory_space<vmem>> -> memref<400x64xf32, #tpu.memory_space<vmem>>
    %dma_start3A_685 = arith.constant 0 : i32
    %dma_start3A_686 = tpu.memref_slice %arg2[%multiple_of3A_660, %dma_start3A_685] : memref<100000x64xf32, #tpu.memory_space<hbm>> -> memref<400x64xf32, #tpu.memory_space<hbm>>
    tpu.enqueue_dma source(%dma_start3A_686 : memref<400x64xf32, #tpu.memory_space<hbm>>) target(%dma_start3A_684 : memref<400x64xf32, #tpu.memory_space<vmem>>) target_semaphore(%arg9 : memref<!tpu.dma_semaphore, #tpu.memory_space<semaphore_mem>>)
    %dma_wait3A_687 = arith.constant 0 : i32
    %dma_wait3A_688 = arith.constant 0 : i32
    %dma_wait3A_689 = arith.constant 0 : i32
    %dma_wait3A_690 = tpu.memref_slice %arg7[%dma_wait3A_687, %dma_wait3A_688, %dma_wait3A_689] : memref<2x640x64xf32, #tpu.memory_space<vmem>> -> memref<1x400x64xf32, #tpu.memory_space<vmem>>
    %dma_wait3A_691 = tpu.memref_squeeze %dma_wait3A_690 : memref<1x400x64xf32, #tpu.memory_space<vmem>> -> memref<400x64xf32, #tpu.memory_space<vmem>>
    %dma_wait3A_692 = arith.constant 0 : i32
    %dma_wait3A_693 = tpu.memref_slice %arg2[%multiple_of3A_660, %dma_wait3A_692] : memref<100000x64xf32, #tpu.memory_space<hbm>> -> memref<400x64xf32, #tpu.memory_space<hbm>>
    %dma_wait3A_694 = arith.constant 0 : i32
    %dma_wait3A_695 = arith.constant 0 : i32
    %dma_wait3A_696 = tpu.memref_slice %arg7[%dma_wait3A_687, %dma_wait3A_694, %dma_wait3A_695] : memref<2x640x64xf32, #tpu.memory_space<vmem>> -> memref<1x400x64xf32, #tpu.memory_space<vmem>>
    %dma_wait3A_697 = tpu.memref_squeeze %dma_wait3A_696 : memref<1x400x64xf32, #tpu.memory_space<vmem>> -> memref<400x64xf32, #tpu.memory_space<vmem>>
    %dma_wait3A_698 = arith.constant 0 : i32
    %dma_wait3A_699 = tpu.memref_slice %arg2[%multiple_of3A_660, %dma_wait3A_698] : memref<100000x64xf32, #tpu.memory_space<hbm>> -> memref<400x64xf32, #tpu.memory_space<hbm>>
    tpu.wait_dma2 semaphore(%arg9 : memref<!tpu.dma_semaphore, #tpu.memory_space<semaphore_mem>>) src(%dma_wait3A_699 : memref<400x64xf32, #tpu.memory_space<hbm>>) dst(%dma_wait3A_697 : memref<400x64xf32, #tpu.memory_space<vmem>>)
    %dma_start3A_700 = arith.constant 0 : i32
    %dma_start3A_701 = arith.constant 0 : i32
    %dma_start3A_702 = arith.constant 0 : i32
    %dma_start3A_703 = tpu.memref_slice %arg7[%dma_start3A_700, %dma_start3A_701, %dma_start3A_702] : memref<2x640x64xf32, #tpu.memory_space<vmem>> -> memref<1x400x64xf32, #tpu.memory_space<vmem>>
    %dma_start3A_704 = tpu.memref_squeeze %dma_start3A_703 : memref<1x400x64xf32, #tpu.memory_space<vmem>> -> memref<400x64xf32, #tpu.memory_space<vmem>>
    %dma_start3A_705 = arith.constant 0 : i32
    %dma_start3A_706 = tpu.memref_slice %arg6[%multiple_of3A_660, %dma_start3A_705] : memref<101024x64xf32, #tpu.memory_space<hbm>> -> memref<400x64xf32, #tpu.memory_space<hbm>>
    %dma_start3A_707 = arith.constant 0 : i32
    %dma_start3A_708 = tpu.memref_slice %arg6[%multiple_of3A_660, %dma_start3A_707] : memref<101024x64xf32, #tpu.memory_space<hbm>> -> memref<400x64xf32, #tpu.memory_space<hbm>>
    %dma_start3A_709 = arith.constant 0 : i32
    %dma_start3A_710 = arith.constant 0 : i32
    %dma_start3A_711 = tpu.memref_slice %arg7[%dma_start3A_700, %dma_start3A_709, %dma_start3A_710] : memref<2x640x64xf32, #tpu.memory_space<vmem>> -> memref<1x400x64xf32, #tpu.memory_space<vmem>>
    %dma_start3A_712 = tpu.memref_squeeze %dma_start3A_711 : memref<1x400x64xf32, #tpu.memory_space<vmem>> -> memref<400x64xf32, #tpu.memory_space<vmem>>
    tpu.enqueue_dma source(%dma_start3A_712 : memref<400x64xf32, #tpu.memory_space<vmem>>) target(%dma_start3A_708 : memref<400x64xf32, #tpu.memory_space<hbm>>) target_semaphore(%arg11 : memref<!tpu.dma_semaphore, #tpu.memory_space<semaphore_mem>>)
    %add3A_713 = arith.constant 208 : i32
    %add3A_714 = arith.addi %add3A_713, %arg1 : i32
    %mul3A_715 = arith.constant 400 : i32
    %mul3A_716 = arith.muli %add3A_714, %mul3A_715 : i32
    %multiple_of3A_717 = tpu.assume_multiple %mul3A_716, 8 : i32
    %dma_wait3A_718 = arith.constant 1 : i32
    %dma_wait3A_719 = arith.constant 0 : i32
    %dma_wait3A_720 = arith.constant 0 : i32
    %dma_wait3A_721 = tpu.memref_slice %arg7[%dma_wait3A_718, %dma_wait3A_719, %dma_wait3A_720] : memref<2x640x64xf32, #tpu.memory_space<vmem>> -> memref<1x400x64xf32, #tpu.memory_space<vmem>>
    %dma_wait3A_722 = tpu.memref_squeeze %dma_wait3A_721 : memref<1x400x64xf32, #tpu.memory_space<vmem>> -> memref<400x64xf32, #tpu.memory_space<vmem>>
    %dma_wait3A_723 = arith.constant 0 : i32
    %dma_wait3A_724 = tpu.memref_slice %arg6[%multiple_of3A_603, %dma_wait3A_723] : memref<101024x64xf32, #tpu.memory_space<hbm>> -> memref<400x64xf32, #tpu.memory_space<hbm>>
    %dma_wait3A_725 = arith.constant 0 : i32
    %dma_wait3A_726 = tpu.memref_slice %arg6[%multiple_of3A_603, %dma_wait3A_725] : memref<101024x64xf32, #tpu.memory_space<hbm>> -> memref<400x64xf32, #tpu.memory_space<hbm>>
    %dma_wait3A_727 = arith.constant 0 : i32
    %dma_wait3A_728 = arith.constant 0 : i32
    %dma_wait3A_729 = tpu.memref_slice %arg7[%dma_wait3A_718, %dma_wait3A_727, %dma_wait3A_728] : memref<2x640x64xf32, #tpu.memory_space<vmem>> -> memref<1x400x64xf32, #tpu.memory_space<vmem>>
    %dma_wait3A_730 = tpu.memref_squeeze %dma_wait3A_729 : memref<1x400x64xf32, #tpu.memory_space<vmem>> -> memref<400x64xf32, #tpu.memory_space<vmem>>
    tpu.wait_dma2 semaphore(%arg12 : memref<!tpu.dma_semaphore, #tpu.memory_space<semaphore_mem>>) src(%dma_wait3A_730 : memref<400x64xf32, #tpu.memory_space<vmem>>) dst(%dma_wait3A_726 : memref<400x64xf32, #tpu.memory_space<hbm>>)
    %dma_start3A_731 = arith.constant 1 : i32
    %dma_start3A_732 = arith.constant 0 : i32
    %dma_start3A_733 = arith.constant 0 : i32
    %dma_start3A_734 = tpu.memref_slice %arg7[%dma_start3A_731, %dma_start3A_732, %dma_start3A_733] : memref<2x640x64xf32, #tpu.memory_space<vmem>> -> memref<1x400x64xf32, #tpu.memory_space<vmem>>
    %dma_start3A_735 = tpu.memref_squeeze %dma_start3A_734 : memref<1x400x64xf32, #tpu.memory_space<vmem>> -> memref<400x64xf32, #tpu.memory_space<vmem>>
    %dma_start3A_736 = arith.constant 0 : i32
    %dma_start3A_737 = tpu.memref_slice %arg2[%multiple_of3A_717, %dma_start3A_736] : memref<100000x64xf32, #tpu.memory_space<hbm>> -> memref<400x64xf32, #tpu.memory_space<hbm>>
    %dma_start3A_738 = arith.constant 0 : i32
    %dma_start3A_739 = arith.constant 0 : i32
    %dma_start3A_740 = tpu.memref_slice %arg7[%dma_start3A_731, %dma_start3A_738, %dma_start3A_739] : memref<2x640x64xf32, #tpu.memory_space<vmem>> -> memref<1x400x64xf32, #tpu.memory_space<vmem>>
    %dma_start3A_741 = tpu.memref_squeeze %dma_start3A_740 : memref<1x400x64xf32, #tpu.memory_space<vmem>> -> memref<400x64xf32, #tpu.memory_space<vmem>>
    %dma_start3A_742 = arith.constant 0 : i32
    %dma_start3A_743 = tpu.memref_slice %arg2[%multiple_of3A_717, %dma_start3A_742] : memref<100000x64xf32, #tpu.memory_space<hbm>> -> memref<400x64xf32, #tpu.memory_space<hbm>>
    tpu.enqueue_dma source(%dma_start3A_743 : memref<400x64xf32, #tpu.memory_space<hbm>>) target(%dma_start3A_741 : memref<400x64xf32, #tpu.memory_space<vmem>>) target_semaphore(%arg10 : memref<!tpu.dma_semaphore, #tpu.memory_space<semaphore_mem>>)
    %dma_wait3A_744 = arith.constant 1 : i32
    %dma_wait3A_745 = arith.constant 0 : i32
    %dma_wait3A_746 = arith.constant 0 : i32
    %dma_wait3A_747 = tpu.memref_slice %arg7[%dma_wait3A_744, %dma_wait3A_745, %dma_wait3A_746] : memref<2x640x64xf32, #tpu.memory_space<vmem>> -> memref<1x400x64xf32, #tpu.memory_space<vmem>>
    %dma_wait3A_748 = tpu.memref_squeeze %dma_wait3A_747 : memref<1x400x64xf32, #tpu.memory_space<vmem>> -> memref<400x64xf32, #tpu.memory_space<vmem>>
    %dma_wait3A_749 = arith.constant 0 : i32
    %dma_wait3A_750 = tpu.memref_slice %arg2[%multiple_of3A_717, %dma_wait3A_749] : memref<100000x64xf32, #tpu.memory_space<hbm>> -> memref<400x64xf32, #tpu.memory_space<hbm>>
    %dma_wait3A_751 = arith.constant 0 : i32
    %dma_wait3A_752 = arith.constant 0 : i32
    %dma_wait3A_753 = tpu.memref_slice %arg7[%dma_wait3A_744, %dma_wait3A_751, %dma_wait3A_752] : memref<2x640x64xf32, #tpu.memory_space<vmem>> -> memref<1x400x64xf32, #tpu.memory_space<vmem>>
    %dma_wait3A_754 = tpu.memref_squeeze %dma_wait3A_753 : memref<1x400x64xf32, #tpu.memory_space<vmem>> -> memref<400x64xf32, #tpu.memory_space<vmem>>
    %dma_wait3A_755 = arith.constant 0 : i32
    %dma_wait3A_756 = tpu.memref_slice %arg2[%multiple_of3A_717, %dma_wait3A_755] : memref<100000x64xf32, #tpu.memory_space<hbm>> -> memref<400x64xf32, #tpu.memory_space<hbm>>
    tpu.wait_dma2 semaphore(%arg10 : memref<!tpu.dma_semaphore, #tpu.memory_space<semaphore_mem>>) src(%dma_wait3A_756 : memref<400x64xf32, #tpu.memory_space<hbm>>) dst(%dma_wait3A_754 : memref<400x64xf32, #tpu.memory_space<vmem>>)
    %dma_start3A_757 = arith.constant 1 : i32
    %dma_start3A_758 = arith.constant 0 : i32
    %dma_start3A_759 = arith.constant 0 : i32
    %dma_start3A_760 = tpu.memref_slice %arg7[%dma_start3A_757, %dma_start3A_758, %dma_start3A_759] : memref<2x640x64xf32, #tpu.memory_space<vmem>> -> memref<1x400x64xf32, #tpu.memory_space<vmem>>
    %dma_start3A_761 = tpu.memref_squeeze %dma_start3A_760 : memref<1x400x64xf32, #tpu.memory_space<vmem>> -> memref<400x64xf32, #tpu.memory_space<vmem>>
    %dma_start3A_762 = arith.constant 0 : i32
    %dma_start3A_763 = tpu.memref_slice %arg6[%multiple_of3A_717, %dma_start3A_762] : memref<101024x64xf32, #tpu.memory_space<hbm>> -> memref<400x64xf32, #tpu.memory_space<hbm>>
    %dma_start3A_764 = arith.constant 0 : i32
    %dma_start3A_765 = tpu.memref_slice %arg6[%multiple_of3A_717, %dma_start3A_764] : memref<101024x64xf32, #tpu.memory_space<hbm>> -> memref<400x64xf32, #tpu.memory_space<hbm>>
    %dma_start3A_766 = arith.constant 0 : i32
    %dma_start3A_767 = arith.constant 0 : i32
    %dma_start3A_768 = tpu.memref_slice %arg7[%dma_start3A_757, %dma_start3A_766, %dma_start3A_767] : memref<2x640x64xf32, #tpu.memory_space<vmem>> -> memref<1x400x64xf32, #tpu.memory_space<vmem>>
    %dma_start3A_769 = tpu.memref_squeeze %dma_start3A_768 : memref<1x400x64xf32, #tpu.memory_space<vmem>> -> memref<400x64xf32, #tpu.memory_space<vmem>>
    tpu.enqueue_dma source(%dma_start3A_769 : memref<400x64xf32, #tpu.memory_space<vmem>>) target(%dma_start3A_765 : memref<400x64xf32, #tpu.memory_space<hbm>>) target_semaphore(%arg12 : memref<!tpu.dma_semaphore, #tpu.memory_space<semaphore_mem>>)
    %add3A_770 = arith.constant 224 : i32
    %add3A_771 = arith.addi %add3A_770, %arg1 : i32
    %mul3A_772 = arith.constant 400 : i32
    %mul3A_773 = arith.muli %add3A_771, %mul3A_772 : i32
    %multiple_of3A_774 = tpu.assume_multiple %mul3A_773, 8 : i32
    %dma_wait3A_775 = arith.constant 0 : i32
    %dma_wait3A_776 = arith.constant 0 : i32
    %dma_wait3A_777 = arith.constant 0 : i32
    %dma_wait3A_778 = tpu.memref_slice %arg7[%dma_wait3A_775, %dma_wait3A_776, %dma_wait3A_777] : memref<2x640x64xf32, #tpu.memory_space<vmem>> -> memref<1x400x64xf32, #tpu.memory_space<vmem>>
    %dma_wait3A_779 = tpu.memref_squeeze %dma_wait3A_778 : memref<1x400x64xf32, #tpu.memory_space<vmem>> -> memref<400x64xf32, #tpu.memory_space<vmem>>
    %dma_wait3A_780 = arith.constant 0 : i32
    %dma_wait3A_781 = tpu.memref_slice %arg6[%multiple_of3A_660, %dma_wait3A_780] : memref<101024x64xf32, #tpu.memory_space<hbm>> -> memref<400x64xf32, #tpu.memory_space<hbm>>
    %dma_wait3A_782 = arith.constant 0 : i32
    %dma_wait3A_783 = tpu.memref_slice %arg6[%multiple_of3A_660, %dma_wait3A_782] : memref<101024x64xf32, #tpu.memory_space<hbm>> -> memref<400x64xf32, #tpu.memory_space<hbm>>
    %dma_wait3A_784 = arith.constant 0 : i32
    %dma_wait3A_785 = arith.constant 0 : i32
    %dma_wait3A_786 = tpu.memref_slice %arg7[%dma_wait3A_775, %dma_wait3A_784, %dma_wait3A_785] : memref<2x640x64xf32, #tpu.memory_space<vmem>> -> memref<1x400x64xf32, #tpu.memory_space<vmem>>
    %dma_wait3A_787 = tpu.memref_squeeze %dma_wait3A_786 : memref<1x400x64xf32, #tpu.memory_space<vmem>> -> memref<400x64xf32, #tpu.memory_space<vmem>>
    tpu.wait_dma2 semaphore(%arg11 : memref<!tpu.dma_semaphore, #tpu.memory_space<semaphore_mem>>) src(%dma_wait3A_787 : memref<400x64xf32, #tpu.memory_space<vmem>>) dst(%dma_wait3A_783 : memref<400x64xf32, #tpu.memory_space<hbm>>)
    %dma_start3A_788 = arith.constant 0 : i32
    %dma_start3A_789 = arith.constant 0 : i32
    %dma_start3A_790 = arith.constant 0 : i32
    %dma_start3A_791 = tpu.memref_slice %arg7[%dma_start3A_788, %dma_start3A_789, %dma_start3A_790] : memref<2x640x64xf32, #tpu.memory_space<vmem>> -> memref<1x400x64xf32, #tpu.memory_space<vmem>>
    %dma_start3A_792 = tpu.memref_squeeze %dma_start3A_791 : memref<1x400x64xf32, #tpu.memory_space<vmem>> -> memref<400x64xf32, #tpu.memory_space<vmem>>
    %dma_start3A_793 = arith.constant 0 : i32
    %dma_start3A_794 = tpu.memref_slice %arg2[%multiple_of3A_774, %dma_start3A_793] : memref<100000x64xf32, #tpu.memory_space<hbm>> -> memref<400x64xf32, #tpu.memory_space<hbm>>
    %dma_start3A_795 = arith.constant 0 : i32
    %dma_start3A_796 = arith.constant 0 : i32
    %dma_start3A_797 = tpu.memref_slice %arg7[%dma_start3A_788, %dma_start3A_795, %dma_start3A_796] : memref<2x640x64xf32, #tpu.memory_space<vmem>> -> memref<1x400x64xf32, #tpu.memory_space<vmem>>
    %dma_start3A_798 = tpu.memref_squeeze %dma_start3A_797 : memref<1x400x64xf32, #tpu.memory_space<vmem>> -> memref<400x64xf32, #tpu.memory_space<vmem>>
    %dma_start3A_799 = arith.constant 0 : i32
    %dma_start3A_800 = tpu.memref_slice %arg2[%multiple_of3A_774, %dma_start3A_799] : memref<100000x64xf32, #tpu.memory_space<hbm>> -> memref<400x64xf32, #tpu.memory_space<hbm>>
    tpu.enqueue_dma source(%dma_start3A_800 : memref<400x64xf32, #tpu.memory_space<hbm>>) target(%dma_start3A_798 : memref<400x64xf32, #tpu.memory_space<vmem>>) target_semaphore(%arg9 : memref<!tpu.dma_semaphore, #tpu.memory_space<semaphore_mem>>)
    %dma_wait3A_801 = arith.constant 0 : i32
    %dma_wait3A_802 = arith.constant 0 : i32
    %dma_wait3A_803 = arith.constant 0 : i32
    %dma_wait3A_804 = tpu.memref_slice %arg7[%dma_wait3A_801, %dma_wait3A_802, %dma_wait3A_803] : memref<2x640x64xf32, #tpu.memory_space<vmem>> -> memref<1x400x64xf32, #tpu.memory_space<vmem>>
    %dma_wait3A_805 = tpu.memref_squeeze %dma_wait3A_804 : memref<1x400x64xf32, #tpu.memory_space<vmem>> -> memref<400x64xf32, #tpu.memory_space<vmem>>
    %dma_wait3A_806 = arith.constant 0 : i32
    %dma_wait3A_807 = tpu.memref_slice %arg2[%multiple_of3A_774, %dma_wait3A_806] : memref<100000x64xf32, #tpu.memory_space<hbm>> -> memref<400x64xf32, #tpu.memory_space<hbm>>
    %dma_wait3A_808 = arith.constant 0 : i32
    %dma_wait3A_809 = arith.constant 0 : i32
    %dma_wait3A_810 = tpu.memref_slice %arg7[%dma_wait3A_801, %dma_wait3A_808, %dma_wait3A_809] : memref<2x640x64xf32, #tpu.memory_space<vmem>> -> memref<1x400x64xf32, #tpu.memory_space<vmem>>
    %dma_wait3A_811 = tpu.memref_squeeze %dma_wait3A_810 : memref<1x400x64xf32, #tpu.memory_space<vmem>> -> memref<400x64xf32, #tpu.memory_space<vmem>>
    %dma_wait3A_812 = arith.constant 0 : i32
    %dma_wait3A_813 = tpu.memref_slice %arg2[%multiple_of3A_774, %dma_wait3A_812] : memref<100000x64xf32, #tpu.memory_space<hbm>> -> memref<400x64xf32, #tpu.memory_space<hbm>>
    tpu.wait_dma2 semaphore(%arg9 : memref<!tpu.dma_semaphore, #tpu.memory_space<semaphore_mem>>) src(%dma_wait3A_813 : memref<400x64xf32, #tpu.memory_space<hbm>>) dst(%dma_wait3A_811 : memref<400x64xf32, #tpu.memory_space<vmem>>)
    %dma_start3A_814 = arith.constant 0 : i32
    %dma_start3A_815 = arith.constant 0 : i32
    %dma_start3A_816 = arith.constant 0 : i32
    %dma_start3A_817 = tpu.memref_slice %arg7[%dma_start3A_814, %dma_start3A_815, %dma_start3A_816] : memref<2x640x64xf32, #tpu.memory_space<vmem>> -> memref<1x400x64xf32, #tpu.memory_space<vmem>>
    %dma_start3A_818 = tpu.memref_squeeze %dma_start3A_817 : memref<1x400x64xf32, #tpu.memory_space<vmem>> -> memref<400x64xf32, #tpu.memory_space<vmem>>
    %dma_start3A_819 = arith.constant 0 : i32
    %dma_start3A_820 = tpu.memref_slice %arg6[%multiple_of3A_774, %dma_start3A_819] : memref<101024x64xf32, #tpu.memory_space<hbm>> -> memref<400x64xf32, #tpu.memory_space<hbm>>
    %dma_start3A_821 = arith.constant 0 : i32
    %dma_start3A_822 = tpu.memref_slice %arg6[%multiple_of3A_774, %dma_start3A_821] : memref<101024x64xf32, #tpu.memory_space<hbm>> -> memref<400x64xf32, #tpu.memory_space<hbm>>
    %dma_start3A_823 = arith.constant 0 : i32
    %dma_start3A_824 = arith.constant 0 : i32
    %dma_start3A_825 = tpu.memref_slice %arg7[%dma_start3A_814, %dma_start3A_823, %dma_start3A_824] : memref<2x640x64xf32, #tpu.memory_space<vmem>> -> memref<1x400x64xf32, #tpu.memory_space<vmem>>
    %dma_start3A_826 = tpu.memref_squeeze %dma_start3A_825 : memref<1x400x64xf32, #tpu.memory_space<vmem>> -> memref<400x64xf32, #tpu.memory_space<vmem>>
    tpu.enqueue_dma source(%dma_start3A_826 : memref<400x64xf32, #tpu.memory_space<vmem>>) target(%dma_start3A_822 : memref<400x64xf32, #tpu.memory_space<hbm>>) target_semaphore(%arg11 : memref<!tpu.dma_semaphore, #tpu.memory_space<semaphore_mem>>)
    %dma_wait3A_827 = arith.constant 0 : i32
    %dma_wait3A_828 = arith.constant 0 : i32
    %dma_wait3A_829 = arith.constant 0 : i32
    %dma_wait3A_830 = tpu.memref_slice %arg7[%dma_wait3A_827, %dma_wait3A_828, %dma_wait3A_829] : memref<2x640x64xf32, #tpu.memory_space<vmem>> -> memref<1x400x64xf32, #tpu.memory_space<vmem>>
    %dma_wait3A_831 = tpu.memref_squeeze %dma_wait3A_830 : memref<1x400x64xf32, #tpu.memory_space<vmem>> -> memref<400x64xf32, #tpu.memory_space<vmem>>
    %dma_wait3A_832 = arith.constant 0 : i32
    %dma_wait3A_833 = tpu.memref_slice %arg6[%multiple_of3A_774, %dma_wait3A_832] : memref<101024x64xf32, #tpu.memory_space<hbm>> -> memref<400x64xf32, #tpu.memory_space<hbm>>
    %dma_wait3A_834 = arith.constant 0 : i32
    %dma_wait3A_835 = tpu.memref_slice %arg6[%multiple_of3A_774, %dma_wait3A_834] : memref<101024x64xf32, #tpu.memory_space<hbm>> -> memref<400x64xf32, #tpu.memory_space<hbm>>
    %dma_wait3A_836 = arith.constant 0 : i32
    %dma_wait3A_837 = arith.constant 0 : i32
    %dma_wait3A_838 = tpu.memref_slice %arg7[%dma_wait3A_827, %dma_wait3A_836, %dma_wait3A_837] : memref<2x640x64xf32, #tpu.memory_space<vmem>> -> memref<1x400x64xf32, #tpu.memory_space<vmem>>
    %dma_wait3A_839 = tpu.memref_squeeze %dma_wait3A_838 : memref<1x400x64xf32, #tpu.memory_space<vmem>> -> memref<400x64xf32, #tpu.memory_space<vmem>>
    tpu.wait_dma2 semaphore(%arg11 : memref<!tpu.dma_semaphore, #tpu.memory_space<semaphore_mem>>) src(%dma_wait3A_839 : memref<400x64xf32, #tpu.memory_space<vmem>>) dst(%dma_wait3A_835 : memref<400x64xf32, #tpu.memory_space<hbm>>)
    %dma_wait3A_840 = arith.constant 1 : i32
    %dma_wait3A_841 = arith.constant 0 : i32
    %dma_wait3A_842 = arith.constant 0 : i32
    %dma_wait3A_843 = tpu.memref_slice %arg7[%dma_wait3A_840, %dma_wait3A_841, %dma_wait3A_842] : memref<2x640x64xf32, #tpu.memory_space<vmem>> -> memref<1x400x64xf32, #tpu.memory_space<vmem>>
    %dma_wait3A_844 = tpu.memref_squeeze %dma_wait3A_843 : memref<1x400x64xf32, #tpu.memory_space<vmem>> -> memref<400x64xf32, #tpu.memory_space<vmem>>
    %dma_wait3A_845 = arith.constant 0 : i32
    %dma_wait3A_846 = tpu.memref_slice %arg6[%multiple_of3A_717, %dma_wait3A_845] : memref<101024x64xf32, #tpu.memory_space<hbm>> -> memref<400x64xf32, #tpu.memory_space<hbm>>
    %dma_wait3A_847 = arith.constant 0 : i32
    %dma_wait3A_848 = tpu.memref_slice %arg6[%multiple_of3A_717, %dma_wait3A_847] : memref<101024x64xf32, #tpu.memory_space<hbm>> -> memref<400x64xf32, #tpu.memory_space<hbm>>
    %dma_wait3A_849 = arith.constant 0 : i32
    %dma_wait3A_850 = arith.constant 0 : i32
    %dma_wait3A_851 = tpu.memref_slice %arg7[%dma_wait3A_840, %dma_wait3A_849, %dma_wait3A_850] : memref<2x640x64xf32, #tpu.memory_space<vmem>> -> memref<1x400x64xf32, #tpu.memory_space<vmem>>
    %dma_wait3A_852 = tpu.memref_squeeze %dma_wait3A_851 : memref<1x400x64xf32, #tpu.memory_space<vmem>> -> memref<400x64xf32, #tpu.memory_space<vmem>>
    tpu.wait_dma2 semaphore(%arg12 : memref<!tpu.dma_semaphore, #tpu.memory_space<semaphore_mem>>) src(%dma_wait3A_852 : memref<400x64xf32, #tpu.memory_space<vmem>>) dst(%dma_wait3A_848 : memref<400x64xf32, #tpu.memory_space<hbm>>)
    %lt3A = arith.constant 10 : i32
    %lt3A_853 = arith.cmpi slt, %arg1, %lt3A : i32
    %convert_element_type3A = arith.extui %lt3A_853 : i1 to i32
    %cond3A = arith.constant 0 : i32
    %cond3A_854 = arith.cmpi ne, %convert_element_type3A, %cond3A : i32
    scf.if %cond3A_854 {
      %add3A_903 = arith.constant 240 : i32
      %add3A_904 = arith.addi %add3A_903, %arg1 : i32
      %mul3A_905 = arith.constant 400 : i32
      %mul3A_906 = arith.muli %add3A_904, %mul3A_905 : i32
      %multiple_of3A_907 = tpu.assume_multiple %mul3A_906, 8 : i32
      %run_scoped3A_908 = arith.constant 0 : i32
      "tpu.region"() ({
        %run_scoped3A_910 = tpu.sem_alloc : memref<!tpu.dma_semaphore, #tpu.memory_space<semaphore_mem>>
        %dma_start3A_911 = arith.constant 0 : i32
        %dma_start3A_912 = arith.constant 0 : i32
        %dma_start3A_913 = tpu.memref_slice %arg7[%run_scoped3A_908, %dma_start3A_911, %dma_start3A_912] : memref<2x640x64xf32, #tpu.memory_space<vmem>> -> memref<1x400x64xf32, #tpu.memory_space<vmem>>
        %dma_start3A_914 = tpu.memref_squeeze %dma_start3A_913 : memref<1x400x64xf32, #tpu.memory_space<vmem>> -> memref<400x64xf32, #tpu.memory_space<vmem>>
        %dma_start3A_915 = arith.constant 0 : i32
        %dma_start3A_916 = tpu.memref_slice %arg2[%multiple_of3A_907, %dma_start3A_915] : memref<100000x64xf32, #tpu.memory_space<hbm>> -> memref<400x64xf32, #tpu.memory_space<hbm>>
        %dma_start3A_917 = arith.constant 0 : i32
        %dma_start3A_918 = arith.constant 0 : i32
        %dma_start3A_919 = tpu.memref_slice %arg7[%run_scoped3A_908, %dma_start3A_917, %dma_start3A_918] : memref<2x640x64xf32, #tpu.memory_space<vmem>> -> memref<1x400x64xf32, #tpu.memory_space<vmem>>
        %dma_start3A_920 = tpu.memref_squeeze %dma_start3A_919 : memref<1x400x64xf32, #tpu.memory_space<vmem>> -> memref<400x64xf32, #tpu.memory_space<vmem>>
        %dma_start3A_921 = arith.constant 0 : i32
        %dma_start3A_922 = tpu.memref_slice %arg2[%multiple_of3A_907, %dma_start3A_921] : memref<100000x64xf32, #tpu.memory_space<hbm>> -> memref<400x64xf32, #tpu.memory_space<hbm>>
        tpu.enqueue_dma source(%dma_start3A_922 : memref<400x64xf32, #tpu.memory_space<hbm>>) target(%dma_start3A_920 : memref<400x64xf32, #tpu.memory_space<vmem>>) target_semaphore(%run_scoped3A_910 : memref<!tpu.dma_semaphore, #tpu.memory_space<semaphore_mem>>)
        %dma_wait3A_923 = arith.constant 0 : i32
        %dma_wait3A_924 = arith.constant 0 : i32
        %dma_wait3A_925 = tpu.memref_slice %arg7[%run_scoped3A_908, %dma_wait3A_923, %dma_wait3A_924] : memref<2x640x64xf32, #tpu.memory_space<vmem>> -> memref<1x400x64xf32, #tpu.memory_space<vmem>>
        %dma_wait3A_926 = tpu.memref_squeeze %dma_wait3A_925 : memref<1x400x64xf32, #tpu.memory_space<vmem>> -> memref<400x64xf32, #tpu.memory_space<vmem>>
        %dma_wait3A_927 = arith.constant 0 : i32
        %dma_wait3A_928 = tpu.memref_slice %arg2[%multiple_of3A_907, %dma_wait3A_927] : memref<100000x64xf32, #tpu.memory_space<hbm>> -> memref<400x64xf32, #tpu.memory_space<hbm>>
        %dma_wait3A_929 = arith.constant 0 : i32
        %dma_wait3A_930 = arith.constant 0 : i32
        %dma_wait3A_931 = tpu.memref_slice %arg7[%run_scoped3A_908, %dma_wait3A_929, %dma_wait3A_930] : memref<2x640x64xf32, #tpu.memory_space<vmem>> -> memref<1x400x64xf32, #tpu.memory_space<vmem>>
        %dma_wait3A_932 = tpu.memref_squeeze %dma_wait3A_931 : memref<1x400x64xf32, #tpu.memory_space<vmem>> -> memref<400x64xf32, #tpu.memory_space<vmem>>
        %dma_wait3A_933 = arith.constant 0 : i32
        %dma_wait3A_934 = tpu.memref_slice %arg2[%multiple_of3A_907, %dma_wait3A_933] : memref<100000x64xf32, #tpu.memory_space<hbm>> -> memref<400x64xf32, #tpu.memory_space<hbm>>
        tpu.wait_dma2 semaphore(%run_scoped3A_910 : memref<!tpu.dma_semaphore, #tpu.memory_space<semaphore_mem>>) src(%dma_wait3A_934 : memref<400x64xf32, #tpu.memory_space<hbm>>) dst(%dma_wait3A_932 : memref<400x64xf32, #tpu.memory_space<vmem>>)
        tpu.yield
      }) : () -> ()
      %run_scoped3A_909 = arith.constant 0 : i32
      "tpu.region"() ({
        %run_scoped3A_910 = tpu.sem_alloc : memref<!tpu.dma_semaphore, #tpu.memory_space<semaphore_mem>>
        %dma_start3A_911 = arith.constant 0 : i32
        %dma_start3A_912 = arith.constant 0 : i32
        %dma_start3A_913 = tpu.memref_slice %arg7[%run_scoped3A_909, %dma_start3A_911, %dma_start3A_912] : memref<2x640x64xf32, #tpu.memory_space<vmem>> -> memref<1x400x64xf32, #tpu.memory_space<vmem>>
        %dma_start3A_914 = tpu.memref_squeeze %dma_start3A_913 : memref<1x400x64xf32, #tpu.memory_space<vmem>> -> memref<400x64xf32, #tpu.memory_space<vmem>>
        %dma_start3A_915 = arith.constant 0 : i32
        %dma_start3A_916 = tpu.memref_slice %arg6[%multiple_of3A_907, %dma_start3A_915] : memref<101024x64xf32, #tpu.memory_space<hbm>> -> memref<400x64xf32, #tpu.memory_space<hbm>>
        %dma_start3A_917 = arith.constant 0 : i32
        %dma_start3A_918 = tpu.memref_slice %arg6[%multiple_of3A_907, %dma_start3A_917] : memref<101024x64xf32, #tpu.memory_space<hbm>> -> memref<400x64xf32, #tpu.memory_space<hbm>>
        %dma_start3A_919 = arith.constant 0 : i32
        %dma_start3A_920 = arith.constant 0 : i32
        %dma_start3A_921 = tpu.memref_slice %arg7[%run_scoped3A_909, %dma_start3A_919, %dma_start3A_920] : memref<2x640x64xf32, #tpu.memory_space<vmem>> -> memref<1x400x64xf32, #tpu.memory_space<vmem>>
        %dma_start3A_922 = tpu.memref_squeeze %dma_start3A_921 : memref<1x400x64xf32, #tpu.memory_space<vmem>> -> memref<400x64xf32, #tpu.memory_space<vmem>>
        tpu.enqueue_dma source(%dma_start3A_922 : memref<400x64xf32, #tpu.memory_space<vmem>>) target(%dma_start3A_918 : memref<400x64xf32, #tpu.memory_space<hbm>>) target_semaphore(%run_scoped3A_910 : memref<!tpu.dma_semaphore, #tpu.memory_space<semaphore_mem>>)
        %dma_wait3A_923 = arith.constant 0 : i32
        %dma_wait3A_924 = arith.constant 0 : i32
        %dma_wait3A_925 = tpu.memref_slice %arg7[%run_scoped3A_909, %dma_wait3A_923, %dma_wait3A_924] : memref<2x640x64xf32, #tpu.memory_space<vmem>> -> memref<1x400x64xf32, #tpu.memory_space<vmem>>
        %dma_wait3A_926 = tpu.memref_squeeze %dma_wait3A_925 : memref<1x400x64xf32, #tpu.memory_space<vmem>> -> memref<400x64xf32, #tpu.memory_space<vmem>>
        %dma_wait3A_927 = arith.constant 0 : i32
        %dma_wait3A_928 = tpu.memref_slice %arg6[%multiple_of3A_907, %dma_wait3A_927] : memref<101024x64xf32, #tpu.memory_space<hbm>> -> memref<400x64xf32, #tpu.memory_space<hbm>>
        %dma_wait3A_929 = arith.constant 0 : i32
        %dma_wait3A_930 = tpu.memref_slice %arg6[%multiple_of3A_907, %dma_wait3A_929] : memref<101024x64xf32, #tpu.memory_space<hbm>> -> memref<400x64xf32, #tpu.memory_space<hbm>>
        %dma_wait3A_931 = arith.constant 0 : i32
        %dma_wait3A_932 = arith.constant 0 : i32
        %dma_wait3A_933 = tpu.memref_slice %arg7[%run_scoped3A_909, %dma_wait3A_931, %dma_wait3A_932] : memref<2x640x64xf32, #tpu.memory_space<vmem>> -> memref<1x400x64xf32, #tpu.memory_space<vmem>>
        %dma_wait3A_934 = tpu.memref_squeeze %dma_wait3A_933 : memref<1x400x64xf32, #tpu.memory_space<vmem>> -> memref<400x64xf32, #tpu.memory_space<vmem>>
        tpu.wait_dma2 semaphore(%run_scoped3A_910 : memref<!tpu.dma_semaphore, #tpu.memory_space<semaphore_mem>>) src(%dma_wait3A_934 : memref<400x64xf32, #tpu.memory_space<vmem>>) dst(%dma_wait3A_930 : memref<400x64xf32, #tpu.memory_space<hbm>>)
        tpu.yield
      }) : () -> ()
    } else {
    }
    %mul3A_855 = arith.constant 64 : i32
    %mul3A_856 = arith.muli %arg1, %mul3A_855 : i32
    %multiple_of3A_857 = tpu.assume_multiple %mul3A_856, 8 : i32
    %run_scoped3A = arith.constant 1 : i32
    "tpu.region"() ({
      %run_scoped3A_903 = tpu.sem_alloc : memref<!tpu.dma_semaphore, #tpu.memory_space<semaphore_mem>>
      %dma_start3A_904 = arith.constant 0 : i32
      %dma_start3A_905 = arith.constant 0 : i32
      %dma_start3A_906 = tpu.memref_slice %arg7[%run_scoped3A, %dma_start3A_904, %dma_start3A_905] : memref<2x640x64xf32, #tpu.memory_space<vmem>> -> memref<1x64x64xf32, #tpu.memory_space<vmem>>
      %dma_start3A_907 = tpu.memref_squeeze %dma_start3A_906 : memref<1x64x64xf32, #tpu.memory_space<vmem>> -> memref<64x64xf32, #tpu.memory_space<vmem>>
      %dma_start3A_908 = arith.constant 0 : i32
      %dma_start3A_909 = tpu.memref_slice %arg3[%multiple_of3A_857, %dma_start3A_908] : memref<1024x64xf32, #tpu.memory_space<hbm>> -> memref<64x64xf32, #tpu.memory_space<hbm>>
      %dma_start3A_910 = arith.constant 0 : i32
      %dma_start3A_911 = arith.constant 0 : i32
      %dma_start3A_912 = tpu.memref_slice %arg7[%run_scoped3A, %dma_start3A_910, %dma_start3A_911] : memref<2x640x64xf32, #tpu.memory_space<vmem>> -> memref<1x64x64xf32, #tpu.memory_space<vmem>>
      %dma_start3A_913 = tpu.memref_squeeze %dma_start3A_912 : memref<1x64x64xf32, #tpu.memory_space<vmem>> -> memref<64x64xf32, #tpu.memory_space<vmem>>
      %dma_start3A_914 = arith.constant 0 : i32
      %dma_start3A_915 = tpu.memref_slice %arg3[%multiple_of3A_857, %dma_start3A_914] : memref<1024x64xf32, #tpu.memory_space<hbm>> -> memref<64x64xf32, #tpu.memory_space<hbm>>
      tpu.enqueue_dma source(%dma_start3A_915 : memref<64x64xf32, #tpu.memory_space<hbm>>) target(%dma_start3A_913 : memref<64x64xf32, #tpu.memory_space<vmem>>) target_semaphore(%run_scoped3A_903 : memref<!tpu.dma_semaphore, #tpu.memory_space<semaphore_mem>>)
      %dma_wait3A_916 = arith.constant 0 : i32
      %dma_wait3A_917 = arith.constant 0 : i32
      %dma_wait3A_918 = tpu.memref_slice %arg7[%run_scoped3A, %dma_wait3A_916, %dma_wait3A_917] : memref<2x640x64xf32, #tpu.memory_space<vmem>> -> memref<1x64x64xf32, #tpu.memory_space<vmem>>
      %dma_wait3A_919 = tpu.memref_squeeze %dma_wait3A_918 : memref<1x64x64xf32, #tpu.memory_space<vmem>> -> memref<64x64xf32, #tpu.memory_space<vmem>>
      %dma_wait3A_920 = arith.constant 0 : i32
      %dma_wait3A_921 = tpu.memref_slice %arg3[%multiple_of3A_857, %dma_wait3A_920] : memref<1024x64xf32, #tpu.memory_space<hbm>> -> memref<64x64xf32, #tpu.memory_space<hbm>>
      %dma_wait3A_922 = arith.constant 0 : i32
      %dma_wait3A_923 = arith.constant 0 : i32
      %dma_wait3A_924 = tpu.memref_slice %arg7[%run_scoped3A, %dma_wait3A_922, %dma_wait3A_923] : memref<2x640x64xf32, #tpu.memory_space<vmem>> -> memref<1x64x64xf32, #tpu.memory_space<vmem>>
      %dma_wait3A_925 = tpu.memref_squeeze %dma_wait3A_924 : memref<1x64x64xf32, #tpu.memory_space<vmem>> -> memref<64x64xf32, #tpu.memory_space<vmem>>
      %dma_wait3A_926 = arith.constant 0 : i32
      %dma_wait3A_927 = tpu.memref_slice %arg3[%multiple_of3A_857, %dma_wait3A_926] : memref<1024x64xf32, #tpu.memory_space<hbm>> -> memref<64x64xf32, #tpu.memory_space<hbm>>
      tpu.wait_dma2 semaphore(%run_scoped3A_903 : memref<!tpu.dma_semaphore, #tpu.memory_space<semaphore_mem>>) src(%dma_wait3A_927 : memref<64x64xf32, #tpu.memory_space<hbm>>) dst(%dma_wait3A_925 : memref<64x64xf32, #tpu.memory_space<vmem>>)
      tpu.yield
    }) : () -> ()
    %mul3A_858 = arith.constant 64 : i32
    %mul3A_859 = arith.muli %arg1, %mul3A_858 : i32
    %add3A_860 = arith.constant 100000 : i32
    %add3A_861 = arith.addi %add3A_860, %mul3A_859 : i32
    %multiple_of3A_862 = tpu.assume_multiple %add3A_861, 8 : i32
    %run_scoped3A_863 = arith.constant 1 : i32
    "tpu.region"() ({
      %run_scoped3A_903 = tpu.sem_alloc : memref<!tpu.dma_semaphore, #tpu.memory_space<semaphore_mem>>
      %dma_start3A_904 = arith.constant 0 : i32
      %dma_start3A_905 = arith.constant 0 : i32
      %dma_start3A_906 = tpu.memref_slice %arg7[%run_scoped3A_863, %dma_start3A_904, %dma_start3A_905] : memref<2x640x64xf32, #tpu.memory_space<vmem>> -> memref<1x64x64xf32, #tpu.memory_space<vmem>>
      %dma_start3A_907 = tpu.memref_squeeze %dma_start3A_906 : memref<1x64x64xf32, #tpu.memory_space<vmem>> -> memref<64x64xf32, #tpu.memory_space<vmem>>
      %dma_start3A_908 = arith.constant 0 : i32
      %dma_start3A_909 = tpu.memref_slice %arg6[%multiple_of3A_862, %dma_start3A_908] : memref<101024x64xf32, #tpu.memory_space<hbm>> -> memref<64x64xf32, #tpu.memory_space<hbm>>
      %dma_start3A_910 = arith.constant 0 : i32
      %dma_start3A_911 = tpu.memref_slice %arg6[%multiple_of3A_862, %dma_start3A_910] : memref<101024x64xf32, #tpu.memory_space<hbm>> -> memref<64x64xf32, #tpu.memory_space<hbm>>
      %dma_start3A_912 = arith.constant 0 : i32
      %dma_start3A_913 = arith.constant 0 : i32
      %dma_start3A_914 = tpu.memref_slice %arg7[%run_scoped3A_863, %dma_start3A_912, %dma_start3A_913] : memref<2x640x64xf32, #tpu.memory_space<vmem>> -> memref<1x64x64xf32, #tpu.memory_space<vmem>>
      %dma_start3A_915 = tpu.memref_squeeze %dma_start3A_914 : memref<1x64x64xf32, #tpu.memory_space<vmem>> -> memref<64x64xf32, #tpu.memory_space<vmem>>
      tpu.enqueue_dma source(%dma_start3A_915 : memref<64x64xf32, #tpu.memory_space<vmem>>) target(%dma_start3A_911 : memref<64x64xf32, #tpu.memory_space<hbm>>) target_semaphore(%run_scoped3A_903 : memref<!tpu.dma_semaphore, #tpu.memory_space<semaphore_mem>>)
      %dma_wait3A_916 = arith.constant 0 : i32
      %dma_wait3A_917 = arith.constant 0 : i32
      %dma_wait3A_918 = tpu.memref_slice %arg7[%run_scoped3A_863, %dma_wait3A_916, %dma_wait3A_917] : memref<2x640x64xf32, #tpu.memory_space<vmem>> -> memref<1x64x64xf32, #tpu.memory_space<vmem>>
      %dma_wait3A_919 = tpu.memref_squeeze %dma_wait3A_918 : memref<1x64x64xf32, #tpu.memory_space<vmem>> -> memref<64x64xf32, #tpu.memory_space<vmem>>
      %dma_wait3A_920 = arith.constant 0 : i32
      %dma_wait3A_921 = tpu.memref_slice %arg6[%multiple_of3A_862, %dma_wait3A_920] : memref<101024x64xf32, #tpu.memory_space<hbm>> -> memref<64x64xf32, #tpu.memory_space<hbm>>
      %dma_wait3A_922 = arith.constant 0 : i32
      %dma_wait3A_923 = tpu.memref_slice %arg6[%multiple_of3A_862, %dma_wait3A_922] : memref<101024x64xf32, #tpu.memory_space<hbm>> -> memref<64x64xf32, #tpu.memory_space<hbm>>
      %dma_wait3A_924 = arith.constant 0 : i32
      %dma_wait3A_925 = arith.constant 0 : i32
      %dma_wait3A_926 = tpu.memref_slice %arg7[%run_scoped3A_863, %dma_wait3A_924, %dma_wait3A_925] : memref<2x640x64xf32, #tpu.memory_space<vmem>> -> memref<1x64x64xf32, #tpu.memory_space<vmem>>
      %dma_wait3A_927 = tpu.memref_squeeze %dma_wait3A_926 : memref<1x64x64xf32, #tpu.memory_space<vmem>> -> memref<64x64xf32, #tpu.memory_space<vmem>>
      tpu.wait_dma2 semaphore(%run_scoped3A_903 : memref<!tpu.dma_semaphore, #tpu.memory_space<semaphore_mem>>) src(%dma_wait3A_927 : memref<64x64xf32, #tpu.memory_space<vmem>>) dst(%dma_wait3A_923 : memref<64x64xf32, #tpu.memory_space<hbm>>)
      tpu.yield
    }) : () -> ()
    %barrier3A = arith.constant 0 : index
    tpu.barrier barrier_id(%barrier3A)
    %mul3A_864 = arith.constant 25600 : i32
    %mul3A_865 = arith.muli %add3A, %mul3A_864 : i32
    %mul3A_866 = arith.constant 200 : i32
    %mul3A_867 = arith.muli %add3A, %mul3A_866 : i32
    %multiple_of3A_868 = tpu.assume_multiple %mul3A_867, 8 : i32
    "tpu.region"() ({
      %run_scoped3A_903 = tpu.sem_alloc : memref<!tpu.dma_semaphore, #tpu.memory_space<semaphore_mem>>
      %dma_start3A_904 = arith.constant 0 : i32
      %dma_start3A_905 = tpu.memref_slice %arg4[%multiple_of3A_868, %dma_start3A_904] : memref<6400x128xi32, #tpu.memory_space<hbm>> -> memref<200x128xi32, #tpu.memory_space<hbm>>
      %dma_start3A_906 = arith.constant 0 : i32
      %dma_start3A_907 = tpu.memref_slice %arg4[%multiple_of3A_868, %dma_start3A_906] : memref<6400x128xi32, #tpu.memory_space<hbm>> -> memref<200x128xi32, #tpu.memory_space<hbm>>
      tpu.enqueue_dma source(%dma_start3A_907 : memref<200x128xi32, #tpu.memory_space<hbm>>) target(%arg8 : memref<200x128xi32, #tpu.memory_space<vmem>>) target_semaphore(%run_scoped3A_903 : memref<!tpu.dma_semaphore, #tpu.memory_space<semaphore_mem>>)
      %dma_wait3A_908 = arith.constant 0 : i32
      %dma_wait3A_909 = tpu.memref_slice %arg4[%multiple_of3A_868, %dma_wait3A_908] : memref<6400x128xi32, #tpu.memory_space<hbm>> -> memref<200x128xi32, #tpu.memory_space<hbm>>
      %dma_wait3A_910 = arith.constant 0 : i32
      %dma_wait3A_911 = tpu.memref_slice %arg4[%multiple_of3A_868, %dma_wait3A_910] : memref<6400x128xi32, #tpu.memory_space<hbm>> -> memref<200x128xi32, #tpu.memory_space<hbm>>
      tpu.wait_dma2 semaphore(%run_scoped3A_903 : memref<!tpu.dma_semaphore, #tpu.memory_space<semaphore_mem>>) src(%dma_wait3A_911 : memref<200x128xi32, #tpu.memory_space<hbm>>) dst(%arg8 : memref<200x128xi32, #tpu.memory_space<vmem>>)
      tpu.yield
    }) : () -> ()
    %scan3A = arith.constant 0 : i32
    %scan3A_869 = arith.constant 20 : i32
    %scan3A_870 = arith.addi %scan3A, %scan3A_869 : i32
    %scan3A_871 = arith.constant 1 : i32
    scf.for %scan3A_903 = %scan3A to %scan3A_870 step %scan3A_871  : i32 {
      %mul3A_904 = arith.constant 2 : i32
      %mul3A_905 = arith.muli %mul3A_904, %scan3A_903 : i32
      %add3A_906 = arith.constant 0 : i32
      %add3A_907 = arith.addi %mul3A_905, %add3A_906 : i32
      %ge3A = arith.constant 1 : i32
      %ge3A_908 = arith.cmpi sge, %scan3A_903, %ge3A : i32
      %convert_element_type3A_909 = arith.extui %ge3A_908 : i1 to i32
      %cond3A_910 = arith.constant 0 : i32
      %cond3A_911 = arith.cmpi ne, %convert_element_type3A_909, %cond3A_910 : i32
      scf.if %cond3A_911 {
        %dma_wait3A_1215 = arith.constant 0 : i32
        %dma_wait3A_1216 = arith.constant 0 : i32
        %dma_wait3A_1217 = arith.constant 0 : i32
        %dma_wait3A_1218 = tpu.memref_slice %arg7[%dma_wait3A_1215, %dma_wait3A_1216, %dma_wait3A_1217] : memref<2x640x64xf32, #tpu.memory_space<vmem>> -> memref<1x640x64xf32, #tpu.memory_space<vmem>>
        %dma_wait3A_1219 = tpu.memref_squeeze %dma_wait3A_1218 : memref<1x640x64xf32, #tpu.memory_space<vmem>> -> memref<640x64xf32, #tpu.memory_space<vmem>>
        %dma_wait3A_1220 = arith.constant 0 : i32
        %dma_wait3A_1221 = arith.constant 0 : i32
        %dma_wait3A_1222 = tpu.memref_slice %arg5[%dma_wait3A_1220, %dma_wait3A_1221] : memref<819200x64xf32, #tpu.memory_space<hbm>> -> memref<640x64xf32, #tpu.memory_space<hbm>>
        %dma_wait3A_1223 = arith.constant 0 : i32
        %dma_wait3A_1224 = arith.constant 0 : i32
        %dma_wait3A_1225 = tpu.memref_slice %arg5[%dma_wait3A_1223, %dma_wait3A_1224] : memref<819200x64xf32, #tpu.memory_space<hbm>> -> memref<640x64xf32, #tpu.memory_space<hbm>>
        %dma_wait3A_1226 = arith.constant 0 : i32
        %dma_wait3A_1227 = arith.constant 0 : i32
        %dma_wait3A_1228 = tpu.memref_slice %arg7[%dma_wait3A_1215, %dma_wait3A_1226, %dma_wait3A_1227] : memref<2x640x64xf32, #tpu.memory_space<vmem>> -> memref<1x640x64xf32, #tpu.memory_space<vmem>>
        %dma_wait3A_1229 = tpu.memref_squeeze %dma_wait3A_1228 : memref<1x640x64xf32, #tpu.memory_space<vmem>> -> memref<640x64xf32, #tpu.memory_space<vmem>>
        tpu.wait_dma2 semaphore(%arg11 : memref<!tpu.dma_semaphore, #tpu.memory_space<semaphore_mem>>) src(%dma_wait3A_1229 : memref<640x64xf32, #tpu.memory_space<vmem>>) dst(%dma_wait3A_1225 : memref<640x64xf32, #tpu.memory_space<hbm>>)
      } else {
      }
      %mul3A_912 = arith.constant 5 : i32
      %mul3A_913 = arith.muli %add3A_907, %mul3A_912 : i32
      %add3A_914 = arith.constant 0 : i32
      %add3A_915 = arith.addi %mul3A_913, %add3A_914 : i32
      %dma_start3A_916 = arith.constant 0 : i32
      %dma_start3A_917 = arith.constant 0 : i32
      %dma_start3A_918 = arith.constant 0 : i32
      %dma_start3A_919 = tpu.memref_slice %arg7[%dma_start3A_916, %dma_start3A_917, %dma_start3A_918] : memref<2x640x64xf32, #tpu.memory_space<vmem>> -> memref<1x128x64xf32, #tpu.memory_space<vmem>>
      %dma_start3A_920 = tpu.memref_squeeze %dma_start3A_919 : memref<1x128x64xf32, #tpu.memory_space<vmem>> -> memref<128x64xf32, #tpu.memory_space<vmem>>
      %dma_start3A_921 = arith.constant 0 : i32
      %dma_start3A_922 = tpu.memref_slice %arg8[%add3A_915, %dma_start3A_921] : memref<200x128xi32, #tpu.memory_space<vmem>> -> memref<1x128xi32, #tpu.memory_space<vmem>>
      %dma_start3A_923 = tpu.memref_squeeze %dma_start3A_922 : memref<1x128xi32, #tpu.memory_space<vmem>> -> memref<128xi32, #tpu.memory_space<vmem>>
      %dma_start3A_924 = arith.constant 0 : i32
      %dma_start3A_925 = arith.constant 0 : i32
      %dma_start3A_926 = tpu.memref_slice %arg6[%dma_start3A_924, %dma_start3A_925] : memref<101024x64xf32, #tpu.memory_space<hbm>> -> memref<101024x64xf32, #tpu.memory_space<hbm>>
      tpu.enqueue_indirect_dma source(%dma_start3A_926 : memref<101024x64xf32, #tpu.memory_space<hbm>>) target(%dma_start3A_920 : memref<128x64xf32, #tpu.memory_space<vmem>>) offsets(%dma_start3A_923 : memref<128xi32, #tpu.memory_space<vmem>>) semaphore(%arg13 : memref<!tpu.dma_semaphore, #tpu.memory_space<semaphore_mem>>)
      %mul3A_927 = arith.constant 5 : i32
      %mul3A_928 = arith.muli %add3A_907, %mul3A_927 : i32
      %add3A_929 = arith.constant 1 : i32
      %add3A_930 = arith.addi %mul3A_928, %add3A_929 : i32
      %dma_start3A_931 = arith.constant 0 : i32
      %dma_start3A_932 = arith.constant 128 : i32
      %dma_start3A_933 = arith.constant 0 : i32
      %dma_start3A_934 = tpu.memref_slice %arg7[%dma_start3A_931, %dma_start3A_932, %dma_start3A_933] : memref<2x640x64xf32, #tpu.memory_space<vmem>> -> memref<1x128x64xf32, #tpu.memory_space<vmem>>
      %dma_start3A_935 = tpu.memref_squeeze %dma_start3A_934 : memref<1x128x64xf32, #tpu.memory_space<vmem>> -> memref<128x64xf32, #tpu.memory_space<vmem>>
      %dma_start3A_936 = arith.constant 0 : i32
      %dma_start3A_937 = tpu.memref_slice %arg8[%add3A_930, %dma_start3A_936] : memref<200x128xi32, #tpu.memory_space<vmem>> -> memref<1x128xi32, #tpu.memory_space<vmem>>
      %dma_start3A_938 = tpu.memref_squeeze %dma_start3A_937 : memref<1x128xi32, #tpu.memory_space<vmem>> -> memref<128xi32, #tpu.memory_space<vmem>>
      %dma_start3A_939 = arith.constant 0 : i32
      %dma_start3A_940 = arith.constant 0 : i32
      %dma_start3A_941 = tpu.memref_slice %arg6[%dma_start3A_939, %dma_start3A_940] : memref<101024x64xf32, #tpu.memory_space<hbm>> -> memref<101024x64xf32, #tpu.memory_space<hbm>>
      tpu.enqueue_indirect_dma source(%dma_start3A_941 : memref<101024x64xf32, #tpu.memory_space<hbm>>) target(%dma_start3A_935 : memref<128x64xf32, #tpu.memory_space<vmem>>) offsets(%dma_start3A_938 : memref<128xi32, #tpu.memory_space<vmem>>) semaphore(%arg13 : memref<!tpu.dma_semaphore, #tpu.memory_space<semaphore_mem>>)
      %mul3A_942 = arith.constant 5 : i32
      %mul3A_943 = arith.muli %add3A_907, %mul3A_942 : i32
      %add3A_944 = arith.constant 2 : i32
      %add3A_945 = arith.addi %mul3A_943, %add3A_944 : i32
      %dma_start3A_946 = arith.constant 0 : i32
      %dma_start3A_947 = arith.constant 256 : i32
      %dma_start3A_948 = arith.constant 0 : i32
      %dma_start3A_949 = tpu.memref_slice %arg7[%dma_start3A_946, %dma_start3A_947, %dma_start3A_948] : memref<2x640x64xf32, #tpu.memory_space<vmem>> -> memref<1x128x64xf32, #tpu.memory_space<vmem>>
      %dma_start3A_950 = tpu.memref_squeeze %dma_start3A_949 : memref<1x128x64xf32, #tpu.memory_space<vmem>> -> memref<128x64xf32, #tpu.memory_space<vmem>>
      %dma_start3A_951 = arith.constant 0 : i32
      %dma_start3A_952 = tpu.memref_slice %arg8[%add3A_945, %dma_start3A_951] : memref<200x128xi32, #tpu.memory_space<vmem>> -> memref<1x128xi32, #tpu.memory_space<vmem>>
      %dma_start3A_953 = tpu.memref_squeeze %dma_start3A_952 : memref<1x128xi32, #tpu.memory_space<vmem>> -> memref<128xi32, #tpu.memory_space<vmem>>
      %dma_start3A_954 = arith.constant 0 : i32
      %dma_start3A_955 = arith.constant 0 : i32
      %dma_start3A_956 = tpu.memref_slice %arg6[%dma_start3A_954, %dma_start3A_955] : memref<101024x64xf32, #tpu.memory_space<hbm>> -> memref<101024x64xf32, #tpu.memory_space<hbm>>
      tpu.enqueue_indirect_dma source(%dma_start3A_956 : memref<101024x64xf32, #tpu.memory_space<hbm>>) target(%dma_start3A_950 : memref<128x64xf32, #tpu.memory_space<vmem>>) offsets(%dma_start3A_953 : memref<128xi32, #tpu.memory_space<vmem>>) semaphore(%arg13 : memref<!tpu.dma_semaphore, #tpu.memory_space<semaphore_mem>>)
      %mul3A_957 = arith.constant 5 : i32
      %mul3A_958 = arith.muli %add3A_907, %mul3A_957 : i32
      %add3A_959 = arith.constant 3 : i32
      %add3A_960 = arith.addi %mul3A_958, %add3A_959 : i32
      %dma_start3A_961 = arith.constant 0 : i32
      %dma_start3A_962 = arith.constant 384 : i32
      %dma_start3A_963 = arith.constant 0 : i32
      %dma_start3A_964 = tpu.memref_slice %arg7[%dma_start3A_961, %dma_start3A_962, %dma_start3A_963] : memref<2x640x64xf32, #tpu.memory_space<vmem>> -> memref<1x128x64xf32, #tpu.memory_space<vmem>>
      %dma_start3A_965 = tpu.memref_squeeze %dma_start3A_964 : memref<1x128x64xf32, #tpu.memory_space<vmem>> -> memref<128x64xf32, #tpu.memory_space<vmem>>
      %dma_start3A_966 = arith.constant 0 : i32
      %dma_start3A_967 = tpu.memref_slice %arg8[%add3A_960, %dma_start3A_966] : memref<200x128xi32, #tpu.memory_space<vmem>> -> memref<1x128xi32, #tpu.memory_space<vmem>>
      %dma_start3A_968 = tpu.memref_squeeze %dma_start3A_967 : memref<1x128xi32, #tpu.memory_space<vmem>> -> memref<128xi32, #tpu.memory_space<vmem>>
      %dma_start3A_969 = arith.constant 0 : i32
      %dma_start3A_970 = arith.constant 0 : i32
      %dma_start3A_971 = tpu.memref_slice %arg6[%dma_start3A_969, %dma_start3A_970] : memref<101024x64xf32, #tpu.memory_space<hbm>> -> memref<101024x64xf32, #tpu.memory_space<hbm>>
      tpu.enqueue_indirect_dma source(%dma_start3A_971 : memref<101024x64xf32, #tpu.memory_space<hbm>>) target(%dma_start3A_965 : memref<128x64xf32, #tpu.memory_space<vmem>>) offsets(%dma_start3A_968 : memref<128xi32, #tpu.memory_space<vmem>>) semaphore(%arg13 : memref<!tpu.dma_semaphore, #tpu.memory_space<semaphore_mem>>)
      %mul3A_972 = arith.constant 5 : i32
      %mul3A_973 = arith.muli %add3A_907, %mul3A_972 : i32
      %add3A_974 = arith.constant 4 : i32
      %add3A_975 = arith.addi %mul3A_973, %add3A_974 : i32
      %dma_start3A_976 = arith.constant 0 : i32
      %dma_start3A_977 = arith.constant 512 : i32
      %dma_start3A_978 = arith.constant 0 : i32
      %dma_start3A_979 = tpu.memref_slice %arg7[%dma_start3A_976, %dma_start3A_977, %dma_start3A_978] : memref<2x640x64xf32, #tpu.memory_space<vmem>> -> memref<1x128x64xf32, #tpu.memory_space<vmem>>
      %dma_start3A_980 = tpu.memref_squeeze %dma_start3A_979 : memref<1x128x64xf32, #tpu.memory_space<vmem>> -> memref<128x64xf32, #tpu.memory_space<vmem>>
      %dma_start3A_981 = arith.constant 0 : i32
      %dma_start3A_982 = tpu.memref_slice %arg8[%add3A_975, %dma_start3A_981] : memref<200x128xi32, #tpu.memory_space<vmem>> -> memref<1x128xi32, #tpu.memory_space<vmem>>
      %dma_start3A_983 = tpu.memref_squeeze %dma_start3A_982 : memref<1x128xi32, #tpu.memory_space<vmem>> -> memref<128xi32, #tpu.memory_space<vmem>>
      %dma_start3A_984 = arith.constant 0 : i32
      %dma_start3A_985 = arith.constant 0 : i32
      %dma_start3A_986 = tpu.memref_slice %arg6[%dma_start3A_984, %dma_start3A_985] : memref<101024x64xf32, #tpu.memory_space<hbm>> -> memref<101024x64xf32, #tpu.memory_space<hbm>>
      tpu.enqueue_indirect_dma source(%dma_start3A_986 : memref<101024x64xf32, #tpu.memory_space<hbm>>) target(%dma_start3A_980 : memref<128x64xf32, #tpu.memory_space<vmem>>) offsets(%dma_start3A_983 : memref<128xi32, #tpu.memory_space<vmem>>) semaphore(%arg13 : memref<!tpu.dma_semaphore, #tpu.memory_space<semaphore_mem>>)
      %dma_wait3A_987 = arith.constant 0 : i32
      %dma_wait3A_988 = arith.constant 0 : i32
      %dma_wait3A_989 = arith.constant 0 : i32
      %dma_wait3A_990 = tpu.memref_slice %arg7[%dma_wait3A_987, %dma_wait3A_988, %dma_wait3A_989] : memref<2x640x64xf32, #tpu.memory_space<vmem>> -> memref<1x128x64xf32, #tpu.memory_space<vmem>>
      %dma_wait3A_991 = tpu.memref_squeeze %dma_wait3A_990 : memref<1x128x64xf32, #tpu.memory_space<vmem>> -> memref<128x64xf32, #tpu.memory_space<vmem>>
      %dma_wait3A_992 = arith.constant 0 : i32
      %dma_wait3A_993 = tpu.memref_slice %arg8[%add3A_915, %dma_wait3A_992] : memref<200x128xi32, #tpu.memory_space<vmem>> -> memref<1x128xi32, #tpu.memory_space<vmem>>
      %dma_wait3A_994 = tpu.memref_squeeze %dma_wait3A_993 : memref<1x128xi32, #tpu.memory_space<vmem>> -> memref<128xi32, #tpu.memory_space<vmem>>
      %dma_wait3A_995 = arith.constant 0 : i32
      %dma_wait3A_996 = arith.constant 0 : i32
      %dma_wait3A_997 = tpu.memref_slice %arg6[%dma_wait3A_995, %dma_wait3A_996] : memref<101024x64xf32, #tpu.memory_space<hbm>> -> memref<101024x64xf32, #tpu.memory_space<hbm>>
      tpu.wait_indirect_dma semaphore(%arg13 : memref<!tpu.dma_semaphore, #tpu.memory_space<semaphore_mem>>) src(%dma_wait3A_997 : memref<101024x64xf32, #tpu.memory_space<hbm>>) dst(%dma_wait3A_991 : memref<128x64xf32, #tpu.memory_space<vmem>>)
      %dma_wait3A_998 = arith.constant 0 : i32
      %dma_wait3A_999 = arith.constant 128 : i32
      %dma_wait3A_1000 = arith.constant 0 : i32
      %dma_wait3A_1001 = tpu.memref_slice %arg7[%dma_wait3A_998, %dma_wait3A_999, %dma_wait3A_1000] : memref<2x640x64xf32, #tpu.memory_space<vmem>> -> memref<1x128x64xf32, #tpu.memory_space<vmem>>
      %dma_wait3A_1002 = tpu.memref_squeeze %dma_wait3A_1001 : memref<1x128x64xf32, #tpu.memory_space<vmem>> -> memref<128x64xf32, #tpu.memory_space<vmem>>
      %dma_wait3A_1003 = arith.constant 0 : i32
      %dma_wait3A_1004 = tpu.memref_slice %arg8[%add3A_930, %dma_wait3A_1003] : memref<200x128xi32, #tpu.memory_space<vmem>> -> memref<1x128xi32, #tpu.memory_space<vmem>>
      %dma_wait3A_1005 = tpu.memref_squeeze %dma_wait3A_1004 : memref<1x128xi32, #tpu.memory_space<vmem>> -> memref<128xi32, #tpu.memory_space<vmem>>
      %dma_wait3A_1006 = arith.constant 0 : i32
      %dma_wait3A_1007 = arith.constant 0 : i32
      %dma_wait3A_1008 = tpu.memref_slice %arg6[%dma_wait3A_1006, %dma_wait3A_1007] : memref<101024x64xf32, #tpu.memory_space<hbm>> -> memref<101024x64xf32, #tpu.memory_space<hbm>>
      tpu.wait_indirect_dma semaphore(%arg13 : memref<!tpu.dma_semaphore, #tpu.memory_space<semaphore_mem>>) src(%dma_wait3A_1008 : memref<101024x64xf32, #tpu.memory_space<hbm>>) dst(%dma_wait3A_1002 : memref<128x64xf32, #tpu.memory_space<vmem>>)
      %dma_wait3A_1009 = arith.constant 0 : i32
      %dma_wait3A_1010 = arith.constant 256 : i32
      %dma_wait3A_1011 = arith.constant 0 : i32
      %dma_wait3A_1012 = tpu.memref_slice %arg7[%dma_wait3A_1009, %dma_wait3A_1010, %dma_wait3A_1011] : memref<2x640x64xf32, #tpu.memory_space<vmem>> -> memref<1x128x64xf32, #tpu.memory_space<vmem>>
      %dma_wait3A_1013 = tpu.memref_squeeze %dma_wait3A_1012 : memref<1x128x64xf32, #tpu.memory_space<vmem>> -> memref<128x64xf32, #tpu.memory_space<vmem>>
      %dma_wait3A_1014 = arith.constant 0 : i32
      %dma_wait3A_1015 = tpu.memref_slice %arg8[%add3A_945, %dma_wait3A_1014] : memref<200x128xi32, #tpu.memory_space<vmem>> -> memref<1x128xi32, #tpu.memory_space<vmem>>
      %dma_wait3A_1016 = tpu.memref_squeeze %dma_wait3A_1015 : memref<1x128xi32, #tpu.memory_space<vmem>> -> memref<128xi32, #tpu.memory_space<vmem>>
      %dma_wait3A_1017 = arith.constant 0 : i32
      %dma_wait3A_1018 = arith.constant 0 : i32
      %dma_wait3A_1019 = tpu.memref_slice %arg6[%dma_wait3A_1017, %dma_wait3A_1018] : memref<101024x64xf32, #tpu.memory_space<hbm>> -> memref<101024x64xf32, #tpu.memory_space<hbm>>
      tpu.wait_indirect_dma semaphore(%arg13 : memref<!tpu.dma_semaphore, #tpu.memory_space<semaphore_mem>>) src(%dma_wait3A_1019 : memref<101024x64xf32, #tpu.memory_space<hbm>>) dst(%dma_wait3A_1013 : memref<128x64xf32, #tpu.memory_space<vmem>>)
      %dma_wait3A_1020 = arith.constant 0 : i32
      %dma_wait3A_1021 = arith.constant 384 : i32
      %dma_wait3A_1022 = arith.constant 0 : i32
      %dma_wait3A_1023 = tpu.memref_slice %arg7[%dma_wait3A_1020, %dma_wait3A_1021, %dma_wait3A_1022] : memref<2x640x64xf32, #tpu.memory_space<vmem>> -> memref<1x128x64xf32, #tpu.memory_space<vmem>>
      %dma_wait3A_1024 = tpu.memref_squeeze %dma_wait3A_1023 : memref<1x128x64xf32, #tpu.memory_space<vmem>> -> memref<128x64xf32, #tpu.memory_space<vmem>>
      %dma_wait3A_1025 = arith.constant 0 : i32
      %dma_wait3A_1026 = tpu.memref_slice %arg8[%add3A_960, %dma_wait3A_1025] : memref<200x128xi32, #tpu.memory_space<vmem>> -> memref<1x128xi32, #tpu.memory_space<vmem>>
      %dma_wait3A_1027 = tpu.memref_squeeze %dma_wait3A_1026 : memref<1x128xi32, #tpu.memory_space<vmem>> -> memref<128xi32, #tpu.memory_space<vmem>>
      %dma_wait3A_1028 = arith.constant 0 : i32
      %dma_wait3A_1029 = arith.constant 0 : i32
      %dma_wait3A_1030 = tpu.memref_slice %arg6[%dma_wait3A_1028, %dma_wait3A_1029] : memref<101024x64xf32, #tpu.memory_space<hbm>> -> memref<101024x64xf32, #tpu.memory_space<hbm>>
      tpu.wait_indirect_dma semaphore(%arg13 : memref<!tpu.dma_semaphore, #tpu.memory_space<semaphore_mem>>) src(%dma_wait3A_1030 : memref<101024x64xf32, #tpu.memory_space<hbm>>) dst(%dma_wait3A_1024 : memref<128x64xf32, #tpu.memory_space<vmem>>)
      %dma_wait3A_1031 = arith.constant 0 : i32
      %dma_wait3A_1032 = arith.constant 512 : i32
      %dma_wait3A_1033 = arith.constant 0 : i32
      %dma_wait3A_1034 = tpu.memref_slice %arg7[%dma_wait3A_1031, %dma_wait3A_1032, %dma_wait3A_1033] : memref<2x640x64xf32, #tpu.memory_space<vmem>> -> memref<1x128x64xf32, #tpu.memory_space<vmem>>
      %dma_wait3A_1035 = tpu.memref_squeeze %dma_wait3A_1034 : memref<1x128x64xf32, #tpu.memory_space<vmem>> -> memref<128x64xf32, #tpu.memory_space<vmem>>
      %dma_wait3A_1036 = arith.constant 0 : i32
      %dma_wait3A_1037 = tpu.memref_slice %arg8[%add3A_975, %dma_wait3A_1036] : memref<200x128xi32, #tpu.memory_space<vmem>> -> memref<1x128xi32, #tpu.memory_space<vmem>>
      %dma_wait3A_1038 = tpu.memref_squeeze %dma_wait3A_1037 : memref<1x128xi32, #tpu.memory_space<vmem>> -> memref<128xi32, #tpu.memory_space<vmem>>
      %dma_wait3A_1039 = arith.constant 0 : i32
      %dma_wait3A_1040 = arith.constant 0 : i32
      %dma_wait3A_1041 = tpu.memref_slice %arg6[%dma_wait3A_1039, %dma_wait3A_1040] : memref<101024x64xf32, #tpu.memory_space<hbm>> -> memref<101024x64xf32, #tpu.memory_space<hbm>>
      tpu.wait_indirect_dma semaphore(%arg13 : memref<!tpu.dma_semaphore, #tpu.memory_space<semaphore_mem>>) src(%dma_wait3A_1041 : memref<101024x64xf32, #tpu.memory_space<hbm>>) dst(%dma_wait3A_1035 : memref<128x64xf32, #tpu.memory_space<vmem>>)
      %mul3A_1042 = arith.constant 640 : i32
      %mul3A_1043 = arith.muli %add3A_907, %mul3A_1042 : i32
      %add3A_1044 = arith.addi %mul3A_865, %mul3A_1043 : i32
      %multiple_of3A_1045 = tpu.assume_multiple %add3A_1044, 8 : i32
      %dma_start3A_1046 = arith.constant 0 : i32
      %dma_start3A_1047 = arith.constant 0 : i32
      %dma_start3A_1048 = arith.constant 0 : i32
      %dma_start3A_1049 = tpu.memref_slice %arg7[%dma_start3A_1046, %dma_start3A_1047, %dma_start3A_1048] : memref<2x640x64xf32, #tpu.memory_space<vmem>> -> memref<1x640x64xf32, #tpu.memory_space<vmem>>
      %dma_start3A_1050 = tpu.memref_squeeze %dma_start3A_1049 : memref<1x640x64xf32, #tpu.memory_space<vmem>> -> memref<640x64xf32, #tpu.memory_space<vmem>>
      %dma_start3A_1051 = arith.constant 0 : i32
      %dma_start3A_1052 = tpu.memref_slice %arg5[%multiple_of3A_1045, %dma_start3A_1051] : memref<819200x64xf32, #tpu.memory_space<hbm>> -> memref<640x64xf32, #tpu.memory_space<hbm>>
      %dma_start3A_1053 = arith.constant 0 : i32
      %dma_start3A_1054 = tpu.memref_slice %arg5[%multiple_of3A_1045, %dma_start3A_1053] : memref<819200x64xf32, #tpu.memory_space<hbm>> -> memref<640x64xf32, #tpu.memory_space<hbm>>
      %dma_start3A_1055 = arith.constant 0 : i32
      %dma_start3A_1056 = arith.constant 0 : i32
      %dma_start3A_1057 = tpu.memref_slice %arg7[%dma_start3A_1046, %dma_start3A_1055, %dma_start3A_1056] : memref<2x640x64xf32, #tpu.memory_space<vmem>> -> memref<1x640x64xf32, #tpu.memory_space<vmem>>
      %dma_start3A_1058 = tpu.memref_squeeze %dma_start3A_1057 : memref<1x640x64xf32, #tpu.memory_space<vmem>> -> memref<640x64xf32, #tpu.memory_space<vmem>>
      tpu.enqueue_dma source(%dma_start3A_1058 : memref<640x64xf32, #tpu.memory_space<vmem>>) target(%dma_start3A_1054 : memref<640x64xf32, #tpu.memory_space<hbm>>) target_semaphore(%arg11 : memref<!tpu.dma_semaphore, #tpu.memory_space<semaphore_mem>>)
      %mul3A_1059 = arith.constant 2 : i32
      %mul3A_1060 = arith.muli %mul3A_1059, %scan3A_903 : i32
      %add3A_1061 = arith.constant 1 : i32
      %add3A_1062 = arith.addi %mul3A_1060, %add3A_1061 : i32
      %ge3A_1063 = arith.constant 1 : i32
      %ge3A_1064 = arith.cmpi sge, %scan3A_903, %ge3A_1063 : i32
      %convert_element_type3A_1065 = arith.extui %ge3A_1064 : i1 to i32
      %cond3A_1066 = arith.constant 0 : i32
      %cond3A_1067 = arith.cmpi ne, %convert_element_type3A_1065, %cond3A_1066 : i32
      scf.if %cond3A_1067 {
        %dma_wait3A_1215 = arith.constant 1 : i32
        %dma_wait3A_1216 = arith.constant 0 : i32
        %dma_wait3A_1217 = arith.constant 0 : i32
        %dma_wait3A_1218 = tpu.memref_slice %arg7[%dma_wait3A_1215, %dma_wait3A_1216, %dma_wait3A_1217] : memref<2x640x64xf32, #tpu.memory_space<vmem>> -> memref<1x640x64xf32, #tpu.memory_space<vmem>>
        %dma_wait3A_1219 = tpu.memref_squeeze %dma_wait3A_1218 : memref<1x640x64xf32, #tpu.memory_space<vmem>> -> memref<640x64xf32, #tpu.memory_space<vmem>>
        %dma_wait3A_1220 = arith.constant 0 : i32
        %dma_wait3A_1221 = arith.constant 0 : i32
        %dma_wait3A_1222 = tpu.memref_slice %arg5[%dma_wait3A_1220, %dma_wait3A_1221] : memref<819200x64xf32, #tpu.memory_space<hbm>> -> memref<640x64xf32, #tpu.memory_space<hbm>>
        %dma_wait3A_1223 = arith.constant 0 : i32
        %dma_wait3A_1224 = arith.constant 0 : i32
        %dma_wait3A_1225 = tpu.memref_slice %arg5[%dma_wait3A_1223, %dma_wait3A_1224] : memref<819200x64xf32, #tpu.memory_space<hbm>> -> memref<640x64xf32, #tpu.memory_space<hbm>>
        %dma_wait3A_1226 = arith.constant 0 : i32
        %dma_wait3A_1227 = arith.constant 0 : i32
        %dma_wait3A_1228 = tpu.memref_slice %arg7[%dma_wait3A_1215, %dma_wait3A_1226, %dma_wait3A_1227] : memref<2x640x64xf32, #tpu.memory_space<vmem>> -> memref<1x640x64xf32, #tpu.memory_space<vmem>>
        %dma_wait3A_1229 = tpu.memref_squeeze %dma_wait3A_1228 : memref<1x640x64xf32, #tpu.memory_space<vmem>> -> memref<640x64xf32, #tpu.memory_space<vmem>>
        tpu.wait_dma2 semaphore(%arg12 : memref<!tpu.dma_semaphore, #tpu.memory_space<semaphore_mem>>) src(%dma_wait3A_1229 : memref<640x64xf32, #tpu.memory_space<vmem>>) dst(%dma_wait3A_1225 : memref<640x64xf32, #tpu.memory_space<hbm>>)
      } else {
      }
      %mul3A_1068 = arith.constant 5 : i32
      %mul3A_1069 = arith.muli %add3A_1062, %mul3A_1068 : i32
      %add3A_1070 = arith.constant 0 : i32
      %add3A_1071 = arith.addi %mul3A_1069, %add3A_1070 : i32
      %dma_start3A_1072 = arith.constant 1 : i32
      %dma_start3A_1073 = arith.constant 0 : i32
      %dma_start3A_1074 = arith.constant 0 : i32
      %dma_start3A_1075 = tpu.memref_slice %arg7[%dma_start3A_1072, %dma_start3A_1073, %dma_start3A_1074] : memref<2x640x64xf32, #tpu.memory_space<vmem>> -> memref<1x128x64xf32, #tpu.memory_space<vmem>>
      %dma_start3A_1076 = tpu.memref_squeeze %dma_start3A_1075 : memref<1x128x64xf32, #tpu.memory_space<vmem>> -> memref<128x64xf32, #tpu.memory_space<vmem>>
      %dma_start3A_1077 = arith.constant 0 : i32
      %dma_start3A_1078 = tpu.memref_slice %arg8[%add3A_1071, %dma_start3A_1077] : memref<200x128xi32, #tpu.memory_space<vmem>> -> memref<1x128xi32, #tpu.memory_space<vmem>>
      %dma_start3A_1079 = tpu.memref_squeeze %dma_start3A_1078 : memref<1x128xi32, #tpu.memory_space<vmem>> -> memref<128xi32, #tpu.memory_space<vmem>>
      %dma_start3A_1080 = arith.constant 0 : i32
      %dma_start3A_1081 = arith.constant 0 : i32
      %dma_start3A_1082 = tpu.memref_slice %arg6[%dma_start3A_1080, %dma_start3A_1081] : memref<101024x64xf32, #tpu.memory_space<hbm>> -> memref<101024x64xf32, #tpu.memory_space<hbm>>
      tpu.enqueue_indirect_dma source(%dma_start3A_1082 : memref<101024x64xf32, #tpu.memory_space<hbm>>) target(%dma_start3A_1076 : memref<128x64xf32, #tpu.memory_space<vmem>>) offsets(%dma_start3A_1079 : memref<128xi32, #tpu.memory_space<vmem>>) semaphore(%arg13 : memref<!tpu.dma_semaphore, #tpu.memory_space<semaphore_mem>>)
      %mul3A_1083 = arith.constant 5 : i32
      %mul3A_1084 = arith.muli %add3A_1062, %mul3A_1083 : i32
      %add3A_1085 = arith.constant 1 : i32
      %add3A_1086 = arith.addi %mul3A_1084, %add3A_1085 : i32
      %dma_start3A_1087 = arith.constant 1 : i32
      %dma_start3A_1088 = arith.constant 128 : i32
      %dma_start3A_1089 = arith.constant 0 : i32
      %dma_start3A_1090 = tpu.memref_slice %arg7[%dma_start3A_1087, %dma_start3A_1088, %dma_start3A_1089] : memref<2x640x64xf32, #tpu.memory_space<vmem>> -> memref<1x128x64xf32, #tpu.memory_space<vmem>>
      %dma_start3A_1091 = tpu.memref_squeeze %dma_start3A_1090 : memref<1x128x64xf32, #tpu.memory_space<vmem>> -> memref<128x64xf32, #tpu.memory_space<vmem>>
      %dma_start3A_1092 = arith.constant 0 : i32
      %dma_start3A_1093 = tpu.memref_slice %arg8[%add3A_1086, %dma_start3A_1092] : memref<200x128xi32, #tpu.memory_space<vmem>> -> memref<1x128xi32, #tpu.memory_space<vmem>>
      %dma_start3A_1094 = tpu.memref_squeeze %dma_start3A_1093 : memref<1x128xi32, #tpu.memory_space<vmem>> -> memref<128xi32, #tpu.memory_space<vmem>>
      %dma_start3A_1095 = arith.constant 0 : i32
      %dma_start3A_1096 = arith.constant 0 : i32
      %dma_start3A_1097 = tpu.memref_slice %arg6[%dma_start3A_1095, %dma_start3A_1096] : memref<101024x64xf32, #tpu.memory_space<hbm>> -> memref<101024x64xf32, #tpu.memory_space<hbm>>
      tpu.enqueue_indirect_dma source(%dma_start3A_1097 : memref<101024x64xf32, #tpu.memory_space<hbm>>) target(%dma_start3A_1091 : memref<128x64xf32, #tpu.memory_space<vmem>>) offsets(%dma_start3A_1094 : memref<128xi32, #tpu.memory_space<vmem>>) semaphore(%arg13 : memref<!tpu.dma_semaphore, #tpu.memory_space<semaphore_mem>>)
      %mul3A_1098 = arith.constant 5 : i32
      %mul3A_1099 = arith.muli %add3A_1062, %mul3A_1098 : i32
      %add3A_1100 = arith.constant 2 : i32
      %add3A_1101 = arith.addi %mul3A_1099, %add3A_1100 : i32
      %dma_start3A_1102 = arith.constant 1 : i32
      %dma_start3A_1103 = arith.constant 256 : i32
      %dma_start3A_1104 = arith.constant 0 : i32
      %dma_start3A_1105 = tpu.memref_slice %arg7[%dma_start3A_1102, %dma_start3A_1103, %dma_start3A_1104] : memref<2x640x64xf32, #tpu.memory_space<vmem>> -> memref<1x128x64xf32, #tpu.memory_space<vmem>>
      %dma_start3A_1106 = tpu.memref_squeeze %dma_start3A_1105 : memref<1x128x64xf32, #tpu.memory_space<vmem>> -> memref<128x64xf32, #tpu.memory_space<vmem>>
      %dma_start3A_1107 = arith.constant 0 : i32
      %dma_start3A_1108 = tpu.memref_slice %arg8[%add3A_1101, %dma_start3A_1107] : memref<200x128xi32, #tpu.memory_space<vmem>> -> memref<1x128xi32, #tpu.memory_space<vmem>>
      %dma_start3A_1109 = tpu.memref_squeeze %dma_start3A_1108 : memref<1x128xi32, #tpu.memory_space<vmem>> -> memref<128xi32, #tpu.memory_space<vmem>>
      %dma_start3A_1110 = arith.constant 0 : i32
      %dma_start3A_1111 = arith.constant 0 : i32
      %dma_start3A_1112 = tpu.memref_slice %arg6[%dma_start3A_1110, %dma_start3A_1111] : memref<101024x64xf32, #tpu.memory_space<hbm>> -> memref<101024x64xf32, #tpu.memory_space<hbm>>
      tpu.enqueue_indirect_dma source(%dma_start3A_1112 : memref<101024x64xf32, #tpu.memory_space<hbm>>) target(%dma_start3A_1106 : memref<128x64xf32, #tpu.memory_space<vmem>>) offsets(%dma_start3A_1109 : memref<128xi32, #tpu.memory_space<vmem>>) semaphore(%arg13 : memref<!tpu.dma_semaphore, #tpu.memory_space<semaphore_mem>>)
      %mul3A_1113 = arith.constant 5 : i32
      %mul3A_1114 = arith.muli %add3A_1062, %mul3A_1113 : i32
      %add3A_1115 = arith.constant 3 : i32
      %add3A_1116 = arith.addi %mul3A_1114, %add3A_1115 : i32
      %dma_start3A_1117 = arith.constant 1 : i32
      %dma_start3A_1118 = arith.constant 384 : i32
      %dma_start3A_1119 = arith.constant 0 : i32
      %dma_start3A_1120 = tpu.memref_slice %arg7[%dma_start3A_1117, %dma_start3A_1118, %dma_start3A_1119] : memref<2x640x64xf32, #tpu.memory_space<vmem>> -> memref<1x128x64xf32, #tpu.memory_space<vmem>>
      %dma_start3A_1121 = tpu.memref_squeeze %dma_start3A_1120 : memref<1x128x64xf32, #tpu.memory_space<vmem>> -> memref<128x64xf32, #tpu.memory_space<vmem>>
      %dma_start3A_1122 = arith.constant 0 : i32
      %dma_start3A_1123 = tpu.memref_slice %arg8[%add3A_1116, %dma_start3A_1122] : memref<200x128xi32, #tpu.memory_space<vmem>> -> memref<1x128xi32, #tpu.memory_space<vmem>>
      %dma_start3A_1124 = tpu.memref_squeeze %dma_start3A_1123 : memref<1x128xi32, #tpu.memory_space<vmem>> -> memref<128xi32, #tpu.memory_space<vmem>>
      %dma_start3A_1125 = arith.constant 0 : i32
      %dma_start3A_1126 = arith.constant 0 : i32
      %dma_start3A_1127 = tpu.memref_slice %arg6[%dma_start3A_1125, %dma_start3A_1126] : memref<101024x64xf32, #tpu.memory_space<hbm>> -> memref<101024x64xf32, #tpu.memory_space<hbm>>
      tpu.enqueue_indirect_dma source(%dma_start3A_1127 : memref<101024x64xf32, #tpu.memory_space<hbm>>) target(%dma_start3A_1121 : memref<128x64xf32, #tpu.memory_space<vmem>>) offsets(%dma_start3A_1124 : memref<128xi32, #tpu.memory_space<vmem>>) semaphore(%arg13 : memref<!tpu.dma_semaphore, #tpu.memory_space<semaphore_mem>>)
      %mul3A_1128 = arith.constant 5 : i32
      %mul3A_1129 = arith.muli %add3A_1062, %mul3A_1128 : i32
      %add3A_1130 = arith.constant 4 : i32
      %add3A_1131 = arith.addi %mul3A_1129, %add3A_1130 : i32
      %dma_start3A_1132 = arith.constant 1 : i32
      %dma_start3A_1133 = arith.constant 512 : i32
      %dma_start3A_1134 = arith.constant 0 : i32
      %dma_start3A_1135 = tpu.memref_slice %arg7[%dma_start3A_1132, %dma_start3A_1133, %dma_start3A_1134] : memref<2x640x64xf32, #tpu.memory_space<vmem>> -> memref<1x128x64xf32, #tpu.memory_space<vmem>>
      %dma_start3A_1136 = tpu.memref_squeeze %dma_start3A_1135 : memref<1x128x64xf32, #tpu.memory_space<vmem>> -> memref<128x64xf32, #tpu.memory_space<vmem>>
      %dma_start3A_1137 = arith.constant 0 : i32
      %dma_start3A_1138 = tpu.memref_slice %arg8[%add3A_1131, %dma_start3A_1137] : memref<200x128xi32, #tpu.memory_space<vmem>> -> memref<1x128xi32, #tpu.memory_space<vmem>>
      %dma_start3A_1139 = tpu.memref_squeeze %dma_start3A_1138 : memref<1x128xi32, #tpu.memory_space<vmem>> -> memref<128xi32, #tpu.memory_space<vmem>>
      %dma_start3A_1140 = arith.constant 0 : i32
      %dma_start3A_1141 = arith.constant 0 : i32
      %dma_start3A_1142 = tpu.memref_slice %arg6[%dma_start3A_1140, %dma_start3A_1141] : memref<101024x64xf32, #tpu.memory_space<hbm>> -> memref<101024x64xf32, #tpu.memory_space<hbm>>
      tpu.enqueue_indirect_dma source(%dma_start3A_1142 : memref<101024x64xf32, #tpu.memory_space<hbm>>) target(%dma_start3A_1136 : memref<128x64xf32, #tpu.memory_space<vmem>>) offsets(%dma_start3A_1139 : memref<128xi32, #tpu.memory_space<vmem>>) semaphore(%arg13 : memref<!tpu.dma_semaphore, #tpu.memory_space<semaphore_mem>>)
      %dma_wait3A_1143 = arith.constant 1 : i32
      %dma_wait3A_1144 = arith.constant 0 : i32
      %dma_wait3A_1145 = arith.constant 0 : i32
      %dma_wait3A_1146 = tpu.memref_slice %arg7[%dma_wait3A_1143, %dma_wait3A_1144, %dma_wait3A_1145] : memref<2x640x64xf32, #tpu.memory_space<vmem>> -> memref<1x128x64xf32, #tpu.memory_space<vmem>>
      %dma_wait3A_1147 = tpu.memref_squeeze %dma_wait3A_1146 : memref<1x128x64xf32, #tpu.memory_space<vmem>> -> memref<128x64xf32, #tpu.memory_space<vmem>>
      %dma_wait3A_1148 = arith.constant 0 : i32
      %dma_wait3A_1149 = tpu.memref_slice %arg8[%add3A_1071, %dma_wait3A_1148] : memref<200x128xi32, #tpu.memory_space<vmem>> -> memref<1x128xi32, #tpu.memory_space<vmem>>
      %dma_wait3A_1150 = tpu.memref_squeeze %dma_wait3A_1149 : memref<1x128xi32, #tpu.memory_space<vmem>> -> memref<128xi32, #tpu.memory_space<vmem>>
      %dma_wait3A_1151 = arith.constant 0 : i32
      %dma_wait3A_1152 = arith.constant 0 : i32
      %dma_wait3A_1153 = tpu.memref_slice %arg6[%dma_wait3A_1151, %dma_wait3A_1152] : memref<101024x64xf32, #tpu.memory_space<hbm>> -> memref<101024x64xf32, #tpu.memory_space<hbm>>
      tpu.wait_indirect_dma semaphore(%arg13 : memref<!tpu.dma_semaphore, #tpu.memory_space<semaphore_mem>>) src(%dma_wait3A_1153 : memref<101024x64xf32, #tpu.memory_space<hbm>>) dst(%dma_wait3A_1147 : memref<128x64xf32, #tpu.memory_space<vmem>>)
      %dma_wait3A_1154 = arith.constant 1 : i32
      %dma_wait3A_1155 = arith.constant 128 : i32
      %dma_wait3A_1156 = arith.constant 0 : i32
      %dma_wait3A_1157 = tpu.memref_slice %arg7[%dma_wait3A_1154, %dma_wait3A_1155, %dma_wait3A_1156] : memref<2x640x64xf32, #tpu.memory_space<vmem>> -> memref<1x128x64xf32, #tpu.memory_space<vmem>>
      %dma_wait3A_1158 = tpu.memref_squeeze %dma_wait3A_1157 : memref<1x128x64xf32, #tpu.memory_space<vmem>> -> memref<128x64xf32, #tpu.memory_space<vmem>>
      %dma_wait3A_1159 = arith.constant 0 : i32
      %dma_wait3A_1160 = tpu.memref_slice %arg8[%add3A_1086, %dma_wait3A_1159] : memref<200x128xi32, #tpu.memory_space<vmem>> -> memref<1x128xi32, #tpu.memory_space<vmem>>
      %dma_wait3A_1161 = tpu.memref_squeeze %dma_wait3A_1160 : memref<1x128xi32, #tpu.memory_space<vmem>> -> memref<128xi32, #tpu.memory_space<vmem>>
      %dma_wait3A_1162 = arith.constant 0 : i32
      %dma_wait3A_1163 = arith.constant 0 : i32
      %dma_wait3A_1164 = tpu.memref_slice %arg6[%dma_wait3A_1162, %dma_wait3A_1163] : memref<101024x64xf32, #tpu.memory_space<hbm>> -> memref<101024x64xf32, #tpu.memory_space<hbm>>
      tpu.wait_indirect_dma semaphore(%arg13 : memref<!tpu.dma_semaphore, #tpu.memory_space<semaphore_mem>>) src(%dma_wait3A_1164 : memref<101024x64xf32, #tpu.memory_space<hbm>>) dst(%dma_wait3A_1158 : memref<128x64xf32, #tpu.memory_space<vmem>>)
      %dma_wait3A_1165 = arith.constant 1 : i32
      %dma_wait3A_1166 = arith.constant 256 : i32
      %dma_wait3A_1167 = arith.constant 0 : i32
      %dma_wait3A_1168 = tpu.memref_slice %arg7[%dma_wait3A_1165, %dma_wait3A_1166, %dma_wait3A_1167] : memref<2x640x64xf32, #tpu.memory_space<vmem>> -> memref<1x128x64xf32, #tpu.memory_space<vmem>>
      %dma_wait3A_1169 = tpu.memref_squeeze %dma_wait3A_1168 : memref<1x128x64xf32, #tpu.memory_space<vmem>> -> memref<128x64xf32, #tpu.memory_space<vmem>>
      %dma_wait3A_1170 = arith.constant 0 : i32
      %dma_wait3A_1171 = tpu.memref_slice %arg8[%add3A_1101, %dma_wait3A_1170] : memref<200x128xi32, #tpu.memory_space<vmem>> -> memref<1x128xi32, #tpu.memory_space<vmem>>
      %dma_wait3A_1172 = tpu.memref_squeeze %dma_wait3A_1171 : memref<1x128xi32, #tpu.memory_space<vmem>> -> memref<128xi32, #tpu.memory_space<vmem>>
      %dma_wait3A_1173 = arith.constant 0 : i32
      %dma_wait3A_1174 = arith.constant 0 : i32
      %dma_wait3A_1175 = tpu.memref_slice %arg6[%dma_wait3A_1173, %dma_wait3A_1174] : memref<101024x64xf32, #tpu.memory_space<hbm>> -> memref<101024x64xf32, #tpu.memory_space<hbm>>
      tpu.wait_indirect_dma semaphore(%arg13 : memref<!tpu.dma_semaphore, #tpu.memory_space<semaphore_mem>>) src(%dma_wait3A_1175 : memref<101024x64xf32, #tpu.memory_space<hbm>>) dst(%dma_wait3A_1169 : memref<128x64xf32, #tpu.memory_space<vmem>>)
      %dma_wait3A_1176 = arith.constant 1 : i32
      %dma_wait3A_1177 = arith.constant 384 : i32
      %dma_wait3A_1178 = arith.constant 0 : i32
      %dma_wait3A_1179 = tpu.memref_slice %arg7[%dma_wait3A_1176, %dma_wait3A_1177, %dma_wait3A_1178] : memref<2x640x64xf32, #tpu.memory_space<vmem>> -> memref<1x128x64xf32, #tpu.memory_space<vmem>>
      %dma_wait3A_1180 = tpu.memref_squeeze %dma_wait3A_1179 : memref<1x128x64xf32, #tpu.memory_space<vmem>> -> memref<128x64xf32, #tpu.memory_space<vmem>>
      %dma_wait3A_1181 = arith.constant 0 : i32
      %dma_wait3A_1182 = tpu.memref_slice %arg8[%add3A_1116, %dma_wait3A_1181] : memref<200x128xi32, #tpu.memory_space<vmem>> -> memref<1x128xi32, #tpu.memory_space<vmem>>
      %dma_wait3A_1183 = tpu.memref_squeeze %dma_wait3A_1182 : memref<1x128xi32, #tpu.memory_space<vmem>> -> memref<128xi32, #tpu.memory_space<vmem>>
      %dma_wait3A_1184 = arith.constant 0 : i32
      %dma_wait3A_1185 = arith.constant 0 : i32
      %dma_wait3A_1186 = tpu.memref_slice %arg6[%dma_wait3A_1184, %dma_wait3A_1185] : memref<101024x64xf32, #tpu.memory_space<hbm>> -> memref<101024x64xf32, #tpu.memory_space<hbm>>
      tpu.wait_indirect_dma semaphore(%arg13 : memref<!tpu.dma_semaphore, #tpu.memory_space<semaphore_mem>>) src(%dma_wait3A_1186 : memref<101024x64xf32, #tpu.memory_space<hbm>>) dst(%dma_wait3A_1180 : memref<128x64xf32, #tpu.memory_space<vmem>>)
      %dma_wait3A_1187 = arith.constant 1 : i32
      %dma_wait3A_1188 = arith.constant 512 : i32
      %dma_wait3A_1189 = arith.constant 0 : i32
      %dma_wait3A_1190 = tpu.memref_slice %arg7[%dma_wait3A_1187, %dma_wait3A_1188, %dma_wait3A_1189] : memref<2x640x64xf32, #tpu.memory_space<vmem>> -> memref<1x128x64xf32, #tpu.memory_space<vmem>>
      %dma_wait3A_1191 = tpu.memref_squeeze %dma_wait3A_1190 : memref<1x128x64xf32, #tpu.memory_space<vmem>> -> memref<128x64xf32, #tpu.memory_space<vmem>>
      %dma_wait3A_1192 = arith.constant 0 : i32
      %dma_wait3A_1193 = tpu.memref_slice %arg8[%add3A_1131, %dma_wait3A_1192] : memref<200x128xi32, #tpu.memory_space<vmem>> -> memref<1x128xi32, #tpu.memory_space<vmem>>
      %dma_wait3A_1194 = tpu.memref_squeeze %dma_wait3A_1193 : memref<1x128xi32, #tpu.memory_space<vmem>> -> memref<128xi32, #tpu.memory_space<vmem>>
      %dma_wait3A_1195 = arith.constant 0 : i32
      %dma_wait3A_1196 = arith.constant 0 : i32
      %dma_wait3A_1197 = tpu.memref_slice %arg6[%dma_wait3A_1195, %dma_wait3A_1196] : memref<101024x64xf32, #tpu.memory_space<hbm>> -> memref<101024x64xf32, #tpu.memory_space<hbm>>
      tpu.wait_indirect_dma semaphore(%arg13 : memref<!tpu.dma_semaphore, #tpu.memory_space<semaphore_mem>>) src(%dma_wait3A_1197 : memref<101024x64xf32, #tpu.memory_space<hbm>>) dst(%dma_wait3A_1191 : memref<128x64xf32, #tpu.memory_space<vmem>>)
      %mul3A_1198 = arith.constant 640 : i32
      %mul3A_1199 = arith.muli %add3A_1062, %mul3A_1198 : i32
      %add3A_1200 = arith.addi %mul3A_865, %mul3A_1199 : i32
      %multiple_of3A_1201 = tpu.assume_multiple %add3A_1200, 8 : i32
      %dma_start3A_1202 = arith.constant 1 : i32
      %dma_start3A_1203 = arith.constant 0 : i32
      %dma_start3A_1204 = arith.constant 0 : i32
      %dma_start3A_1205 = tpu.memref_slice %arg7[%dma_start3A_1202, %dma_start3A_1203, %dma_start3A_1204] : memref<2x640x64xf32, #tpu.memory_space<vmem>> -> memref<1x640x64xf32, #tpu.memory_space<vmem>>
      %dma_start3A_1206 = tpu.memref_squeeze %dma_start3A_1205 : memref<1x640x64xf32, #tpu.memory_space<vmem>> -> memref<640x64xf32, #tpu.memory_space<vmem>>
      %dma_start3A_1207 = arith.constant 0 : i32
      %dma_start3A_1208 = tpu.memref_slice %arg5[%multiple_of3A_1201, %dma_start3A_1207] : memref<819200x64xf32, #tpu.memory_space<hbm>> -> memref<640x64xf32, #tpu.memory_space<hbm>>
      %dma_start3A_1209 = arith.constant 0 : i32
      %dma_start3A_1210 = tpu.memref_slice %arg5[%multiple_of3A_1201, %dma_start3A_1209] : memref<819200x64xf32, #tpu.memory_space<hbm>> -> memref<640x64xf32, #tpu.memory_space<hbm>>
      %dma_start3A_1211 = arith.constant 0 : i32
      %dma_start3A_1212 = arith.constant 0 : i32
      %dma_start3A_1213 = tpu.memref_slice %arg7[%dma_start3A_1202, %dma_start3A_1211, %dma_start3A_1212] : memref<2x640x64xf32, #tpu.memory_space<vmem>> -> memref<1x640x64xf32, #tpu.memory_space<vmem>>
      %dma_start3A_1214 = tpu.memref_squeeze %dma_start3A_1213 : memref<1x640x64xf32, #tpu.memory_space<vmem>> -> memref<640x64xf32, #tpu.memory_space<vmem>>
      tpu.enqueue_dma source(%dma_start3A_1214 : memref<640x64xf32, #tpu.memory_space<vmem>>) target(%dma_start3A_1210 : memref<640x64xf32, #tpu.memory_space<hbm>>) target_semaphore(%arg12 : memref<!tpu.dma_semaphore, #tpu.memory_space<semaphore_mem>>)
    }
    %scan3A_872 = arith.constant 20 : i32
    %dma_wait3A_873 = arith.constant 0 : i32
    %dma_wait3A_874 = arith.constant 0 : i32
    %dma_wait3A_875 = arith.constant 0 : i32
    %dma_wait3A_876 = tpu.memref_slice %arg7[%dma_wait3A_873, %dma_wait3A_874, %dma_wait3A_875] : memref<2x640x64xf32, #tpu.memory_space<vmem>> -> memref<1x640x64xf32, #tpu.memory_space<vmem>>
    %dma_wait3A_877 = tpu.memref_squeeze %dma_wait3A_876 : memref<1x640x64xf32, #tpu.memory_space<vmem>> -> memref<640x64xf32, #tpu.memory_space<vmem>>
    %dma_wait3A_878 = arith.constant 0 : i32
    %dma_wait3A_879 = arith.constant 0 : i32
    %dma_wait3A_880 = tpu.memref_slice %arg5[%dma_wait3A_878, %dma_wait3A_879] : memref<819200x64xf32, #tpu.memory_space<hbm>> -> memref<640x64xf32, #tpu.memory_space<hbm>>
    %dma_wait3A_881 = arith.constant 0 : i32
    %dma_wait3A_882 = arith.constant 0 : i32
    %dma_wait3A_883 = tpu.memref_slice %arg5[%dma_wait3A_881, %dma_wait3A_882] : memref<819200x64xf32, #tpu.memory_space<hbm>> -> memref<640x64xf32, #tpu.memory_space<hbm>>
    %dma_wait3A_884 = arith.constant 0 : i32
    %dma_wait3A_885 = arith.constant 0 : i32
    %dma_wait3A_886 = tpu.memref_slice %arg7[%dma_wait3A_873, %dma_wait3A_884, %dma_wait3A_885] : memref<2x640x64xf32, #tpu.memory_space<vmem>> -> memref<1x640x64xf32, #tpu.memory_space<vmem>>
    %dma_wait3A_887 = tpu.memref_squeeze %dma_wait3A_886 : memref<1x640x64xf32, #tpu.memory_space<vmem>> -> memref<640x64xf32, #tpu.memory_space<vmem>>
    tpu.wait_dma2 semaphore(%arg11 : memref<!tpu.dma_semaphore, #tpu.memory_space<semaphore_mem>>) src(%dma_wait3A_887 : memref<640x64xf32, #tpu.memory_space<vmem>>) dst(%dma_wait3A_883 : memref<640x64xf32, #tpu.memory_space<hbm>>)
    %dma_wait3A_888 = arith.constant 1 : i32
    %dma_wait3A_889 = arith.constant 0 : i32
    %dma_wait3A_890 = arith.constant 0 : i32
    %dma_wait3A_891 = tpu.memref_slice %arg7[%dma_wait3A_888, %dma_wait3A_889, %dma_wait3A_890] : memref<2x640x64xf32, #tpu.memory_space<vmem>> -> memref<1x640x64xf32, #tpu.memory_space<vmem>>
    %dma_wait3A_892 = tpu.memref_squeeze %dma_wait3A_891 : memref<1x640x64xf32, #tpu.memory_space<vmem>> -> memref<640x64xf32, #tpu.memory_space<vmem>>
    %dma_wait3A_893 = arith.constant 0 : i32
    %dma_wait3A_894 = arith.constant 0 : i32
    %dma_wait3A_895 = tpu.memref_slice %arg5[%dma_wait3A_893, %dma_wait3A_894] : memref<819200x64xf32, #tpu.memory_space<hbm>> -> memref<640x64xf32, #tpu.memory_space<hbm>>
    %dma_wait3A_896 = arith.constant 0 : i32
    %dma_wait3A_897 = arith.constant 0 : i32
    %dma_wait3A_898 = tpu.memref_slice %arg5[%dma_wait3A_896, %dma_wait3A_897] : memref<819200x64xf32, #tpu.memory_space<hbm>> -> memref<640x64xf32, #tpu.memory_space<hbm>>
    %dma_wait3A_899 = arith.constant 0 : i32
    %dma_wait3A_900 = arith.constant 0 : i32
    %dma_wait3A_901 = tpu.memref_slice %arg7[%dma_wait3A_888, %dma_wait3A_899, %dma_wait3A_900] : memref<2x640x64xf32, #tpu.memory_space<vmem>> -> memref<1x640x64xf32, #tpu.memory_space<vmem>>
    %dma_wait3A_902 = tpu.memref_squeeze %dma_wait3A_901 : memref<1x640x64xf32, #tpu.memory_space<vmem>> -> memref<640x64xf32, #tpu.memory_space<vmem>>
    tpu.wait_dma2 semaphore(%arg12 : memref<!tpu.dma_semaphore, #tpu.memory_space<semaphore_mem>>) src(%dma_wait3A_902 : memref<640x64xf32, #tpu.memory_space<vmem>>) dst(%dma_wait3A_898 : memref<640x64xf32, #tpu.memory_space<hbm>>)
    return
  }
}

</mosaic_0001>

<sc_bundles>
// kernel: kernel.3.cloned.1.call-start
scs
__scs_entry_jumppad:
0x0: {  	(pc) =	sbr.rel $0x88, $3  }
0x1: {  	(tag) =	ssettag $0x0;
	lr =	simm.s32 $0x1  }
0x2: {  	[smem:$0x3F9E] =	sst lr;
	_ =	strace $0xD0000000  }
0x3: {  	_ = 	snop  }
0x4: {  	_ = 	snop  }
0x5: {  	_ = 	snop  }
0x6: {  	_ = 	snop  }
0x7: {  	_ = 	snop  }
__scs_overlays_trampoline_lowered:
0x8: {  	[smem:$0x3FAD] =	sst s0  }
0x9: {  	[smem:$0x3FAE] =	sst s1  }
0xa: {  	[smem:$0x3FAF] =	sst s2  }
0xb: {  	[smem:$0x3FB0] =	sst s3  }
0xc: {  	[smem:$0x3FB1] =	sst s4  }
0xd: {  	[smem:$0x3FB2] =	sst s5  }
0xe: {  	[smem:$0x3FB3] =	sst s6  }
0xf: {  	[smem:$0x3FB4] =	sst s7  }
0x10: {  	[smem:$0x3FB5] =	sst s8  }
0x11: {  	[smem:$0x3FB6] =	sst s9;
	s0 =	simm.s32 @!p0 $0x0  }
0x12: {  	s1 =	sld [smem:$0x3F9C];
	s0 =	simm.s32 @p0 $0x1  }
0x13: {  	[smem:$0x3FB7] =	sst s0;
	s0 =	simm.s32 @!p1 $0x0  }
0x14: {  	s2 =	sld [smem:$0x3F9B];
	s0 =	simm.s32 @p1 $0x1  }
0x15: {  	[smem:$0x3FB8] =	sst s0;
	s0 =	simm.s32 @!p2 $0x0  }
0x16: {  	s3 =	sld [smem:$0x3FDB];
	s0 =	simm.s32 @p2 $0x1  }
0x17: {  	s4 =	simm.s32 $0x1BF5;
	[smem:$0x3FBA] =	sst s0  }
0x18: {  	s0 =	sld [smem:$0x3F9D];
	_ =	swait.ge [sflag:s4], $0x0  }
0x19: {  	s7 =	sld [smem:$0x3F9E]  }
0x1a: {  	s8 =	sadd.s32 $0xFFFFE003, lr  }
0x1b: {  	s9 =	sadd.s32 $0xFFFFFEF7, lr;
	s5 =	simm.s32 $0xFFFFFFFF;
	p2 =	slt.u32 s8, $0xFFFFF086  }
0x1c: {  	p1 =	slt.u32 s9, $0xF7A;
	s5 =	simm.s32 @!p2 $0x0  }
0x1d: {  	s5 =	simm.s32 @p1 $0x1;
	p0 =	seq.s32 s7, s2  }
0x1e: {  	s7 =	smul.u32 @!p0 $0xF7A, s2;
	p2 =	seq.s32 @!p0 s5, $0x0  }
0x1f: {  	s9 =	smul.u32 $0xF7A, s1;
	s8 =	simm.s32 @!p0 $0x1BF5;
	p2 =	por !p2, p0  }
0x20: {  	[sflag:s8] =	ssyncset.s32 @!p0 $0xFFFFF086;
	s6 =	sadd.s32 @!p0 s3, s7;
	s7 =	simm.s32 @!p0 $0x108  }
0x21: {  	s3 =	sadd.s32 s3, s9;
	s6 =	sadd.s32 @!p0 $0x88, s6;
	s7 =	simm.s32 @p2 $0x1082  }
0x22: {  	[simem:s7], [sflag:s8] =	dma.local @!p0 [hbm:s6], $0xF7A  }
0x23: {  	s9 =	sor.u32 $0xD0000000, s2;
	s6 =	simm.s32 $0x108;
	_ =	swait.ge @!p0 [sflag:s8], $0x0  }
0x24: {  	s3 =	sadd.s32 $0x88, s3;
	s6 =	simm.s32 @!p1 $0x1082;
	[sflag:s4] =	ssyncset.s32 $0xFFFFF086  }
0x25: {  	[simem:s6], [sflag:s4] =	dma.local [hbm:s3], $0xF7A  }
0x26: {  	[smem:$0x3F9E] =	sst s1;
	(tag) =	ssettag s2;
	_ =	strace s9  }
0x27: {  	s1 =	sld [smem:$0x3FAE]  }
0x28: {  	s2 =	sld [smem:$0x3FAF]  }
0x29: {  	s4 =	sld [smem:$0x3FB1]  }
0x2a: {  	p0 =	seq.s32 s5, $0x0;
	s5 =	sld [smem:$0x3FB2]  }
0x2b: {  	s6 =	sld [smem:$0x3FB3]  }
0x2c: {  	s7 =	sld [smem:$0x3FB4]  }
0x2d: {  	s3 =	simm.s32 $0x108;
	s8 =	sld [smem:$0x3FB5]  }
0x2e: {  	s3 =	simm.s32 @!p0 $0x1082;
	s9 =	sld [smem:$0x3FB6]  }
0x2f: {  	lr =	sadd.s32 s0, s3;
	s0 =	sld [smem:$0x3FAD]  }
0x30: {  	s3 =	sld [smem:$0x3FB0]  }
0x31: {  	[smem:$0x3FB9] =	sst s10  }
0x32: {  	s10 =	sld [smem:$0x3FB7];
	_ =	sdelay $0x3  }
0x33: {  	p0 =	seq.s32 s10, $0x1;
	s10 =	sld [smem:$0x3FB9];
	_ =	sdelay $0x3  }
0x34: {  	[smem:$0x3FB9] =	sst s10  }
0x35: {  	s10 =	sld [smem:$0x3FB8];
	_ =	sdelay $0x3  }
0x36: {  	p1 =	seq.s32 s10, $0x1;
	s10 =	sld [smem:$0x3FB9];
	_ =	sdelay $0x3  }
0x37: {  	[smem:$0x3FB9] =	sst s10  }
0x38: {  	s10 =	sld [smem:$0x3FBA]  }
0x39: {  	_ = 	snop;
	(pc) =	sbr.ind lr, $3  }
0x3a: {  	_ = 	snop  }
0x3b: {  	_ = 	snop  }
0x3c: {  	p2 =	seq.s32 s10, $0x1;
	s10 =	sld [smem:$0x3FB9]  }
0x3d: {  	_ =	shalt  }
0x3e: {  	_ =	shalt  }
0x3f: {  	_ =	shalt  }
0x40: {  	_ =	shalt  }
0x41: {  	_ =	shalt  }
0x42: {  	_ =	shalt  }
0x43: {  	_ =	shalt  }
0x44: {  	_ =	shalt  }
0x45: {  	_ =	shalt  }
0x46: {  	_ =	shalt  }
0x47: {  	_ =	shalt  }
0x48: {  	_ =	shalt  }
0x49: {  	_ =	shalt  }
0x4a: {  	_ =	shalt  }
0x4b: {  	_ =	shalt  }
0x4c: {  	_ =	shalt  }
0x4d: {  	_ =	shalt  }
0x4e: {  	_ =	shalt  }
0x4f: {  	_ =	shalt  }
0x50: {  	_ =	shalt  }
0x51: {  	_ =	shalt  }
0x52: {  	_ =	shalt  }
0x53: {  	_ =	shalt  }
0x54: {  	_ =	shalt  }
0x55: {  	_ =	shalt  }
0x56: {  	_ =	shalt  }
0x57: {  	_ =	shalt  }
0x58: {  	_ =	shalt  }
0x59: {  	_ =	shalt  }
0x5a: {  	_ =	shalt  }
0x5b: {  	_ =	shalt  }
0x5c: {  	_ =	shalt  }
0x5d: {  	_ =	shalt  }
0x5e: {  	_ =	shalt  }
0x5f: {  	_ =	shalt  }
0x60: {  	_ =	shalt  }
0x61: {  	_ =	shalt  }
0x62: {  	_ =	shalt  }
0x63: {  	_ =	shalt  }
0x64: {  	_ =	shalt  }
0x65: {  	_ =	shalt  }
0x66: {  	_ =	shalt  }
0x67: {  	_ =	shalt  }
0x68: {  	_ =	shalt  }
0x69: {  	_ =	shalt  }
0x6a: {  	_ =	shalt  }
0x6b: {  	_ =	shalt  }
0x6c: {  	_ =	shalt  }
0x6d: {  	_ =	shalt  }
0x6e: {  	_ =	shalt  }
0x6f: {  	_ =	shalt  }
0x70: {  	_ =	shalt  }
0x71: {  	_ =	shalt  }
0x72: {  	_ =	shalt  }
0x73: {  	_ =	shalt  }
0x74: {  	_ =	shalt  }
0x75: {  	_ =	shalt  }
0x76: {  	_ =	shalt  }
0x77: {  	_ =	shalt  }
0x78: {  	_ =	shalt  }
0x79: {  	_ =	shalt  }
0x7a: {  	_ =	shalt  }
0x7b: {  	_ =	shalt  }
0x7c: {  	_ =	shalt  }
0x7d: {  	_ =	shalt  }
0x7e: {  	_ =	shalt  }
0x7f: {  	_ =	shalt  }
0x80: {  	_ =	shalt  }
0x81: {  	_ =	shalt  }
0x82: {  	_ =	shalt  }
0x83: {  	_ =	shalt  }
0x84: {  	_ =	shalt  }
0x85: {  	_ =	shalt  }
0x86: {  	_ =	shalt  }
0x87: {  	_ =	shalt  }
.Lfunc_end0:
.L_simem_size_0:
called_computation.1_lowered:
.L_overlay_start_0:
0x88: {  	s2 =	sld [smem:$0x3FD9]  }
0x89: {  	s3 =	sld [smem:$0x3FFE];
	_ =	sdelay $0x1  }
0x8a: {  	s1 =	srdreg.scid  }
0x8b: {  	s0 =	sand.u32 $0x1, s1  }
0x8c: {  	s17 =	sshll.u32 s0, $0xA;
	s2 =	sadd.s32 s3, s2  }
0x8d: {  	s2 =	sadd.s32 s2, s17  }
0x8e: {  	[smem:$0x3FC5] =	sst s2  }
0x8f: {  	_ = 	snop  }
0x90: {  	s2 =	sld [smem:$0x3FD0];
	(tm) =	ssettm $0x1  }
0x91: {  	s18 =	sld [smem:$0x3FFB];
	_ =	sdelay $0x3  }
0x92: {  	_ =	strace s18  }
0x93: {  	s3 =	sld [smem:$0x3FFC];
	_ =	sdelay $0x3  }
0x94: {  	_ =	strace s3  }
0x95: {  	s3 =	sld [smem:$0x3FFD];
	_ =	sdelay $0x3  }
0x96: {  	_ =	strace s3  }
0x97: {  	_ =	strace $0x8FFFFFFF  }
0x98: {  	s19 =	sld [smem:$0x3FDB];
	_ =	sdelay $0x1  }
0x99: {  	s4 =	simm.s32 $_scs_section_size  }
0x9a: {  	s5 =	simm.s32 $_size__tile_overlayer_lowered;
	s6 =	simm.s32 $_tile_overlayer_lowered  }
0x9b: {  	s22 =	simm.s32 $0x1BFF;
	s21 =	sshll.u32 s6, $0x1;
	s3 =	sadd.s32 s4, s19  }
0x9c: {  	s7 =	simm.s32 $0x0;
	s20 =	sshll.u32 s5, $0x1;
	s5 =	sadd.s32 s21, s3  }
0x9d: {  	[timem:s7], [sflag:s22] =	dma.local [hbm:s5], s20  }
0x9e: {  	_ =	swait.ge [sflag:s22], s20  }
0x9f: {  	s4 =	ssub.s32 $0x0, s20;
	[sflag:s22] =	ssyncset.done $0x0  }
0xa0: {  	[sflag:s22] =	ssyncadd.s32 s4;
	_ =	sdelay $0x1  }
0xa1: {  	s23 =	simm.s32 $0x1B8B  }
0xa2: {  	_ =	swait.ge [sflag:s23], $0x1  }
0xa3: {  	[sflag:s23] =	ssyncset.done $0x0  }
0xa4: {  	s25 =	simm.s32 $0x1B8E;
	s24 =	sld [smem:$0x3FFE];
	[sflag:s23] =	ssyncadd.s32 $0xFFFFFFFF  }
0xa5: {  	s26 =	simm.s32 $execute0_lowered;
	[smem:$0x3FD2] =	sst s25  }
0xa6: {  	s5 =	sshll.u32 s26, $0x1;
	_ =	strace $0x80000046;
	[dreg:$0x1] =	wrdreg $0xFFFFFFFF  }
0xa7: {  	s28 =	simm.s32 $_size_execute0_lowered;
	s3 =	sadd.s32 s3, s5;
	[dreg:$0x0] =	wrdreg $0x0  }
0xa8: {  	s5 =	sshll.u32 s28, $0x1;
	[dreg:$0x2] =	wrdreg s3  }
0xa9: {  	[dreg:$0x3] =	wrdreg s5  }
0xaa: {  	[dreg:$0x4] =	wrdreg $0xC0  }
0xab: {  	_ =	task [dreg:s7], $0x5FFFF  }
0xac: {  	[dreg:$0x1] =	wrdreg $0xFFFFFFFF  }
0xad: {  	[dreg:$0x0] =	wrdreg $0x60  }
0xae: {  	[dreg:$0x2] =	wrdreg s24  }
0xaf: {  	[dreg:$0x3] =	wrdreg s2  }
0xb0: {  	[dreg:$0x4] =	wrdreg $0x9  }
0xb1: {  	_ =	task.clear_ibuf [dreg:s7], $0x5FFFF;
	_ =	strace $0x90000046  }
0xb2: {  	s29 =	simm.s32 $0x9;
	_ =	strace $0x80000048  }
0xb3: {  	_ =	swait.ge [sflag:s29], $0x1  }
0xb4: {  	[sflag:s29] =	ssyncadd.s32 $0xFFFFFFFF  }
0xb5: {  	_ =	strace $0x90000048  }
0xb6: {  	_ =	sfence  }
0xb7: {  	s30 =	sld [smem:$0x0];
	_ =	sdelay $0x2  }
0xb8: {  	s31 =	sshll.u32 s1, $0xD;
	s1 =	sshrl.u32 s1, $0x2  }
0xb9: {  	s3 =	sand.u32 $0x4000, s31;
	s1 =	sadd.s32 s1, s30  }
0xba: {  	s0 =	sor.u32 s3, s0;
	s1 =	sshll.u32 s1, $0x11  }
0xbb: {  	s0 =	sor.u32 s1, s0  }
0xbc: {  	s0 =	sadd.s32 $0x8F2B, s0  }
0xbd: {  	[sflag:s0] =	ssyncadd.remote.s32 $0x1  }
0xbe: {  	_ =	sfence.sel $0xFFFF  }
0xbf: {  	[dreg:$0x0] =	wrdreg $0xFFFFFFFF;
	(pc) =	sbr.abs _section_cstart, $3  }
0xc0: {  	[dreg:$0x1] =	wrdreg $0xFFFFFFFF  }
0xc1: {  	_ =	task.clear_ibuf [dreg:s7], $0x2FFFF;
	_ =	strace $0x9FFFFFFF  }
0xc2: {  	(tm) =	ssettm $0x7FFFFFFF  }
0xc3: {  	_ =	shalt  }
tec
execute0_lowered:
.L_overlay_start_1:
0x0: {  	(tag) =	ssettag $0x1  }
0x1: {  	s3 =	rddreg [dreg:$0x0]  }
0x2: {  	s7 =	rddreg [dreg:$0x1]  }
0x3: {  	s15 =	stileid.u32;
	s0 =	srdreg.scid;
	s2 =	simm.s32 $0x0  }
0x4: {  	s28 =	simm.s32 $0x5;
	s29 =	simm.s32 $0xC000;
	s30 =	simm.s32 $0xE000  }
0x5: {  	s31 =	simm.s32 $0x10000;
	s8 =	sand.u32 $0x1, s0;
	s10 =	smul.u32 $0xC80, s15  }
0x6: {  	s25 =	sshll.u32 s15, $0x1;
	[smem:$0x7FF] =	sst s2;
	s11 =	smul.u32 $0x6400, s15  }
0x7: {  	s0 =	sadd.s32 $0x1BC00, s3;
	s1 =	sshll.u32 s15, $0x9;
	s19 =	smul.u32 $0xC800, s15  }
0x8: {  	p0 =	sgt.u32 s15, $0x9;
	s9 =	sor.u32 s8, s25;
	_ =	strace $0x80000047  }
0x9: {  	s4 =	sadd.s32 s1, s3;
	s6 =	ssub.s32 $0x2, s8;
	s25 =	smul.u32 $0x64000, s15  }
0xa: {  	s5 =	smul.u32 $0xC80, s9;
	s12 =	sshrl.u32 s6, $0x1;
	s26 =	sadd.s32 s0, s10  }
0xb: {  	s11 =	sshrl.u32 s11, $0x3;
	s9 =	smul.u32 $0x32000, s9;
	s6 =	ssub.s32 s6, s12  }
0xc: {  	[dreg:$0x3] =	wrdreg s26;
	s12 =	sadd.s32 $0xC800, s11;
	s14 =	sadd.s32 $0x19000, s11  }
0xd: {  	s18 =	sadd.s32 $0x25800, s11;
	s21 =	sadd.s32 $0x32000, s11;
	s26 =	sadd.s32 $0x3E800, s11  }
0xe: {  	s5 =	sadd.s32 s5, s3;
	s3 =	sadd.s32 $0xDF200, s3;
	s13 =	sadd.s32 s0, s12  }
0xf: {  	s16 =	sadd.s32 s0, s14;
	s20 =	sadd.s32 s0, s18;
	[dreg:$0x5] =	wrdreg s13  }
0x10: {  	s22 =	sadd.s32 s0, s21;
	s10 =	sadd.s32 s3, s10;
	[dreg:$0x7] =	wrdreg s16  }
0x11: {  	s17 =	sadd.s32 s3, s14;
	[dreg:$0x9] =	wrdreg s20;
	s14 =	smul.u32 $0x6400, s8  }
0x12: {  	[dreg:$0xb] =	wrdreg s22;
	s23 =	sadd.s32 s3, s21;
	s8 =	smul.u32 $0x32000, s8  }
0x13: {  	s16 =	sadd.s32 s7, s9;
	s21 =	sadd.s32 $0x64000, s11;
	[dreg:$0x4] =	wrdreg s10  }
0x14: {  	s13 =	sadd.s32 $0x96000, s11;
	s10 =	sadd.s32 s3, s12;
	[dreg:$0x8] =	wrdreg s17  }
0x15: {  	[dreg:$0xc] =	wrdreg s23;
	s12 =	sadd.s32 $0x4B000, s11;
	s17 =	sadd.s32 s3, s26  }
0x16: {  	s22 =	sadd.s32 s0, s21;
	s23 =	sadd.s32 $0x70800, s11;
	[dreg:$0x6] =	wrdreg s10  }
0x17: {  	s15 =	sadd.s32 $0x1400, s16;
	s10 =	sadd.s32 s3, s18;
	[dreg:$0xe] =	wrdreg s17  }
0x18: {  	s24 =	sadd.s32 s14, s19;
	s18 =	sadd.s32 s0, s12;
	[dreg:$0x13] =	wrdreg s22  }
0x19: {  	s19 =	sadd.s32 $0x57800, s11;
	s17 =	sadd.s32 s0, s13;
	[dreg:$0xa] =	wrdreg s10  }
0x1a: {  	s10 =	sshll.u32 s24, $0x3;
	[dreg:$0xf] =	wrdreg s18;
	s20 =	sadd.s32 s0, s19  }
0x1b: {  	s9 =	sadd.s32 s3, s19;
	s24 =	sadd.s32 s0, s23;
	[dreg:$0x1b] =	wrdreg s17  }
0x1c: {  	s18 =	sadd.s32 $0xA2800, s11;
	s17 =	simm.s32 $0xA000;
	[dreg:$0x11] =	wrdreg s20  }
0x1d: {  	s14 =	sadd.s32 s7, s10;
	s7 =	sadd.s32 s25, s7;
	[dreg:$0x12] =	wrdreg s9  }
0x1e: {  	s10 =	sadd.s32 s0, s26;
	[dreg:$0x15] =	wrdreg s24;
	s25 =	sadd.s32 $0x7D000, s11  }
0x1f: {  	s9 =	sadd.s32 s3, s23;
	s19 =	sadd.s32 s0, s18;
	[dreg:$0xd] =	wrdreg s10  }
0x20: {  	s20 =	sadd.s32 $0xAF000, s11;
	s23 =	sadd.s32 s1, s3;
	[dreg:$0x16] =	wrdreg s9  }
0x21: {  	s8 =	sadd.s32 s8, s7;
	s7 =	sadd.s32 s3, s12;
	[dreg:$0x1d] =	wrdreg s19  }
0x22: {  	s1 =	simm.s32 $0x0;
	s26 =	sadd.s32 s0, s25;
	[dreg:$0x10] =	wrdreg s7  }
0x23: {  	s10 =	sadd.s32 $0x89800, s11;
	s22 =	sadd.s32 s0, s20;
	[dreg:$0x17] =	wrdreg s26  }
0x24: {  	s19 =	simm.s32 $0x3;
	s7 =	sadd.s32 s3, s21;
	[dreg:$0x1f] =	wrdreg s22  }
0x25: {  	s12 =	sadd.s32 s0, s10;
	s9 =	sadd.s32 s3, s10;
	[dreg:$0x14] =	wrdreg s7  }
0x26: {  	s21 =	sadd.s32 $0xBB800, s11;
	s26 =	sadd.s32 $0x2C00, s5;
	[dreg:$0x19] =	wrdreg s12  }
0x27: {  	s11 =	smax.u32 s6, $0x1;
	s10 =	smov.u32 s16;
	[dreg:$0x1a] =	wrdreg s9  }
0x28: {  	s16 =	simm.s32 $0x1;
	s7 =	sadd.s32 s3, s25;
	[smem:$0x7FD] =	sst s26  }
0x29: {  	s22 =	simm.s32 $0x80;
	s9 =	sadd.s32 s3, s18;
	[dreg:$0x18] =	wrdreg s7  }
0x2a: {  	s0 =	sadd.s32 s0, s21;
	s24 =	sadd.s32 s3, s21;
	[dreg:$0x1e] =	wrdreg s9  }
0x2b: {  	s25 =	sadd.s32 $0xC00, s4;
	s18 =	simm.s32 $0x2;
	[smem:$0x7F9] =	sst s0  }
0x2c: {  	s21 =	simm.s32 $0x6;
	s26 =	simm.s32 $0x8000;
	[smem:$0x7FA] =	sst s24  }
0x2d: {  	s7 =	sadd.s32 s3, s13;
	[smem:$0x7FB] =	sst s25;
	s0 =	sadd.s32 $0xC3500, s23  }
0x2e: {  	s13 =	sadd.s32 $0x2800, s8;
	s23 =	simm.s32 $0x2000;
	s24 =	simm.s32 $0x4000  }
0x2f: {  	s25 =	simm.s32 $0x6000;
	[dreg:$0x1c] =	wrdreg s7;
	s7 =	sadd.s32 s3, s20  }
0x30: {  	[smem:$0x7FC] =	sst s0;
	s20 =	simm.s32 $0x4;
	s0 =	simm.s32 $0x12000  }
0x31: {  	[smem:$0x7F8] =	sst s7;
	s7 =	sadd.s32 $0x3C00, s14;
	s14 =	simm.s32 $0x14000  }
.LBB2_1:
0x32: {  	s4 =	rddreg [dreg:$0x3]  }
0x33: {  	[tilespmem:s2], [sflag:$0x1] =	stream.linear.gather [hbm4b:s4+s2], $0x6400, $0x38;
	[tilespmem:$0x1A400] =	vst v63  }
0x34: {  	_ =	swait.ge [sflag:s16], $0x6400  }
0x35: {  	[sflag:s16] =	ssyncset.done $0x0  }
0x36: {  	s12 =	rddreg [dreg:$0x4];
	[sflag:s16] =	ssyncadd.s32 $0xFFFF9C00  }
0x37: {  	[hbm4b:s12+s2] =	stream.linear.scatter [tilespmem:s2], [sflag:$0x3], $0x6400, $0x38;
	[tilespmem:$0x1A400] =	vst v63  }
0x38: {  	s5 =	rddreg [dreg:$0x5]  }
0x39: {  	[tilespmem:s17], [sflag:$0x2] =	stream.linear.gather [hbm4b:s5+s2], $0x6400, $0x38;
	[tilespmem:$0x1A400] =	vst v63  }
0x3a: {  	_ =	swait.ge [sflag:s18], $0x6400  }
0x3b: {  	[sflag:s18] =	ssyncset.done $0x0  }
0x3c: {  	s6 =	rddreg [dreg:$0x6];
	[sflag:s18] =	ssyncadd.s32 $0xFFFF9C00  }
0x3d: {  	[hbm4b:s6+s2] =	stream.linear.scatter [tilespmem:s17], [sflag:$0x4], $0x6400, $0x38;
	[tilespmem:$0x1A400] =	vst v63  }
0x3e: {  	_ =	swait.ge [sflag:s19], $0x6400  }
0x3f: {  	[sflag:s19] =	ssyncset.done $0x0  }
0x40: {  	s8 =	rddreg [dreg:$0x7];
	[sflag:s19] =	ssyncadd.s32 $0xFFFF9C00  }
0x41: {  	[tilespmem:s2], [sflag:$0x1] =	stream.linear.gather [hbm4b:s8+s2], $0x6400, $0x38;
	[tilespmem:$0x1A400] =	vst v63  }
0x42: {  	_ =	swait.ge [sflag:s16], $0x6400  }
0x43: {  	[sflag:s16] =	ssyncset.done $0x0  }
0x44: {  	s9 =	rddreg [dreg:$0x8];
	[sflag:s16] =	ssyncadd.s32 $0xFFFF9C00  }
0x45: {  	[hbm4b:s9+s2] =	stream.linear.scatter [tilespmem:s2], [sflag:$0x3], $0x6400, $0x38;
	[tilespmem:$0x1A400] =	vst v63  }
0x46: {  	_ =	swait.ge [sflag:s20], $0x6400  }
0x47: {  	[sflag:s20] =	ssyncset.done $0x0  }
0x48: {  	s12 =	rddreg [dreg:$0x9];
	[sflag:s20] =	ssyncadd.s32 $0xFFFF9C00  }
0x49: {  	[tilespmem:s17], [sflag:$0x2] =	stream.linear.gather [hbm4b:s12+s2], $0x6400, $0x38;
	[tilespmem:$0x1A400] =	vst v63  }
0x4a: {  	_ =	swait.ge [sflag:s18], $0x6400  }
0x4b: {  	[sflag:s18] =	ssyncset.done $0x0  }
0x4c: {  	s5 =	rddreg [dreg:$0xa];
	[sflag:s18] =	ssyncadd.s32 $0xFFFF9C00  }
0x4d: {  	[hbm4b:s5+s2] =	stream.linear.scatter [tilespmem:s17], [sflag:$0x4], $0x6400, $0x38;
	[tilespmem:$0x1A400] =	vst v63  }
0x4e: {  	_ =	swait.ge [sflag:s19], $0x6400  }
0x4f: {  	[sflag:s19] =	ssyncset.done $0x0  }
0x50: {  	s6 =	rddreg [dreg:$0xb];
	[sflag:s19] =	ssyncadd.s32 $0xFFFF9C00  }
0x51: {  	[tilespmem:s2], [sflag:$0x1] =	stream.linear.gather [hbm4b:s6+s2], $0x6400, $0x38;
	[tilespmem:$0x1A400] =	vst v63  }
0x52: {  	_ =	swait.ge [sflag:s16], $0x6400  }
0x53: {  	[sflag:s16] =	ssyncset.done $0x0  }
0x54: {  	s8 =	rddreg [dreg:$0xc];
	[sflag:s16] =	ssyncadd.s32 $0xFFFF9C00  }
0x55: {  	[hbm4b:s8+s2] =	stream.linear.scatter [tilespmem:s2], [sflag:$0x3], $0x6400, $0x38;
	[tilespmem:$0x1A400] =	vst v63  }
0x56: {  	_ =	swait.ge [sflag:s20], $0x6400  }
0x57: {  	[sflag:s20] =	ssyncset.done $0x0  }
0x58: {  	s9 =	rddreg [dreg:$0xd];
	[sflag:s20] =	ssyncadd.s32 $0xFFFF9C00  }
0x59: {  	[tilespmem:s17], [sflag:$0x2] =	stream.linear.gather [hbm4b:s9+s2], $0x6400, $0x38;
	[tilespmem:$0x1A400] =	vst v63  }
0x5a: {  	_ =	swait.ge [sflag:s18], $0x6400  }
0x5b: {  	[sflag:s18] =	ssyncset.done $0x0  }
0x5c: {  	s12 =	rddreg [dreg:$0xe];
	[sflag:s18] =	ssyncadd.s32 $0xFFFF9C00  }
0x5d: {  	[hbm4b:s12+s2] =	stream.linear.scatter [tilespmem:s17], [sflag:$0x4], $0x6400, $0x38;
	[tilespmem:$0x1A400] =	vst v63  }
0x5e: {  	_ =	swait.ge [sflag:s19], $0x6400  }
0x5f: {  	[sflag:s19] =	ssyncset.done $0x0  }
0x60: {  	s5 =	rddreg [dreg:$0xf];
	[sflag:s19] =	ssyncadd.s32 $0xFFFF9C00  }
0x61: {  	[tilespmem:s2], [sflag:$0x1] =	stream.linear.gather [hbm4b:s5+s2], $0x6400, $0x38;
	[tilespmem:$0x1A400] =	vst v63  }
0x62: {  	_ =	swait.ge [sflag:s16], $0x6400  }
0x63: {  	[sflag:s16] =	ssyncset.done $0x0  }
0x64: {  	s6 =	rddreg [dreg:$0x10];
	[sflag:s16] =	ssyncadd.s32 $0xFFFF9C00  }
0x65: {  	[hbm4b:s6+s2] =	stream.linear.scatter [tilespmem:s2], [sflag:$0x3], $0x6400, $0x38;
	[tilespmem:$0x1A400] =	vst v63  }
0x66: {  	_ =	swait.ge [sflag:s20], $0x6400  }
0x67: {  	[sflag:s20] =	ssyncset.done $0x0  }
0x68: {  	s8 =	rddreg [dreg:$0x11];
	[sflag:s20] =	ssyncadd.s32 $0xFFFF9C00  }
0x69: {  	[tilespmem:s17], [sflag:$0x2] =	stream.linear.gather [hbm4b:s8+s2], $0x6400, $0x38;
	[tilespmem:$0x1A400] =	vst v63  }
0x6a: {  	_ =	swait.ge [sflag:s18], $0x6400  }
0x6b: {  	[sflag:s18] =	ssyncset.done $0x0  }
0x6c: {  	s9 =	rddreg [dreg:$0x12];
	[sflag:s18] =	ssyncadd.s32 $0xFFFF9C00  }
0x6d: {  	[hbm4b:s9+s2] =	stream.linear.scatter [tilespmem:s17], [sflag:$0x4], $0x6400, $0x38;
	[tilespmem:$0x1A400] =	vst v63  }
0x6e: {  	_ =	swait.ge [sflag:s19], $0x6400  }
0x6f: {  	[sflag:s19] =	ssyncset.done $0x0  }
0x70: {  	s12 =	rddreg [dreg:$0x13];
	[sflag:s19] =	ssyncadd.s32 $0xFFFF9C00  }
0x71: {  	[tilespmem:s2], [sflag:$0x1] =	stream.linear.gather [hbm4b:s12+s2], $0x6400, $0x38;
	[tilespmem:$0x1A400] =	vst v63  }
0x72: {  	_ =	swait.ge [sflag:s16], $0x6400  }
0x73: {  	[sflag:s16] =	ssyncset.done $0x0  }
0x74: {  	s5 =	rddreg [dreg:$0x14];
	[sflag:s16] =	ssyncadd.s32 $0xFFFF9C00  }
0x75: {  	[hbm4b:s5+s2] =	stream.linear.scatter [tilespmem:s2], [sflag:$0x3], $0x6400, $0x38;
	[tilespmem:$0x1A400] =	vst v63  }
0x76: {  	_ =	swait.ge [sflag:s20], $0x6400  }
0x77: {  	[sflag:s20] =	ssyncset.done $0x0  }
0x78: {  	s6 =	rddreg [dreg:$0x15];
	[sflag:s20] =	ssyncadd.s32 $0xFFFF9C00  }
0x79: {  	[tilespmem:s17], [sflag:$0x2] =	stream.linear.gather [hbm4b:s6+s2], $0x6400, $0x38;
	[tilespmem:$0x1A400] =	vst v63  }
0x7a: {  	_ =	swait.ge [sflag:s18], $0x6400  }
0x7b: {  	[sflag:s18] =	ssyncset.done $0x0  }
0x7c: {  	s8 =	rddreg [dreg:$0x16];
	[sflag:s18] =	ssyncadd.s32 $0xFFFF9C00  }
0x7d: {  	[hbm4b:s8+s2] =	stream.linear.scatter [tilespmem:s17], [sflag:$0x4], $0x6400, $0x38;
	[tilespmem:$0x1A400] =	vst v63  }
0x7e: {  	_ =	swait.ge [sflag:s19], $0x6400  }
0x7f: {  	[sflag:s19] =	ssyncset.done $0x0  }
0x80: {  	s9 =	rddreg [dreg:$0x17];
	[sflag:s19] =	ssyncadd.s32 $0xFFFF9C00  }
0x81: {  	[tilespmem:s2], [sflag:$0x1] =	stream.linear.gather [hbm4b:s9+s2], $0x6400, $0x38;
	[tilespmem:$0x1A400] =	vst v63  }
0x82: {  	_ =	swait.ge [sflag:s16], $0x6400  }
0x83: {  	[sflag:s16] =	ssyncset.done $0x0  }
0x84: {  	s12 =	rddreg [dreg:$0x18];
	[sflag:s16] =	ssyncadd.s32 $0xFFFF9C00  }
0x85: {  	[hbm4b:s12+s2] =	stream.linear.scatter [tilespmem:s2], [sflag:$0x3], $0x6400, $0x38;
	[tilespmem:$0x1A400] =	vst v63  }
0x86: {  	_ =	swait.ge [sflag:s20], $0x6400  }
0x87: {  	[sflag:s20] =	ssyncset.done $0x0  }
0x88: {  	s5 =	rddreg [dreg:$0x19];
	[sflag:s20] =	ssyncadd.s32 $0xFFFF9C00  }
0x89: {  	[tilespmem:s17], [sflag:$0x2] =	stream.linear.gather [hbm4b:s5+s2], $0x6400, $0x38;
	[tilespmem:$0x1A400] =	vst v63  }
0x8a: {  	_ =	swait.ge [sflag:s18], $0x6400  }
0x8b: {  	[sflag:s18] =	ssyncset.done $0x0  }
0x8c: {  	s6 =	rddreg [dreg:$0x1a];
	[sflag:s18] =	ssyncadd.s32 $0xFFFF9C00  }
0x8d: {  	[hbm4b:s6+s2] =	stream.linear.scatter [tilespmem:s17], [sflag:$0x4], $0x6400, $0x38;
	[tilespmem:$0x1A400] =	vst v63  }
0x8e: {  	_ =	swait.ge [sflag:s19], $0x6400  }
0x8f: {  	[sflag:s19] =	ssyncset.done $0x0  }
0x90: {  	s8 =	rddreg [dreg:$0x1b];
	[sflag:s19] =	ssyncadd.s32 $0xFFFF9C00  }
0x91: {  	[tilespmem:s2], [sflag:$0x1] =	stream.linear.gather [hbm4b:s8+s2], $0x6400, $0x38;
	[tilespmem:$0x1A400] =	vst v63  }
0x92: {  	_ =	swait.ge [sflag:s16], $0x6400  }
0x93: {  	[sflag:s16] =	ssyncset.done $0x0  }
0x94: {  	s9 =	rddreg [dreg:$0x1c];
	[sflag:s16] =	ssyncadd.s32 $0xFFFF9C00  }
0x95: {  	[hbm4b:s9+s2] =	stream.linear.scatter [tilespmem:s2], [sflag:$0x3], $0x6400, $0x38;
	[tilespmem:$0x1A400] =	vst v63  }
0x96: {  	_ =	swait.ge [sflag:s20], $0x6400  }
0x97: {  	[sflag:s20] =	ssyncset.done $0x0  }
0x98: {  	s12 =	rddreg [dreg:$0x1d];
	[sflag:s20] =	ssyncadd.s32 $0xFFFF9C00  }
0x99: {  	[tilespmem:s17], [sflag:$0x2] =	stream.linear.gather [hbm4b:s12+s2], $0x6400, $0x38;
	[tilespmem:$0x1A400] =	vst v63  }
0x9a: {  	_ =	swait.ge [sflag:s18], $0x6400  }
0x9b: {  	[sflag:s18] =	ssyncset.done $0x0  }
0x9c: {  	s5 =	rddreg [dreg:$0x1e];
	[sflag:s18] =	ssyncadd.s32 $0xFFFF9C00  }
0x9d: {  	[hbm4b:s5+s2] =	stream.linear.scatter [tilespmem:s17], [sflag:$0x4], $0x6400, $0x38;
	[tilespmem:$0x1A400] =	vst v63  }
0x9e: {  	_ =	swait.ge [sflag:s19], $0x6400  }
0x9f: {  	[sflag:s19] =	ssyncset.done $0x0  }
0xa0: {  	s6 =	rddreg [dreg:$0x1f];
	[sflag:s19] =	ssyncadd.s32 $0xFFFF9C00  }
0xa1: {  	[tilespmem:s2], [sflag:$0x1] =	stream.linear.gather [hbm4b:s6+s2], $0x6400, $0x38;
	[tilespmem:$0x1A400] =	vst v63  }
0xa2: {  	_ =	swait.ge [sflag:s16], $0x6400  }
0xa3: {  	s8 =	sld [smem:$0x7F8]  }
0xa4: {  	[sflag:s16] =	ssyncset.done $0x0  }
0xa5: {  	[sflag:s16] =	ssyncadd.s32 $0xFFFF9C00  }
0xa6: {  	[hbm4b:s8+s2] =	stream.linear.scatter [tilespmem:s2], [sflag:$0x3], $0x6400, $0x38;
	[tilespmem:$0x1A400] =	vst v63  }
0xa7: {  	_ =	swait.ge [sflag:s19], $0x6400  }
0xa8: {  	[sflag:s19] =	ssyncset.done $0x0  }
0xa9: {  	[sflag:s19] =	ssyncadd.s32 $0xFFFF9C00  }
0xaa: {  	_ =	swait.ge [sflag:s20], $0x6400  }
0xab: {  	s5 =	sld [smem:$0x7F9]  }
0xac: {  	[sflag:s20] =	ssyncset.done $0x0  }
0xad: {  	s4 =	simm.s32 @!p0 $0x0;
	[sflag:s20] =	ssyncadd.s32 $0xFFFF9C00  }
0xae: {  	[tilespmem:s4], [sflag:$0x6] =	stream.linear.gather @!p0 [hbm4b:s5+s4], $0x6400, $0x38;
	[tilespmem:$0x1A400] =	vst v63  }
0xaf: {  	s5 =	simm.s32 @!p0 $0x6  }
0xb0: {  	_ =	swait.ge @!p0 [sflag:s5], $0x6400  }
0xb1: {  	s6 =	sld [smem:$0x7FA]  }
0xb2: {  	[sflag:s5] =	ssyncset.done @!p0 $0x0  }
0xb3: {  	[sflag:s5] =	ssyncadd.s32 @!p0 $0xFFFF9C00  }
0xb4: {  	[hbm4b:s6+s4] =	stream.linear.scatter @!p0 [tilespmem:s4], [sflag:$0x6], $0x6400, $0x38;
	[tilespmem:$0x1A400] =	vst v63  }
0xb5: {  	_ =	swait.ge @!p0 [sflag:s5], $0x6400  }
0xb6: {  	s9 =	sld [smem:$0x7FB]  }
0xb7: {  	[sflag:s5] =	ssyncset.done @!p0 $0x0  }
0xb8: {  	[sflag:s5] =	ssyncadd.s32 @!p0 $0xFFFF9C00  }
0xb9: {  	[tilespmem:s17], [sflag:$0x6] =	stream.linear.gather [hbm4b:s9+s2], $0x1000, $0x38;
	[tilespmem:$0x1A400] =	vst v63  }
0xba: {  	_ =	swait.ge [sflag:s21], $0x1000  }
0xbb: {  	s12 =	sld [smem:$0x7FC]  }
0xbc: {  	[sflag:s21] =	ssyncset.done $0x0  }
0xbd: {  	[sflag:s21] =	ssyncadd.s32 $0xFFFFF000  }
0xbe: {  	[hbm4b:s12+s2] =	stream.linear.scatter [tilespmem:s17], [sflag:$0x6], $0x1000, $0x38;
	[tilespmem:$0x1A400] =	vst v63  }
0xbf: {  	_ =	swait.ge [sflag:s21], $0x1000  }
0xc0: {  	[sflag:s21] =	ssyncset.done $0x0  }
0xc1: {  	[sflag:s21] =	ssyncadd.s32 $0xFFFFF000  }
0xc2: {  	[bflag:$0x0] =	sbarrier.arrive $0xFFFF  }
0xc3: {  	s5 =	sld [smem:$0x7FD];
	_ =	sdelay $0x2  }
0xc4: {  	[tilespmem:s14], [sflag:$0x6] =	stream.linear.gather [hbm4b:s5+s2], $0x6400, $0x38;
	[tilespmem:$0x1A400] =	vst v63  }
0xc5: {  	_ =	swait.ge [sflag:s21], $0x6400  }
0xc6: {  	[sflag:s21] =	ssyncset.done $0x0  }
0xc7: {  	[sflag:s21] =	ssyncadd.s32 $0xFFFF9C00  }
0xc8: {  	[tilespmem:s2], [sflag:$0x5] =	stream.indirect.gather [hbm4b:s3+s22], $0x40, s14, s22, $0xb8;
	[tilespmem:$0x1A400] =	vst v63  }
0xc9: {  	s6 =	simm.s32 $0x14080  }
0xca: {  	[tilespmem:s23], [sflag:$0x5] =	stream.indirect.gather [hbm4b:s3+s22], $0x40, s6, s22, $0xb8;
	[tilespmem:$0x1A400] =	vst v63  }
0xcb: {  	s8 =	simm.s32 $0x14100  }
0xcc: {  	[tilespmem:s24], [sflag:$0x5] =	stream.indirect.gather [hbm4b:s3+s22], $0x40, s8, s22, $0xb8;
	[tilespmem:$0x1A400] =	vst v63  }
0xcd: {  	s9 =	simm.s32 $0x14180  }
0xce: {  	[tilespmem:s25], [sflag:$0x5] =	stream.indirect.gather [hbm4b:s3+s22], $0x40, s9, s22, $0xb8;
	[tilespmem:$0x1A400] =	vst v63  }
0xcf: {  	s12 =	simm.s32 $0x14200  }
0xd0: {  	[tilespmem:s26], [sflag:$0x5] =	stream.indirect.gather [hbm4b:s3+s22], $0x40, s12, s22, $0xb8;
	[tilespmem:$0x1A400] =	vst v63  }
0xd1: {  	_ =	swait.ge [sflag:s28], $0x2000  }
0xd2: {  	[sflag:s28] =	ssyncset.done $0x0  }
0xd3: {  	[sflag:s28] =	ssyncadd.s32 $0xFFFFE000  }
0xd4: {  	_ =	swait.ge [sflag:s28], $0x2000  }
0xd5: {  	[sflag:s28] =	ssyncset.done $0x0  }
0xd6: {  	[sflag:s28] =	ssyncadd.s32 $0xFFFFE000  }
0xd7: {  	_ =	swait.ge [sflag:s28], $0x2000  }
0xd8: {  	[sflag:s28] =	ssyncset.done $0x0  }
0xd9: {  	[sflag:s28] =	ssyncadd.s32 $0xFFFFE000  }
0xda: {  	_ =	swait.ge [sflag:s28], $0x2000  }
0xdb: {  	[sflag:s28] =	ssyncset.done $0x0  }
0xdc: {  	[sflag:s28] =	ssyncadd.s32 $0xFFFFE000  }
0xdd: {  	_ =	swait.ge [sflag:s28], $0x2000  }
0xde: {  	[sflag:s28] =	ssyncset.done $0x0  }
0xdf: {  	[sflag:s28] =	ssyncadd.s32 $0xFFFFE000  }
0xe0: {  	[hbm4b:s10+s2] =	stream.linear.scatter [tilespmem:s2], [sflag:$0x3], $0xA000, $0x38;
	[tilespmem:$0x1A400] =	vst v63  }
0xe1: {  	s5 =	simm.s32 $0x14280  }
0xe2: {  	[tilespmem:s17], [sflag:$0x5] =	stream.indirect.gather [hbm4b:s3+s22], $0x40, s5, s22, $0xb8;
	[tilespmem:$0x1A400] =	vst v63  }
0xe3: {  	s6 =	simm.s32 $0x14300  }
0xe4: {  	[tilespmem:s29], [sflag:$0x5] =	stream.indirect.gather [hbm4b:s3+s22], $0x40, s6, s22, $0xb8;
	[tilespmem:$0x1A400] =	vst v63  }
0xe5: {  	s8 =	simm.s32 $0x14380  }
0xe6: {  	[tilespmem:s30], [sflag:$0x5] =	stream.indirect.gather [hbm4b:s3+s22], $0x40, s8, s22, $0xb8;
	[tilespmem:$0x1A400] =	vst v63  }
0xe7: {  	s9 =	simm.s32 $0x14400  }
0xe8: {  	[tilespmem:s31], [sflag:$0x5] =	stream.indirect.gather [hbm4b:s3+s22], $0x40, s9, s22, $0xb8;
	[tilespmem:$0x1A400] =	vst v63  }
0xe9: {  	s12 =	simm.s32 $0x14480  }
0xea: {  	[tilespmem:s0], [sflag:$0x5] =	stream.indirect.gather [hbm4b:s3+s22], $0x40, s12, s22, $0xb8;
	[tilespmem:$0x1A400] =	vst v63  }
0xeb: {  	_ =	swait.ge [sflag:s28], $0x2000  }
0xec: {  	[sflag:s28] =	ssyncset.done $0x0  }
0xed: {  	[sflag:s28] =	ssyncadd.s32 $0xFFFFE000  }
0xee: {  	_ =	swait.ge [sflag:s28], $0x2000  }
0xef: {  	[sflag:s28] =	ssyncset.done $0x0  }
0xf0: {  	[sflag:s28] =	ssyncadd.s32 $0xFFFFE000  }
0xf1: {  	_ =	swait.ge [sflag:s28], $0x2000  }
0xf2: {  	[sflag:s28] =	ssyncset.done $0x0  }
0xf3: {  	[sflag:s28] =	ssyncadd.s32 $0xFFFFE000  }
0xf4: {  	_ =	swait.ge [sflag:s28], $0x2000  }
0xf5: {  	[sflag:s28] =	ssyncset.done $0x0  }
0xf6: {  	[sflag:s28] =	ssyncadd.s32 $0xFFFFE000  }
0xf7: {  	_ =	swait.ge [sflag:s28], $0x2000  }
0xf8: {  	[sflag:s28] =	ssyncset.done $0x0  }
0xf9: {  	[sflag:s28] =	ssyncadd.s32 $0xFFFFE000  }
0xfa: {  	[hbm4b:s15+s2] =	stream.linear.scatter [tilespmem:s17], [sflag:$0x4], $0xA000, $0x38;
	[tilespmem:$0x1A400] =	vst v63  }
0xfb: {  	_ =	swait.ge [sflag:s19], $0xA000  }
0xfc: {  	[sflag:s19] =	ssyncset.done $0x0  }
0xfd: {  	s5 =	simm.s32 $0x14500;
	[sflag:s19] =	ssyncadd.s32 $0xFFFF6000  }
0xfe: {  	[tilespmem:s2], [sflag:$0x5] =	stream.indirect.gather [hbm4b:s3+s22], $0x40, s5, s22, $0xb8;
	[tilespmem:$0x1A400] =	vst v63  }
0xff: {  	s6 =	simm.s32 $0x14580  }
0x100: {  	[tilespmem:s23], [sflag:$0x5] =	stream.indirect.gather [hbm4b:s3+s22], $0x40, s6, s22, $0xb8;
	[tilespmem:$0x1A400] =	vst v63  }
0x101: {  	s8 =	simm.s32 $0x14600  }
0x102: {  	[tilespmem:s24], [sflag:$0x5] =	stream.indirect.gather [hbm4b:s3+s22], $0x40, s8, s22, $0xb8;
	[tilespmem:$0x1A400] =	vst v63  }
0x103: {  	s9 =	simm.s32 $0x14680  }
0x104: {  	[tilespmem:s25], [sflag:$0x5] =	stream.indirect.gather [hbm4b:s3+s22], $0x40, s9, s22, $0xb8;
	[tilespmem:$0x1A400] =	vst v63  }
0x105: {  	s12 =	simm.s32 $0x14700  }
0x106: {  	[tilespmem:s26], [sflag:$0x5] =	stream.indirect.gather [hbm4b:s3+s22], $0x40, s12, s22, $0xb8;
	[tilespmem:$0x1A400] =	vst v63  }
0x107: {  	_ =	swait.ge [sflag:s28], $0x2000  }
0x108: {  	[sflag:s28] =	ssyncset.done $0x0  }
0x109: {  	[sflag:s28] =	ssyncadd.s32 $0xFFFFE000  }
0x10a: {  	_ =	swait.ge [sflag:s28], $0x2000  }
0x10b: {  	[sflag:s28] =	ssyncset.done $0x0  }
0x10c: {  	[sflag:s28] =	ssyncadd.s32 $0xFFFFE000  }
0x10d: {  	_ =	swait.ge [sflag:s28], $0x2000  }
0x10e: {  	[sflag:s28] =	ssyncset.done $0x0  }
0x10f: {  	[sflag:s28] =	ssyncadd.s32 $0xFFFFE000  }
0x110: {  	_ =	swait.ge [sflag:s28], $0x2000  }
0x111: {  	[sflag:s28] =	ssyncset.done $0x0  }
0x112: {  	[sflag:s28] =	ssyncadd.s32 $0xFFFFE000  }
0x113: {  	_ =	swait.ge [sflag:s28], $0x2000  }
0x114: {  	[sflag:s28] =	ssyncset.done $0x0  }
0x115: {  	[sflag:s28] =	ssyncadd.s32 $0xFFFFE000  }
0x116: {  	[hbm4b:s13+s2] =	stream.linear.scatter [tilespmem:s2], [sflag:$0x3], $0xA000, $0x38;
	[tilespmem:$0x1A400] =	vst v63  }
0x117: {  	_ =	swait.ge [sflag:s20], $0xA000  }
0x118: {  	[sflag:s20] =	ssyncset.done $0x0  }
0x119: {  	s5 =	simm.s32 $0x14780;
	[sflag:s20] =	ssyncadd.s32 $0xFFFF6000  }
0x11a: {  	[tilespmem:s17], [sflag:$0x5] =	stream.indirect.gather [hbm4b:s3+s22], $0x40, s5, s22, $0xb8;
	[tilespmem:$0x1A400] =	vst v63  }
0x11b: {  	s6 =	simm.s32 $0x14800  }
0x11c: {  	[tilespmem:s29], [sflag:$0x5] =	stream.indirect.gather [hbm4b:s3+s22], $0x40, s6, s22, $0xb8;
	[tilespmem:$0x1A400] =	vst v63  }
0x11d: {  	s8 =	simm.s32 $0x14880  }
0x11e: {  	[tilespmem:s30], [sflag:$0x5] =	stream.indirect.gather [hbm4b:s3+s22], $0x40, s8, s22, $0xb8;
	[tilespmem:$0x1A400] =	vst v63  }
0x11f: {  	s9 =	simm.s32 $0x14900  }
0x120: {  	[tilespmem:s31], [sflag:$0x5] =	stream.indirect.gather [hbm4b:s3+s22], $0x40, s9, s22, $0xb8;
	[tilespmem:$0x1A400] =	vst v63  }
0x121: {  	s12 =	simm.s32 $0x14980  }
0x122: {  	[tilespmem:s0], [sflag:$0x5] =	stream.indirect.gather [hbm4b:s3+s22], $0x40, s12, s22, $0xb8;
	[tilespmem:$0x1A400] =	vst v63  }
0x123: {  	_ =	swait.ge [sflag:s28], $0x2000  }
0x124: {  	[sflag:s28] =	ssyncset.done $0x0  }
0x125: {  	[sflag:s28] =	ssyncadd.s32 $0xFFFFE000  }
0x126: {  	_ =	swait.ge [sflag:s28], $0x2000  }
0x127: {  	[sflag:s28] =	ssyncset.done $0x0  }
0x128: {  	[sflag:s28] =	ssyncadd.s32 $0xFFFFE000  }
0x129: {  	_ =	swait.ge [sflag:s28], $0x2000  }
0x12a: {  	[sflag:s28] =	ssyncset.done $0x0  }
0x12b: {  	[sflag:s28] =	ssyncadd.s32 $0xFFFFE000  }
0x12c: {  	_ =	swait.ge [sflag:s28], $0x2000  }
0x12d: {  	[sflag:s28] =	ssyncset.done $0x0  }
0x12e: {  	[sflag:s28] =	ssyncadd.s32 $0xFFFFE000  }
0x12f: {  	_ =	swait.ge [sflag:s28], $0x2000  }
0x130: {  	s4 =	simm.s32 $0x1400;
	s5 =	sadd.s32 $0x2800, s7;
	[sflag:s28] =	ssyncset.done $0x0  }
0x131: {  	s6 =	sadd.s32 $0x2800, s13;
	s12 =	smov.u32 s7;
	[sflag:s28] =	ssyncadd.s32 $0xFFFFE000  }
.LBB2_2:
0x132: {  	[hbm4b:s12+s2] =	stream.linear.scatter [tilespmem:s17], [sflag:$0x4], $0xA000, $0x38;
	[tilespmem:$0x1A400] =	vst v63  }
0x133: {  	s8 =	smov.u32 s4;
	s12 =	smov.u32 s5  }
0x134: {  	p1 =	sne.s32 s4, $0x16800;
	s4 =	sadd.s32 $0x1400, s4;
	_ =	swait.ge [sflag:s19], $0xA000  }
0x135: {  	s8 =	sshra.s32 s8, $0x2;
	[sflag:s19] =	ssyncset.done $0x0  }
0x136: {  	s9 =	sadd.s32 $0x14500, s8;
	[sflag:s19] =	ssyncadd.s32 $0xFFFF6000  }
0x137: {  	[tilespmem:s2], [sflag:$0x5] =	stream.indirect.gather [hbm4b:s3+s22], $0x40, s9, s22, $0xb8;
	[tilespmem:$0x1A400] =	vst v63  }
0x138: {  	s9 =	sadd.s32 $0x14580, s8  }
0x139: {  	[tilespmem:s23], [sflag:$0x5] =	stream.indirect.gather [hbm4b:s3+s22], $0x40, s9, s22, $0xb8;
	[tilespmem:$0x1A400] =	vst v63  }
0x13a: {  	s9 =	sadd.s32 $0x14600, s8  }
0x13b: {  	[tilespmem:s24], [sflag:$0x5] =	stream.indirect.gather [hbm4b:s3+s22], $0x40, s9, s22, $0xb8;
	[tilespmem:$0x1A400] =	vst v63  }
0x13c: {  	s9 =	sadd.s32 $0x14680, s8  }
0x13d: {  	[tilespmem:s25], [sflag:$0x5] =	stream.indirect.gather [hbm4b:s3+s22], $0x40, s9, s22, $0xb8;
	[tilespmem:$0x1A400] =	vst v63  }
0x13e: {  	s9 =	sadd.s32 $0x14700, s8  }
0x13f: {  	[tilespmem:s26], [sflag:$0x5] =	stream.indirect.gather [hbm4b:s3+s22], $0x40, s9, s22, $0xb8;
	[tilespmem:$0x1A400] =	vst v63  }
0x140: {  	_ =	swait.ge [sflag:s28], $0x2000  }
0x141: {  	[sflag:s28] =	ssyncset.done $0x0  }
0x142: {  	[sflag:s28] =	ssyncadd.s32 $0xFFFFE000  }
0x143: {  	_ =	swait.ge [sflag:s28], $0x2000  }
0x144: {  	[sflag:s28] =	ssyncset.done $0x0  }
0x145: {  	[sflag:s28] =	ssyncadd.s32 $0xFFFFE000  }
0x146: {  	_ =	swait.ge [sflag:s28], $0x2000  }
0x147: {  	[sflag:s28] =	ssyncset.done $0x0  }
0x148: {  	[sflag:s28] =	ssyncadd.s32 $0xFFFFE000  }
0x149: {  	_ =	swait.ge [sflag:s28], $0x2000  }
0x14a: {  	[sflag:s28] =	ssyncset.done $0x0  }
0x14b: {  	[sflag:s28] =	ssyncadd.s32 $0xFFFFE000  }
0x14c: {  	_ =	swait.ge [sflag:s28], $0x2000  }
0x14d: {  	[sflag:s28] =	ssyncset.done $0x0  }
0x14e: {  	[sflag:s28] =	ssyncadd.s32 $0xFFFFE000  }
0x14f: {  	[hbm4b:s6+s2] =	stream.linear.scatter [tilespmem:s2], [sflag:$0x3], $0xA000, $0x38;
	[tilespmem:$0x1A400] =	vst v63  }
0x150: {  	_ =	swait.ge [sflag:s20], $0xA000  }
0x151: {  	[sflag:s20] =	ssyncset.done $0x0  }
0x152: {  	s9 =	sadd.s32 $0x14780, s8;
	[sflag:s20] =	ssyncadd.s32 $0xFFFF6000  }
0x153: {  	[tilespmem:s17], [sflag:$0x5] =	stream.indirect.gather [hbm4b:s3+s22], $0x40, s9, s22, $0xb8;
	[tilespmem:$0x1A400] =	vst v63  }
0x154: {  	s9 =	sadd.s32 $0x14800, s8  }
0x155: {  	[tilespmem:s29], [sflag:$0x5] =	stream.indirect.gather [hbm4b:s3+s22], $0x40, s9, s22, $0xb8;
	[tilespmem:$0x1A400] =	vst v63  }
0x156: {  	s9 =	sadd.s32 $0x14880, s8  }
0x157: {  	[tilespmem:s30], [sflag:$0x5] =	stream.indirect.gather [hbm4b:s3+s22], $0x40, s9, s22, $0xb8;
	[tilespmem:$0x1A400] =	vst v63  }
0x158: {  	s9 =	sadd.s32 $0x14900, s8  }
0x159: {  	[tilespmem:s31], [sflag:$0x5] =	stream.indirect.gather [hbm4b:s3+s22], $0x40, s9, s22, $0xb8;
	[tilespmem:$0x1A400] =	vst v63  }
0x15a: {  	s8 =	sadd.s32 $0x14980, s8  }
0x15b: {  	[tilespmem:s0], [sflag:$0x5] =	stream.indirect.gather [hbm4b:s3+s22], $0x40, s8, s22, $0xb8;
	[tilespmem:$0x1A400] =	vst v63  }
0x15c: {  	_ =	swait.ge [sflag:s28], $0x2000  }
0x15d: {  	[sflag:s28] =	ssyncset.done $0x0  }
0x15e: {  	[sflag:s28] =	ssyncadd.s32 $0xFFFFE000  }
0x15f: {  	_ =	swait.ge [sflag:s28], $0x2000  }
0x160: {  	[sflag:s28] =	ssyncset.done $0x0  }
0x161: {  	[sflag:s28] =	ssyncadd.s32 $0xFFFFE000  }
0x162: {  	_ =	swait.ge [sflag:s28], $0x2000  }
0x163: {  	[sflag:s28] =	ssyncset.done $0x0  }
0x164: {  	[sflag:s28] =	ssyncadd.s32 $0xFFFFE000  }
0x165: {  	_ =	swait.ge [sflag:s28], $0x2000  }
.Ltmp0:
0x166: {  	[sflag:s28] =	ssyncset.done $0x0;
	(pc) =	sbr.rel @p1 .LBB2_2-.Ltmp0, $4  }
0x167: {  	[sflag:s28] =	ssyncadd.s32 $0xFFFFE000  }
0x168: {  	_ =	swait.ge [sflag:s28], $0x2000  }
0x169: {  	[sflag:s28] =	ssyncset.done $0x0  }
0x16a: {  	s5 =	sadd.s32 $0x2800, s5;
	s6 =	sadd.s32 $0x2800, s6;
	[sflag:s28] =	ssyncadd.s32 $0xFFFFE000  }
0x16b: {  	[hbm4b:s12+s2] =	stream.linear.scatter [tilespmem:s17], [sflag:$0x4], $0xA000, $0x38;
	[tilespmem:$0x1A400] =	vst v63  }
0x16c: {  	s1 =	sadd.s32 $0x1, s1  }
0x16d: {  	_ =	swait.ge [sflag:s19], $0xA000;
	p1 =	sne.s32 s1, s11  }
.Ltmp1:
0x16e: {  	[sflag:s19] =	ssyncset.done $0x0;
	(pc) =	sbr.rel @p1 .LBB2_1-.Ltmp1, $4  }
0x16f: {  	[sflag:s19] =	ssyncadd.s32 $0xFFFF6000  }
0x170: {  	_ =	swait.ge [sflag:s20], $0xA000  }
0x171: {  	[sflag:s20] =	ssyncset.done $0x0  }
0x172: {  	[sflag:s20] =	ssyncadd.s32 $0xFFFF6000  }
0x173: {  	_ =	sfence.sel $0x180000  }
0x174: {  	[bflag:$0x0] =	sbarrier.arrive $0xFFFF  }
0x175: {  	_ =	strace $0x90000047  }
0x176: {  	s0 =	stileid.u32;
	[bflag:$0x2] =	sbarrier.arrive $0xFFFF  }
0x177: {  	p0 =	sne.s32 s0, $0x0;
	s0 =	rddreg [dreg:$0x2]  }
0x178: {  	s0 =	sadd.s32 @!p0 $0x100000, s0  }
0x179: {  	[sflag:s0] =	ssyncadd.tile.s32 @!p0 $0x1;
	_ =	shalt  }
.Lfunc_end2:
_tile_overlayer_lowered:
.L_overlay_start_2:
0x17a: {  	(tag) =	ssettag $0x2  }
0x17b: {  	s0 =	rddreg [dreg:$0x0];
	s2 =	stileid.u32  }
0x17c: {  	s1 =	rddreg [dreg:$0x1];
	p0 =	sne.s32 s2, $0x0  }
0x17d: {  	s3 =	rddreg [dreg:$0x2];
	[bflag:$0x3] =	sbarrier.arrive $0xFFFF;
	s2 =	simm.s32 @!p0 $0x1C06  }
0x17e: {  	[timem:s3], [sflag:s2] =	dma.local @!p0 [hbm:s0], s1  }
0x17f: {  	s0 =	simm.s32 @!p0 $0x6  }
0x180: {  	_ =	swait.ge @!p0 [sflag:s0], s1  }
0x181: {  	s1 =	ssub.s32 @!p0 $0x0, s1;
	[sflag:s0] =	ssyncset.done @!p0 $0x0  }
0x182: {  	[sflag:s0] =	ssyncadd.s32 @!p0 s1  }
0x183: {  	[bflag:$0x3] =	sbarrier.arrive $0xFFFF  }
0x184: {  	_ =	shalt  }

// kernel: sparse-core-data-format-call.cloned.1.call-start
scs
called_computation_lowered:
.L_overlay_start_0:
0x0: {  	s2 =	sld [smem:$0x3FD9]  }
0x1: {  	s3 =	sld [smem:$0x3FFE];
	_ =	sdelay $0x1  }
0x2: {  	s1 =	srdreg.scid  }
0x3: {  	s0 =	sand.u32 $0x1, s1  }
0x4: {  	s18 =	sshll.u32 s0, $0xA;
	s2 =	sadd.s32 s3, s2  }
0x5: {  	s2 =	sadd.s32 s2, s18  }
0x6: {  	[smem:$0x3FC5] =	sst s2  }
0x7: {  	_ = 	snop  }
0x8: {  	s2 =	sld [smem:$0x3FD0];
	(tm) =	ssettm $0x1  }
0x9: {  	s19 =	sld [smem:$0x3FFB];
	_ =	sdelay $0x3  }
0xa: {  	_ =	strace s19  }
0xb: {  	s3 =	sld [smem:$0x3FFC];
	_ =	sdelay $0x3  }
0xc: {  	_ =	strace s3  }
0xd: {  	s3 =	sld [smem:$0x3FFD];
	_ =	sdelay $0x3  }
0xe: {  	_ =	strace s3  }
0xf: {  	_ =	strace $0x8FFFFFFF  }
0x10: {  	s20 =	sld [smem:$0x3FDB];
	_ =	sdelay $0x1  }
0x11: {  	s4 =	simm.s32 $_scs_section_size  }
0x12: {  	s5 =	simm.s32 $_size__tile_overlayer_lowered;
	s6 =	simm.s32 $_tile_overlayer_lowered  }
0x13: {  	s23 =	simm.s32 $0x1BFF;
	s22 =	sshll.u32 s6, $0x1;
	s3 =	sadd.s32 s4, s20  }
0x14: {  	s7 =	simm.s32 $0x0;
	s21 =	sshll.u32 s5, $0x1;
	s5 =	sadd.s32 s22, s3  }
0x15: {  	[timem:s7], [sflag:s23] =	dma.local [hbm:s5], s21  }
0x16: {  	_ =	swait.ge [sflag:s23], s21  }
0x17: {  	s4 =	ssub.s32 $0x0, s21;
	[sflag:s23] =	ssyncset.done $0x0  }
0x18: {  	[sflag:s23] =	ssyncadd.s32 s4;
	_ =	sdelay $0x1  }
0x19: {  	s24 =	simm.s32 $0x1B8B  }
0x1a: {  	_ =	swait.ge [sflag:s24], $0x1  }
0x1b: {  	[sflag:s24] =	ssyncset.done $0x0  }
0x1c: {  	s26 =	simm.s32 $0x1B8E;
	s25 =	sld [smem:$0x3FFE];
	[sflag:s24] =	ssyncadd.s32 $0xFFFFFFFF  }
0x1d: {  	s27 =	simm.s32 $execute0_lowered;
	[smem:$0x3FD2] =	sst s26  }
0x1e: {  	s5 =	sshll.u32 s27, $0x1;
	_ =	strace $0x80000049;
	[dreg:$0x1] =	wrdreg $0xFFFFFFFF  }
0x1f: {  	s28 =	simm.s32 $_size_execute0_lowered;
	s3 =	sadd.s32 s3, s5;
	[dreg:$0x0] =	wrdreg $0x0  }
0x20: {  	s5 =	sshll.u32 s28, $0x1;
	[dreg:$0x2] =	wrdreg s3  }
0x21: {  	[dreg:$0x3] =	wrdreg s5  }
0x22: {  	[dreg:$0x4] =	wrdreg $0xC0  }
0x23: {  	_ =	task [dreg:s7], $0x5FFFF  }
0x24: {  	[dreg:$0x1] =	wrdreg $0xFFFFFFFF  }
0x25: {  	[dreg:$0x0] =	wrdreg $0x60  }
0x26: {  	[dreg:$0x2] =	wrdreg s25  }
0x27: {  	[dreg:$0x3] =	wrdreg s2  }
0x28: {  	[dreg:$0x4] =	wrdreg $0x9  }
0x29: {  	_ =	task.clear_ibuf [dreg:s7], $0x5FFFF;
	_ =	strace $0x90000049  }
0x2a: {  	s29 =	simm.s32 $0x9;
	_ =	strace $0x8000004B  }
0x2b: {  	_ =	swait.ge [sflag:s29], $0x1  }
0x2c: {  	[sflag:s29] =	ssyncadd.s32 $0xFFFFFFFF  }
0x2d: {  	_ =	strace $0x9000004B  }
0x2e: {  	_ =	sfence  }
0x2f: {  	s30 =	sld [smem:$0x0];
	_ =	sdelay $0x2  }
0x30: {  	s31 =	sshll.u32 s1, $0xD;
	s1 =	sshrl.u32 s1, $0x2  }
0x31: {  	s3 =	sand.u32 $0x4000, s31;
	s1 =	sadd.s32 s1, s30  }
0x32: {  	s0 =	sor.u32 s3, s0;
	s1 =	sshll.u32 s1, $0x11  }
0x33: {  	s0 =	sor.u32 s1, s0  }
0x34: {  	s0 =	sadd.s32 $0x8F2B, s0  }
0x35: {  	[sflag:s0] =	ssyncadd.remote.s32 $0x1  }
0x36: {  	_ =	sfence.sel $0xFFFF  }
0x37: {  	[dreg:$0x0] =	wrdreg $0xFFFFFFFF;
	(pc) =	sbr.abs _section_cstart, $3  }
0x38: {  	[dreg:$0x1] =	wrdreg $0xFFFFFFFF  }
0x39: {  	_ =	task.clear_ibuf [dreg:s7], $0x2FFFF;
	_ =	strace $0x9FFFFFFF  }
0x3a: {  	(tm) =	ssettm $0x7FFFFFFF  }
0x3b: {  	_ =	shalt  }
tec
execute0_lowered:
.L_overlay_start_1:
0x0: {  	(tag) =	ssettag $0x1  }
0x1: {  	s0 =	srdreg.scid  }
0x2: {  	s1 =	sshll.u32 s0, $0x4  }
0x3: {  	s0 =	stileid.u32;
	s1 =	sand.u32 $0x10, s1  }
0x4: {  	s1 =	sor.u32 s0, s1  }
0x5: {  	s6 =	rddreg [dreg:$0x0];
	s4 =	simm.s32 $0x1;
	s2 =	sshll.u32 s1, $0x7  }
0x6: {  	s7 =	simm.s32 $0x2;
	s12 =	simm.s32 $0x0;
	s1 =	ssub.s32 $0x1000, s2  }
0x7: {  	s8 =	simm.s32 $0x8000;
	s13 =	simm.s32 $0x0;
	s3 =	sand.u32 $0xF80, s1  }
0x8: {  	s9 =	simm.s32 $0x0;
	s5 =	sshrl.u32 s1, $0xC;
	p0 =	sne.s32 s3, $0x0  }
.Ltmp0:
0x9: {  	s1 =	rddreg [dreg:$0x2];
	s4 =	simm.s32 @!p0 $0x0;
	(pc) =	sbr.rel .LBB1_1-.Ltmp0, $4  }
0xa: {  	s11 =	simm.s32 $0x0;
	s3 =	rddreg [dreg:$0x1];
	s5 =	sadd.s32 s4, s5  }
0xb: {  	_ =	strace $0x8000004A;
	s4 =	simm.s32 $0x1;
	s5 =	smul.u32 $0xC8, s5  }
0xc: {  	s6 =	sadd.s32 $0xC00, s6;
	s10 =	smov.u32 s2;
	[sflag:s4] =	ssyncpa.u1 $0x0  }
0xd: {  	p0 =	por $0x0, $0x0;
	[sflag:s7] =	ssyncpa.u1 $0x0;
	s7 =	sor.u32 $0x1, s5  }
.LBB1_4:
0xe: {  	s16 =	sshll.u32 s13, $0x3;
	s17 =	sand.u32 $0x78, s13  }
0xf: {  	s30 =	sand.u32 $0x7E00, s13;
	s12 =	sshll.u32 s12, $0xF;
	s16 =	sand.u32 $0xC00, s16  }
0x10: {  	[tilespmem:s15+$0x810 ss:$0x81] =	vst.msk $0xffff, v2;
	s31 =	sand.u32 $0x7, s13;
	s16 =	sor.u32 s17, s16;
	s17 =	sadd.s32 s3, s30  }
0x11: {  	[tilespmem:s15+$0x1020 ss:$0x81] =	vst.msk $0xffff, v0;
	s13 =	sshll.u32 s31, $0x12;
	s12 =	sadd.s32 s12, s17;
	s16 =	sshrl.u32 s16, $0x3  }
0x12: {  	[tilespmem:s15+$0x0 ss:$0x81] =	vst.msk $0xffff, v1;
	s13 =	sor.u32 $0x400, s13;
	s12 =	sadd.s32 s16, s12  }
0x13: {  	[hbm4b:s12+s13] =	stream.strided.scatter [tilespmem:s14], [sflag:$0x2], $0x2000, s8, s13, $0x20;
	[tilespmem:$0x8080] =	vst v63  }
.LBB1_5:
0x14: {  	s14 =	sadd.s32 $0x1, s9  }
0x15: {  	s12 =	sadd.s32 $0x1000, s10;
	s16 =	smov.u32 s10;
	p2 =	sgt.s32 s14, $0xC7  }
0x16: {  	s16 =	smov.u32 @p2 s12  }
0x17: {  	s14 =	simm.s32 @p2 $0x0;
	p2 =	sgt.s32 s16, $0xFFF  }
0x18: {  	s16 =	smov.u32 @p2 s2;
	p2 =	sne.s32 s11, s7  }
.Ltmp1:
0x19: {  	p1 =	slt.u32 s11, $0x2;
	(pc) =	sbr.rel @!p2 .LBB1_6-.Ltmp1, $4  }
0x1a: {  	s15 =	simm.s32 @!p1 $0x2  }
0x1b: {  	s13 =	smov.u32 s10;
	p0 =	por !p0, !p0;
	_ =	swait.ge @!p1 [sflag:s15], $0x2000  }
0x1c: {  	s12 =	smov.u32 s9;
	[sflag:s15] =	ssyncset.done @!p1 $0x0;
	s9 =	smov.u32 s14  }
0x1d: {  	s11 =	sadd.s32 $0x1, s11;
	[sflag:s15] =	ssyncadd.s32 @!p1 $0xFFFFE000;
	s10 =	smov.u32 s16  }
.LBB1_1:
0x1e: {  	p1 =	sge.u32 s11, s5  }
0x1f: {  	s14 =	sand.u32 @!p1 $0x1FFFFFF, s9  }
0x20: {  	s15 =	smulhi.u32 @!p1 $0x147AE15, s14;
	_ =	sdelay $0x1  }
0x21: {  	s15 =	smul.u32 @!p1 $0xC8, s15  }
0x22: {  	s16 =	sxor.u32 @!p1 $0xFFFFFFFF, s11;
	s17 =	smul.u32 @!p1 $0xC80, s10  }
0x23: {  	s31 =	sadd.s32 $0xFFFFFFFF, s11;
	s16 =	sshll.u32 @!p1 s16, $0xD;
	s14 =	ssub.s32 @!p1 s14, s15  }
0x24: {  	s15 =	sand.u32 @!p1 $0x2000, s16;
	s16 =	sadd.s32 @!p1 s6, s17;
	s14 =	sshll.u32 @!p1 s14, $0x4  }
0x25: {  	s17 =	simm.s32 @!p1 $0x6400;
	s14 =	sadd.s32 @!p1 s14, s16;
	s16 =	simm.s32 @!p1 $0x40  }
0x26: {  	[tilespmem:s15], [sflag:$0x1] =	stream.strided.gather @!p1 [hbm4b:s14+s16], $0x2000, s17, s16, $0x38;
	[tilespmem:$0x8080] =	vst v63  }
0x27: {  	p1 =	sge.u32 s31, s5  }
.Ltmp2:
0x28: {  	_ = 	snop;
	(pc) =	sbr.rel @p1 .LBB1_5-.Ltmp2, $1  }
0x29: {  	_ =	sdelay $0x3  }
0x2a: {  	s14 =	simm.s32 $0x1  }
0x2b: {  	_ =	swait.ge [sflag:s4], $0x2000;
	s14 =	simm.s32 @!p0 $0x0  }
0x2c: {  	[sflag:s4] =	ssyncset.done $0x0;
	s15 =	sshll.u32 s14, $0xD  }
0x2d: {  	[sflag:s4] =	ssyncadd.s32 $0xFFFFE000;
	s18 =	sor.u32 $0x20, s15  }
0x2e: {  	s14 =	smul.u32 $0x8100, s14;
	v3 =	vld [tilespmem:s18+$0x10]  }
0x2f: {  	s30 =	sand.u32 $0x1, s11;
	v2 =	vld [tilespmem:s18+$0xFFFFFFF0]  }
0x30: {  	s15 =	smul.u32 $0x8100, s30;
	s14 =	sshrl.u32 s14, $0x2;
	v0 =	vld [tilespmem:s18+$0x0]  }
0x31: {  	v1 =	vld [tilespmem:s18+$0xFFFFFFE0];
	s16 =	sor.u32 $0x4000, s14  }
0x32: {  	s31 =	sshrl.u32 s15, $0x2;
	s15 =	sadd.s32 $0x0, s16  }
0x33: {  	s17 =	simm.s32 $0x4;
	s18 =	sadd.s32 $0x40, s18;
	s14 =	sor.u32 $0x4000, s31;
	[tilespmem:s15+$0x1830 ss:$0x81] =	vst.msk $0xffff, v3  }
.LBB1_3:
0x34: {  	v3 =	vld [tilespmem:s18+$0x10];
	p1 =	sne.s32 s17, $0x1FC;
	[tilespmem:s15+$0x810 ss:$0x81] =	vst.msk $0xffff, v2;
	s19 =	smov.u32 s17;
	s17 =	sadd.s32 $0x4, s17  }
.Ltmp3:
0x35: {  	v2 =	vld [tilespmem:s18+$0xFFFFFFF0];
	[tilespmem:s15+$0x1020 ss:$0x81] =	vst.msk $0xffff, v0;
	(pc) =	sbr.rel @p1 .LBB1_3-.Ltmp3, $4  }
0x36: {  	v0 =	vld [tilespmem:s18+$0x0];
	[tilespmem:s15+$0x0 ss:$0x81] =	vst.msk $0xffff, v1  }
0x37: {  	s15 =	sshra.s32 s19, $0x2;
	v1 =	vld [tilespmem:s18+$0xFFFFFFE0]  }
0x38: {  	s15 =	sadd.s32 s15, s16  }
0x39: {  	s18 =	sadd.s32 $0x40, s18;
	[tilespmem:s15+$0x1830 ss:$0x81] =	vst.msk $0xffff, v3  }
.Ltmp4:
0x3a: {  	_ = 	snop;
	(pc) =	sbr.rel .LBB1_4-.Ltmp4, $1  }
0x3b: {  	_ =	sdelay $0x3  }
.LBB1_6:
0x3c: {  	_ =	sfence.sel $0x180000  }
0x3d: {  	s2 =	simm.s32 $0x1;
	[bflag:$0x0] =	sbarrier.arrive $0xFFFF  }
0x3e: {  	s31 =	simm.s32 $0x2;
	[sflag:s2] =	ssyncpa.u1 $0x1  }
0x3f: {  	[sflag:s31] =	ssyncpa.u1 $0x1  }
0x40: {  	p0 =	sne.s32 s0, $0x0;
	_ =	strace $0x9000004A  }
0x41: {  	s0 =	sadd.s32 @!p0 $0x100000, s1;
	[bflag:$0x2] =	sbarrier.arrive $0xFFFF  }
0x42: {  	[sflag:s0] =	ssyncadd.tile.s32 @!p0 $0x1;
	_ =	shalt  }
.Lfunc_end1:
_tile_overlayer_lowered:
.L_overlay_start_2:
0x43: {  	(tag) =	ssettag $0x2  }
0x44: {  	s0 =	rddreg [dreg:$0x0];
	s2 =	stileid.u32  }
0x45: {  	s1 =	rddreg [dreg:$0x1];
	p0 =	sne.s32 s2, $0x0  }
0x46: {  	s3 =	rddreg [dreg:$0x2];
	[bflag:$0x3] =	sbarrier.arrive $0xFFFF;
	s2 =	simm.s32 @!p0 $0x1C01  }
0x47: {  	[timem:s3], [sflag:s2] =	dma.local @!p0 [hbm:s0], s1  }
0x48: {  	s0 =	simm.s32 @!p0 $0x1  }
0x49: {  	_ =	swait.ge @!p0 [sflag:s0], s1  }
0x4a: {  	s1 =	ssub.s32 @!p0 $0x0, s1;
	[sflag:s0] =	ssyncset.done @!p0 $0x0  }
0x4b: {  	[sflag:s0] =	ssyncadd.s32 @!p0 s1  }
0x4c: {  	[bflag:$0x3] =	sbarrier.arrive $0xFFFF  }
0x4d: {  	_ =	shalt  }

</sc_bundles>
